<compile_context>
chip_gen: v7x
topology: tpu7x:2x2x1
jax: 0.10.2.dev20260603
libtpu: 0.0.44.dev20260713+nightly
codegen_flags: <defaults>
</compile_context>

<pallas_src>
import functools

import jax
import jax.numpy as jnp
from jax import lax
from jax.experimental import pallas as pl
from jax.experimental.pallas import tpu as pltpu
from jax.experimental.pallas import tpu_sc as plsc

N = 10000
E = 320000
IN_FEATS = 128
HIDDEN = 32
HEADS = 4
NUM_CLASSES = 16

CHUNK = 3200
GPC = CHUNK // 16

_SC_MESH = plsc.VectorSubcoreMesh(core_axis_name="c", subcore_axis_name="s")
_SC_PARAMS = pltpu.CompilerParams(needs_layout_passes=False)



def _tc1_body(x_ref, w1_ref, a1_ref, featT_ref, eler_ref):
    featT = lax.dot_general(w1_ref[...], x_ref[...],
                            (((0,), (1,)), ((), ())),
                            preferred_element_type=jnp.float32)
    featT_ref[...] = featT
    eler_ref[...] = jnp.dot(a1_ref[...], featT,
                            preferred_element_type=jnp.float32)


def _tc2_body(xaggT_ref, b1_ref, w2_ref, a2_ref, featT2_ref, eler2_ref):
    x2 = jnp.maximum(xaggT_ref[...] + b1_ref[...], 0.0)
    featT2 = lax.dot_general(w2_ref[...], x2,
                             (((0,), (0,)), ((), ())),
                             preferred_element_type=jnp.float32)
    featT2_ref[...] = featT2
    eler2_ref[...] = jnp.dot(a2_ref[...], featT2,
                             preferred_element_type=jnp.float32)


def _tc3_body(accP_ref, denP_ref, b2_ref, out_ref):
    acc = accP_ref[0] + accP_ref[1]
    den = denP_ref[0:1, :] + denP_ref[1:2, :]
    out_ref[...] = acc / (den + 1e-9) + b2_ref[...]



def _sc1_body(featT_hbm, eler_hbm, eidx_hbm, xagg_hbm,
              feat_v, acc_v, el_v, er_v, den_v, ibuf, sem0, sem1):
    cid = lax.axis_index("c")
    sid = lax.axis_index("s")
    t = sid * 2 + cid
    h = t // 8

    pltpu.sync_copy(featT_hbm.at[pl.ds(4 * t, 4)], feat_v)
    pltpu.sync_copy(eler_hbm.at[pl.ds(h, 1)], el_v)
    pltpu.sync_copy(eler_hbm.at[pl.ds(4 + h, 1)], er_v)

    z = jnp.zeros((16,), jnp.float32)

    @plsc.parallel_loop(0, N // 16, 1, unroll=4)
    def zero_body(j):
        den_v[pl.ds(j * 16, 16)] = z
        for c in range(4):
            acc_v[c, pl.ds(j * 16, 16)] = z

    nchunks = E // CHUNK
    sems = (sem0, sem1)
    pltpu.async_copy(eidx_hbm.at[:, pl.ds(0, CHUNK)], ibuf.at[0], sem0)
    pltpu.async_copy(eidx_hbm.at[:, pl.ds(CHUNK, CHUNK)], ibuf.at[1], sem1)

    z16 = jnp.zeros((16,), jnp.int32)
    cvecs = [jnp.full((16,), c, jnp.int32) for c in range(4)]

    def grp(b):
        @plsc.parallel_loop(0, GPC, 1, unroll=4)
        def inner(g):
            s16 = ibuf[b, 0, pl.ds(g * 16, 16)]
            d16 = ibuf[b, 1, pl.ds(g * 16, 16)]
            a = plsc.load_gather(el_v, [z16, s16])
            r = plsc.load_gather(er_v, [z16, d16])
            e = a + r
            w = jnp.exp(jnp.maximum(e, 0.2 * e))
            plsc.addupdate_scatter(den_v, [d16], w)
            for c in range(4):
                v = plsc.load_gather(feat_v, [cvecs[c], s16])
                plsc.addupdate_scatter(acc_v, [cvecs[c], d16], v * w)

    def chunk_body(k, _):
        for b in (0, 1):
            ch = 2 * k + b
            pltpu.make_async_copy(
                eidx_hbm.at[:, pl.ds(0, CHUNK)], ibuf.at[b], sems[b]).wait()
            grp(b)
            nxt = jnp.minimum((ch + 2) * CHUNK, E - CHUNK)
            pltpu.async_copy(eidx_hbm.at[:, pl.ds(nxt, CHUNK)],
                             ibuf.at[b], sems[b])
        return 0

    lax.fori_loop(0, nchunks // 2, chunk_body, 0)
    pltpu.make_async_copy(eidx_hbm.at[:, pl.ds(0, CHUNK)], ibuf.at[0], sem0).wait()
    pltpu.make_async_copy(eidx_hbm.at[:, pl.ds(0, CHUNK)], ibuf.at[1], sem1).wait()

    one = jnp.full((16,), 1.0, jnp.float32)
    eps = jnp.full((16,), 1e-9, jnp.float32)

    @plsc.parallel_loop(0, N // 16, 1, unroll=4)
    def div_body(j):
        inv = one / (den_v[pl.ds(j * 16, 16)] + eps)
        for c in range(4):
            acc_v[c, pl.ds(j * 16, 16)] = acc_v[c, pl.ds(j * 16, 16)] * inv
    pltpu.sync_copy(acc_v, xagg_hbm.at[pl.ds(4 * t, 4)])


def _sc2_body(featT2_hbm, eler2_hbm, eidx_hbm, accP_hbm, denP_hbm,
              feat_v, acc_v, el_v, er_v, den_v, ibuf, sem0, sem1):
    cid = lax.axis_index("c")
    sid = lax.axis_index("s")
    col = sid
    shard = cid
    base_e = shard * (E // 2)

    pltpu.sync_copy(featT2_hbm.at[pl.ds(col, 1)], feat_v)
    pltpu.sync_copy(eler2_hbm.at[pl.ds(0, 1)], el_v)
    pltpu.sync_copy(eler2_hbm.at[pl.ds(1, 1)], er_v)

    z = jnp.zeros((16,), jnp.float32)

    @plsc.parallel_loop(0, N // 16, 1, unroll=4)
    def zero_body(j):
        den_v[pl.ds(j * 16, 16)] = z
        acc_v[pl.ds(j * 16, 16)] = z

    nchunks = (E // 2) // CHUNK
    sems = (sem0, sem1)
    pltpu.async_copy(eidx_hbm.at[:, pl.ds(base_e, CHUNK)], ibuf.at[0], sem0)
    pltpu.async_copy(eidx_hbm.at[:, pl.ds(base_e + CHUNK, CHUNK)], ibuf.at[1], sem1)

    is_den_tile = col == 0
    z16 = jnp.zeros((16,), jnp.int32)

    def grp(b):
        @plsc.parallel_loop(0, GPC, 1, unroll=4)
        def inner(g):
            s16 = ibuf[b, 0, pl.ds(g * 16, 16)]
            d16 = ibuf[b, 1, pl.ds(g * 16, 16)]
            a = plsc.load_gather(el_v, [z16, s16])
            r = plsc.load_gather(er_v, [z16, d16])
            e = a + r
            w = jnp.exp(jnp.maximum(e, 0.2 * e))

            @pl.when(is_den_tile)
            def _():
                plsc.addupdate_scatter(den_v, [d16], w)

            v = plsc.load_gather(feat_v, [z16, s16])
            plsc.addupdate_scatter(acc_v, [d16], v * w)

    def chunk_body(k, _):
        for b in (0, 1):
            ch = 2 * k + b
            pltpu.make_async_copy(
                eidx_hbm.at[:, pl.ds(0, CHUNK)], ibuf.at[b], sems[b]).wait()
            grp(b)
            nxt = base_e + jnp.minimum((ch + 2) * CHUNK, E // 2 - CHUNK)
            pltpu.async_copy(eidx_hbm.at[:, pl.ds(nxt, CHUNK)],
                             ibuf.at[b], sems[b])
        return 0

    lax.fori_loop(0, nchunks // 2, chunk_body, 0)
    pltpu.make_async_copy(eidx_hbm.at[:, pl.ds(0, CHUNK)], ibuf.at[0], sem0).wait()
    pltpu.make_async_copy(eidx_hbm.at[:, pl.ds(0, CHUNK)], ibuf.at[1], sem1).wait()

    w2id = shard * 16 + col
    pltpu.sync_copy(acc_v, accP_hbm.at[w2id])

    @pl.when(is_den_tile)
    def _():
        pltpu.sync_copy(den_v, denP_hbm.at[shard])



_sc1 = functools.partial(
    pl.kernel,
    out_type=jax.ShapeDtypeStruct((IN_FEATS, N), jnp.float32),
    mesh=_SC_MESH,
    compiler_params=_SC_PARAMS,
    scratch_types=[
        pltpu.VMEM((4, N), jnp.float32),
        pltpu.VMEM((4, N), jnp.float32),
        pltpu.VMEM((1, N), jnp.float32),
        pltpu.VMEM((1, N), jnp.float32),
        pltpu.VMEM((N,), jnp.float32),
        pltpu.VMEM((2, 2, CHUNK), jnp.int32),
        pltpu.SemaphoreType.DMA,
        pltpu.SemaphoreType.DMA,
    ],
)(_sc1_body)

_sc2 = functools.partial(
    pl.kernel,
    out_type=(jax.ShapeDtypeStruct((32, N), jnp.float32),
              jax.ShapeDtypeStruct((2, N), jnp.float32)),
    mesh=_SC_MESH,
    compiler_params=_SC_PARAMS,
    scratch_types=[
        pltpu.VMEM((1, N), jnp.float32),
        pltpu.VMEM((N,), jnp.float32),
        pltpu.VMEM((1, N), jnp.float32),
        pltpu.VMEM((1, N), jnp.float32),
        pltpu.VMEM((N,), jnp.float32),
        pltpu.VMEM((2, 2, CHUNK), jnp.int32),
        pltpu.SemaphoreType.DMA,
        pltpu.SemaphoreType.DMA,
    ],
)(_sc2_body)

_tc1 = pl.pallas_call(
    _tc1_body,
    out_shape=(jax.ShapeDtypeStruct((IN_FEATS, N), jnp.float32),
               jax.ShapeDtypeStruct((2 * HEADS, N), jnp.float32)),
)

_tc2 = pl.pallas_call(
    _tc2_body,
    out_shape=(jax.ShapeDtypeStruct((NUM_CLASSES, N), jnp.float32),
               jax.ShapeDtypeStruct((8, N), jnp.float32)),
)

_tc3 = pl.pallas_call(
    _tc3_body,
    out_shape=jax.ShapeDtypeStruct((NUM_CLASSES, N), jnp.float32),
)


def kernel(features, edge_index, W1, al1, ar1, b1, W2, al2, ar2, b2):
    eidx = edge_index.astype(jnp.int32)

    a1 = jnp.zeros((2 * HEADS, HEADS * HIDDEN), jnp.float32)
    for hh in range(HEADS):
        a1 = a1.at[hh, hh * HIDDEN:(hh + 1) * HIDDEN].set(al1[hh])
        a1 = a1.at[HEADS + hh, hh * HIDDEN:(hh + 1) * HIDDEN].set(ar1[hh])
    a2 = jnp.zeros((8, NUM_CLASSES), jnp.float32)
    a2 = a2.at[0].set(al2[0])
    a2 = a2.at[1].set(ar2[0])

    featT1, eler1 = _tc1(features, W1, a1)
    xaggT = _sc1(featT1, eler1, eidx)
    featT2, eler2 = _tc2(xaggT, b1.reshape(IN_FEATS, 1), W2, a2)
    accP, denP = _sc2(featT2, eler2, eidx)
    accP = accP.reshape(2, NUM_CLASSES, N)
    outT = _tc3(accP, denP, b2.reshape(NUM_CLASSES, 1))
    return outT.T

# --- scband reference (transcript-rebuilt; emitter-appended) ---
"""Pipeline reference for scband-gatclassifier-75136157876674 (READ-ONLY COPY).

The authoritative reference and input builder live on the scoring server;
editing this copy changes nothing except your own understanding.
"""

import jax, jax.numpy as jnp
import numpy as np

N = 10000
E = 320000
IN_FEATS = 128
HIDDEN = 32
HEADS = 4
NUM_CLASSES = 16


def gat_layer(x, src, dst, W, al, ar, b, n_nodes):
    heads, outf = al.shape
    feat = (x @ W).reshape(-1, heads, outf)          # [N, H, F]
    el = (feat * al[None, :, :]).sum(-1)             # [N, H]
    er = (feat * ar[None, :, :]).sum(-1)             # [N, H]
    e = el[src] + er[dst]                            # [E, H]
    e = jax.nn.leaky_relu(e, 0.2)
    m = jax.ops.segment_max(e, dst, num_segments=n_nodes)
    m = jnp.where(jnp.isfinite(m), m, 0.0)
    ee = jnp.exp(e - m[dst])
    denom = jax.ops.segment_sum(ee, dst, num_segments=n_nodes)
    alpha = ee / (denom[dst] + 1e-9)                 # [E, H]
    msg = feat[src] * alpha[:, :, None]              # [E, H, F]
    out = jax.ops.segment_sum(msg, dst, num_segments=n_nodes)
    out = out + b.reshape(1, heads, outf)
    return out


def setup_inputs(seed: int = 0) -> dict:
    key = jax.random.key(seed)
    ks = jax.random.split(key, 12)
    features = jax.random.normal(ks[0], (N, IN_FEATS), dtype=jnp.float32)
    edge_index = jax.random.randint(ks[1], (2, E), 0, N, dtype=jnp.int64)
    s1 = 1.0 / np.sqrt(IN_FEATS)
    W1 = jax.random.uniform(ks[2], (IN_FEATS, HEADS * HIDDEN), jnp.float32, -s1, s1)
    al1 = jax.random.normal(ks[3], (HEADS, HIDDEN), dtype=jnp.float32) * 0.1
    ar1 = jax.random.normal(ks[4], (HEADS, HIDDEN), dtype=jnp.float32) * 0.1
    b1 = jnp.zeros((HEADS * HIDDEN,), dtype=jnp.float32)
    s2 = 1.0 / np.sqrt(HEADS * HIDDEN)
    W2 = jax.random.uniform(ks[5], (HEADS * HIDDEN, 1 * NUM_CLASSES), jnp.float32, -s2, s2)
    al2 = jax.random.normal(ks[6], (1, NUM_CLASSES), dtype=jnp.float32) * 0.1
    ar2 = jax.random.normal(ks[7], (1, NUM_CLASSES), dtype=jnp.float32) * 0.1
    b2 = jnp.zeros((NUM_CLASSES,), dtype=jnp.float32)
    return {"features": features, "edge_index": edge_index,
            "W1": W1, "al1": al1, "ar1": ar1, "b1": b1,
            "W2": W2, "al2": al2, "ar2": ar2, "b2": b2}


def reference(features, edge_index, W1, al1, ar1, b1, W2, al2, ar2, b2):
    src = edge_index[0]
    dst = edge_index[1]
    h = gat_layer(features, src, dst, W1, al1, ar1, b1, N)   # [N, H, HIDDEN]
    h = jax.nn.relu(h)
    h = h.reshape(h.shape[0], -1)                            # [N, H*HIDDEN]
    h = gat_layer(h, src, dst, W2, al2, ar2, b2, N)          # [N, 1, C]
    return jnp.squeeze(h, axis=1)                            # [N, C]

if __name__ == "__main__":
    import jax
    _d = setup_inputs()
    print(jax.jit(kernel)(*tuple(_d.values())))

</pallas_src>

<mosaic_0001>
#map = affine_map<(d0, d1) -> (0, 0)>
module attributes {stable_mosaic.version = 14 : i64} {
  func.func @_sc2_body(%arg0: i32, %arg1: i32, %arg2: memref<16x10000xf32, #tpu.memory_space<hbm>>, %arg3: memref<8x10000xf32, #tpu.memory_space<hbm>>, %arg4: memref<2x320000xi32, #tpu.memory_space<hbm>>, %arg5: memref<32x10000xf32, #tpu.memory_space<hbm>>, %arg6: memref<2x10000xf32, #tpu.memory_space<hbm>>, %arg7: memref<1x10000xf32, #tpu.memory_space<vmem>>, %arg8: memref<10000xf32, #tpu.memory_space<vmem>>, %arg9: memref<1x10000xf32, #tpu.memory_space<vmem>>, %arg10: memref<1x10000xf32, #tpu.memory_space<vmem>>, %arg11: memref<10000xf32, #tpu.memory_space<vmem>>, %arg12: memref<2x2x3200xi32, #tpu.memory_space<vmem>>, %arg13: memref<!tpu.dma_semaphore, #tpu.memory_space<semaphore_mem>>, %arg14: memref<!tpu.dma_semaphore, #tpu.memory_space<semaphore_mem>>) attributes {dimension_semantics = [#tpu.dimension_semantics<core_parallel>, #tpu.dimension_semantics<subcore_parallel>], iteration_bounds = array<i64: 2, 16>, scalar_prefetch = 0 : i64, scratch_operands = 8 : i64, tpu.core_type = #tpu.core_type<sc_vector_subcore>, window_params = [{transform_indices = #map}, {transform_indices = #map}, {transform_indices = #map}, {transform_indices = #map}, {transform_indices = #map}]} {
    %mul3A = arith.constant 160000 : i32
    %mul3A_0 = arith.muli %arg0, %mul3A : i32
    "tpu.region"() ({
      %run_scoped3A = tpu.sem_alloc : memref<!tpu.dma_semaphore, #tpu.memory_space<semaphore_mem>>
      %dma_start3A_72 = arith.constant 0 : i32
      %dma_start3A_73 = tpu.memref_slice %arg2[%arg1, %dma_start3A_72] : memref<16x10000xf32, #tpu.memory_space<hbm>> -> memref<1x10000xf32, #tpu.memory_space<hbm>>
      %dma_start3A_74 = arith.constant 0 : i32
      %dma_start3A_75 = tpu.memref_slice %arg2[%arg1, %dma_start3A_74] : memref<16x10000xf32, #tpu.memory_space<hbm>> -> memref<1x10000xf32, #tpu.memory_space<hbm>>
      tpu.enqueue_dma source(%dma_start3A_75 : memref<1x10000xf32, #tpu.memory_space<hbm>>) target(%arg7 : memref<1x10000xf32, #tpu.memory_space<vmem>>) target_semaphore(%run_scoped3A : memref<!tpu.dma_semaphore, #tpu.memory_space<semaphore_mem>>)
      %dma_wait3A_76 = arith.constant 0 : i32
      %dma_wait3A_77 = tpu.memref_slice %arg2[%arg1, %dma_wait3A_76] : memref<16x10000xf32, #tpu.memory_space<hbm>> -> memref<1x10000xf32, #tpu.memory_space<hbm>>
      %dma_wait3A_78 = arith.constant 0 : i32
      %dma_wait3A_79 = tpu.memref_slice %arg2[%arg1, %dma_wait3A_78] : memref<16x10000xf32, #tpu.memory_space<hbm>> -> memref<1x10000xf32, #tpu.memory_space<hbm>>
      tpu.wait_dma2 semaphore(%run_scoped3A : memref<!tpu.dma_semaphore, #tpu.memory_space<semaphore_mem>>) src(%dma_wait3A_79 : memref<1x10000xf32, #tpu.memory_space<hbm>>) dst(%arg7 : memref<1x10000xf32, #tpu.memory_space<vmem>>)
      tpu.yield
    }) : () -> ()
    "tpu.region"() ({
      %run_scoped3A = tpu.sem_alloc : memref<!tpu.dma_semaphore, #tpu.memory_space<semaphore_mem>>
      %dma_start3A_72 = arith.constant 0 : i32
      %dma_start3A_73 = arith.constant 0 : i32
      %dma_start3A_74 = tpu.memref_slice %arg3[%dma_start3A_72, %dma_start3A_73] : memref<8x10000xf32, #tpu.memory_space<hbm>> -> memref<1x10000xf32, #tpu.memory_space<hbm>>
      %dma_start3A_75 = arith.constant 0 : i32
      %dma_start3A_76 = arith.constant 0 : i32
      %dma_start3A_77 = tpu.memref_slice %arg3[%dma_start3A_75, %dma_start3A_76] : memref<8x10000xf32, #tpu.memory_space<hbm>> -> memref<1x10000xf32, #tpu.memory_space<hbm>>
      tpu.enqueue_dma source(%dma_start3A_77 : memref<1x10000xf32, #tpu.memory_space<hbm>>) target(%arg9 : memref<1x10000xf32, #tpu.memory_space<vmem>>) target_semaphore(%run_scoped3A : memref<!tpu.dma_semaphore, #tpu.memory_space<semaphore_mem>>)
      %dma_wait3A_78 = arith.constant 0 : i32
      %dma_wait3A_79 = arith.constant 0 : i32
      %dma_wait3A_80 = tpu.memref_slice %arg3[%dma_wait3A_78, %dma_wait3A_79] : memref<8x10000xf32, #tpu.memory_space<hbm>> -> memref<1x10000xf32, #tpu.memory_space<hbm>>
      %dma_wait3A_81 = arith.constant 0 : i32
      %dma_wait3A_82 = arith.constant 0 : i32
      %dma_wait3A_83 = tpu.memref_slice %arg3[%dma_wait3A_81, %dma_wait3A_82] : memref<8x10000xf32, #tpu.memory_space<hbm>> -> memref<1x10000xf32, #tpu.memory_space<hbm>>
      tpu.wait_dma2 semaphore(%run_scoped3A : memref<!tpu.dma_semaphore, #tpu.memory_space<semaphore_mem>>) src(%dma_wait3A_83 : memref<1x10000xf32, #tpu.memory_space<hbm>>) dst(%arg9 : memref<1x10000xf32, #tpu.memory_space<vmem>>)
      tpu.yield
    }) : () -> ()
    "tpu.region"() ({
      %run_scoped3A = tpu.sem_alloc : memref<!tpu.dma_semaphore, #tpu.memory_space<semaphore_mem>>
      %dma_start3A_72 = arith.constant 1 : i32
      %dma_start3A_73 = arith.constant 0 : i32
      %dma_start3A_74 = tpu.memref_slice %arg3[%dma_start3A_72, %dma_start3A_73] : memref<8x10000xf32, #tpu.memory_space<hbm>> -> memref<1x10000xf32, #tpu.memory_space<hbm>>
      %dma_start3A_75 = arith.constant 1 : i32
      %dma_start3A_76 = arith.constant 0 : i32
      %dma_start3A_77 = tpu.memref_slice %arg3[%dma_start3A_75, %dma_start3A_76] : memref<8x10000xf32, #tpu.memory_space<hbm>> -> memref<1x10000xf32, #tpu.memory_space<hbm>>
      tpu.enqueue_dma source(%dma_start3A_77 : memref<1x10000xf32, #tpu.memory_space<hbm>>) target(%arg10 : memref<1x10000xf32, #tpu.memory_space<vmem>>) target_semaphore(%run_scoped3A : memref<!tpu.dma_semaphore, #tpu.memory_space<semaphore_mem>>)
      %dma_wait3A_78 = arith.constant 1 : i32
      %dma_wait3A_79 = arith.constant 0 : i32
      %dma_wait3A_80 = tpu.memref_slice %arg3[%dma_wait3A_78, %dma_wait3A_79] : memref<8x10000xf32, #tpu.memory_space<hbm>> -> memref<1x10000xf32, #tpu.memory_space<hbm>>
      %dma_wait3A_81 = arith.constant 1 : i32
      %dma_wait3A_82 = arith.constant 0 : i32
      %dma_wait3A_83 = tpu.memref_slice %arg3[%dma_wait3A_81, %dma_wait3A_82] : memref<8x10000xf32, #tpu.memory_space<hbm>> -> memref<1x10000xf32, #tpu.memory_space<hbm>>
      tpu.wait_dma2 semaphore(%run_scoped3A : memref<!tpu.dma_semaphore, #tpu.memory_space<semaphore_mem>>) src(%dma_wait3A_83 : memref<1x10000xf32, #tpu.memory_space<hbm>>) dst(%arg10 : memref<1x10000xf32, #tpu.memory_space<vmem>>)
      tpu.yield
    }) : () -> ()
    %broadcast_in_dim3A = arith.constant 0.000000e+00 : f32
    %broadcast_in_dim3A_1 = vector.broadcast %broadcast_in_dim3A : f32 to vector<16xf32>
    %parallel_loop3A = arith.constant 0 : i32
    %parallel_loop3A_2 = arith.constant 625 : i32
    %parallel_loop3A_3 = arith.constant 1 : i32
    scf.for %parallel_loop3A_72 = %parallel_loop3A to %parallel_loop3A_2 step %parallel_loop3A_3  : i32 {
      %parallel_loop3A_73 = arith.constant 16 : i32
      %parallel_loop3A_74 = arith.muli %parallel_loop3A_72, %parallel_loop3A_73 : i32
      %parallel_loop3A_75 = arith.index_cast %parallel_loop3A_74 : i32 to index
      %parallel_loop3A_76 = tpu.vector_load %arg11[%parallel_loop3A_75] {strides = array<i32>} : memref<10000xf32, #tpu.memory_space<vmem>>, vector<16xf32>,
      tpu.vector_store %arg11[%parallel_loop3A_75], %broadcast_in_dim3A_1 {strides = array<i32>} : memref<10000xf32, #tpu.memory_space<vmem>>, vector<16xf32>,
      %parallel_loop3A_77 = arith.constant 16 : i32
      %parallel_loop3A_78 = arith.muli %parallel_loop3A_72, %parallel_loop3A_77 : i32
      %parallel_loop3A_79 = arith.index_cast %parallel_loop3A_78 : i32 to index
      %parallel_loop3A_80 = tpu.vector_load %arg8[%parallel_loop3A_79] {strides = array<i32>} : memref<10000xf32, #tpu.memory_space<vmem>>, vector<16xf32>,
      tpu.vector_store %arg8[%parallel_loop3A_79], %broadcast_in_dim3A_1 {strides = array<i32>} : memref<10000xf32, #tpu.memory_space<vmem>>, vector<16xf32>,
    } {sc.loop_unroll_factor = 4 : i64, sc.parallel_access}
    %dma_start3A = arith.constant 0 : i32
    %dma_start3A_4 = arith.constant 0 : i32
    %dma_start3A_5 = arith.constant 0 : i32
    %dma_start3A_6 = tpu.memref_slice %arg12[%dma_start3A, %dma_start3A_4, %dma_start3A_5] : memref<2x2x3200xi32, #tpu.memory_space<vmem>> -> memref<1x2x3200xi32, #tpu.memory_space<vmem>>
    %dma_start3A_7 = tpu.memref_squeeze %dma_start3A_6 : memref<1x2x3200xi32, #tpu.memory_space<vmem>> -> memref<2x3200xi32, #tpu.memory_space<vmem>>
    %dma_start3A_8 = arith.constant 0 : i32
    %dma_start3A_9 = tpu.memref_slice %arg4[%dma_start3A_8, %mul3A_0] : memref<2x320000xi32, #tpu.memory_space<hbm>> -> memref<2x3200xi32, #tpu.memory_space<hbm>>
    %dma_start3A_10 = arith.constant 0 : i32
    %dma_start3A_11 = arith.constant 0 : i32
    %dma_start3A_12 = tpu.memref_slice %arg12[%dma_start3A, %dma_start3A_10, %dma_start3A_11] : memref<2x2x3200xi32, #tpu.memory_space<vmem>> -> memref<1x2x3200xi32, #tpu.memory_space<vmem>>
    %dma_start3A_13 = tpu.memref_squeeze %dma_start3A_12 : memref<1x2x3200xi32, #tpu.memory_space<vmem>> -> memref<2x3200xi32, #tpu.memory_space<vmem>>
    %dma_start3A_14 = arith.constant 0 : i32
    %dma_start3A_15 = tpu.memref_slice %arg4[%dma_start3A_14, %mul3A_0] : memref<2x320000xi32, #tpu.memory_space<hbm>> -> memref<2x3200xi32, #tpu.memory_space<hbm>>
    tpu.enqueue_dma source(%dma_start3A_15 : memref<2x3200xi32, #tpu.memory_space<hbm>>) target(%dma_start3A_13 : memref<2x3200xi32, #tpu.memory_space<vmem>>) target_semaphore(%arg13 : memref<!tpu.dma_semaphore, #tpu.memory_space<semaphore_mem>>)
    %add3A = arith.constant 3200 : i32
    %add3A_16 = arith.addi %mul3A_0, %add3A : i32
    %dma_start3A_17 = arith.constant 1 : i32
    %dma_start3A_18 = arith.constant 0 : i32
    %dma_start3A_19 = arith.constant 0 : i32
    %dma_start3A_20 = tpu.memref_slice %arg12[%dma_start3A_17, %dma_start3A_18, %dma_start3A_19] : memref<2x2x3200xi32, #tpu.memory_space<vmem>> -> memref<1x2x3200xi32, #tpu.memory_space<vmem>>
    %dma_start3A_21 = tpu.memref_squeeze %dma_start3A_20 : memref<1x2x3200xi32, #tpu.memory_space<vmem>> -> memref<2x3200xi32, #tpu.memory_space<vmem>>
    %dma_start3A_22 = arith.constant 0 : i32
    %dma_start3A_23 = tpu.memref_slice %arg4[%dma_start3A_22, %add3A_16] : memref<2x320000xi32, #tpu.memory_space<hbm>> -> memref<2x3200xi32, #tpu.memory_space<hbm>>
    %dma_start3A_24 = arith.constant 0 : i32
    %dma_start3A_25 = arith.constant 0 : i32
    %dma_start3A_26 = tpu.memref_slice %arg12[%dma_start3A_17, %dma_start3A_24, %dma_start3A_25] : memref<2x2x3200xi32, #tpu.memory_space<vmem>> -> memref<1x2x3200xi32, #tpu.memory_space<vmem>>
    %dma_start3A_27 = tpu.memref_squeeze %dma_start3A_26 : memref<1x2x3200xi32, #tpu.memory_space<vmem>> -> memref<2x3200xi32, #tpu.memory_space<vmem>>
    %dma_start3A_28 = arith.constant 0 : i32
    %dma_start3A_29 = tpu.memref_slice %arg4[%dma_start3A_28, %add3A_16] : memref<2x320000xi32, #tpu.memory_space<hbm>> -> memref<2x3200xi32, #tpu.memory_space<hbm>>
    tpu.enqueue_dma source(%dma_start3A_29 : memref<2x3200xi32, #tpu.memory_space<hbm>>) target(%dma_start3A_27 : memref<2x3200xi32, #tpu.memory_space<vmem>>) target_semaphore(%arg14 : memref<!tpu.dma_semaphore, #tpu.memory_space<semaphore_mem>>)
    %eq3A = arith.constant 0 : i32
    %eq3A_30 = arith.cmpi eq, %arg1, %eq3A : i32
    %broadcast_in_dim3A_31 = arith.constant 0 : i32
    %broadcast_in_dim3A_32 = vector.broadcast %broadcast_in_dim3A_31 : i32 to vector<16xi32>
    %scan3A = arith.constant 0 : i32
    %scan3A_33 = arith.constant 0 : i32
    %scan3A_34 = arith.constant 25 : i32
    %scan3A_35 = arith.addi %scan3A_33, %scan3A_34 : i32
    %scan3A_36 = arith.constant 1 : i32
    %scan3A_37 = scf.for %scan3A_72 = %scan3A_33 to %scan3A_35 step %scan3A_36 iter_args(%scan3A_73 = %scan3A) -> (i32)  : i32 {
      %mul3A_74 = arith.constant 2 : i32
      %mul3A_75 = arith.muli %mul3A_74, %scan3A_72 : i32
      %add3A_76 = arith.constant 0 : i32
      %add3A_77 = arith.addi %mul3A_75, %add3A_76 : i32
      %dma_wait3A_78 = arith.constant 0 : i32
      %dma_wait3A_79 = arith.constant 0 : i32
      %dma_wait3A_80 = arith.constant 0 : i32
      %dma_wait3A_81 = tpu.memref_slice %arg12[%dma_wait3A_78, %dma_wait3A_79, %dma_wait3A_80] : memref<2x2x3200xi32, #tpu.memory_space<vmem>> -> memref<1x2x3200xi32, #tpu.memory_space<vmem>>
      %dma_wait3A_82 = tpu.memref_squeeze %dma_wait3A_81 : memref<1x2x3200xi32, #tpu.memory_space<vmem>> -> memref<2x3200xi32, #tpu.memory_space<vmem>>
      %dma_wait3A_83 = arith.constant 0 : i32
      %dma_wait3A_84 = arith.constant 0 : i32
      %dma_wait3A_85 = tpu.memref_slice %arg4[%dma_wait3A_83, %dma_wait3A_84] : memref<2x320000xi32, #tpu.memory_space<hbm>> -> memref<2x3200xi32, #tpu.memory_space<hbm>>
      %dma_wait3A_86 = arith.constant 0 : i32
      %dma_wait3A_87 = arith.constant 0 : i32
      %dma_wait3A_88 = tpu.memref_slice %arg12[%dma_wait3A_78, %dma_wait3A_86, %dma_wait3A_87] : memref<2x2x3200xi32, #tpu.memory_space<vmem>> -> memref<1x2x3200xi32, #tpu.memory_space<vmem>>
      %dma_wait3A_89 = tpu.memref_squeeze %dma_wait3A_88 : memref<1x2x3200xi32, #tpu.memory_space<vmem>> -> memref<2x3200xi32, #tpu.memory_space<vmem>>
      %dma_wait3A_90 = arith.constant 0 : i32
      %dma_wait3A_91 = arith.constant 0 : i32
      %dma_wait3A_92 = tpu.memref_slice %arg4[%dma_wait3A_90, %dma_wait3A_91] : memref<2x320000xi32, #tpu.memory_space<hbm>> -> memref<2x3200xi32, #tpu.memory_space<hbm>>
      tpu.wait_dma2 semaphore(%arg13 : memref<!tpu.dma_semaphore, #tpu.memory_space<semaphore_mem>>) src(%dma_wait3A_92 : memref<2x3200xi32, #tpu.memory_space<hbm>>) dst(%dma_wait3A_89 : memref<2x3200xi32, #tpu.memory_space<vmem>>)
      %parallel_loop3A_93 = arith.constant 0 : i32
      %parallel_loop3A_94 = arith.constant 200 : i32
      %parallel_loop3A_95 = arith.constant 1 : i32
      scf.for %parallel_loop3A_158 = %parallel_loop3A_93 to %parallel_loop3A_94 step %parallel_loop3A_95  : i32 {
        %parallel_loop3A_159 = arith.constant 16 : i32
        %parallel_loop3A_160 = arith.muli %parallel_loop3A_158, %parallel_loop3A_159 : i32
        %parallel_loop3A_161 = arith.constant 0 : i32
        %parallel_loop3A_162 = arith.constant 0 : i32
        %parallel_loop3A_163 = arith.index_cast %parallel_loop3A_161 : i32 to index
        %parallel_loop3A_164 = arith.index_cast %parallel_loop3A_162 : i32 to index
        %parallel_loop3A_165 = arith.index_cast %parallel_loop3A_160 : i32 to index
        %parallel_loop3A_166 = tpu.vector_load %arg12[%parallel_loop3A_163, %parallel_loop3A_164, %parallel_loop3A_165] {strides = array<i32>} : memref<2x2x3200xi32, #tpu.memory_space<vmem>>, vector<16xi32>,
        %parallel_loop3A_167 = arith.constant 16 : i32
        %parallel_loop3A_168 = arith.muli %parallel_loop3A_158, %parallel_loop3A_167 : i32
        %parallel_loop3A_169 = arith.constant 0 : i32
        %parallel_loop3A_170 = arith.constant 1 : i32
        %parallel_loop3A_171 = arith.index_cast %parallel_loop3A_169 : i32 to index
        %parallel_loop3A_172 = arith.index_cast %parallel_loop3A_170 : i32 to index
        %parallel_loop3A_173 = arith.index_cast %parallel_loop3A_168 : i32 to index
        %parallel_loop3A_174 = tpu.vector_load %arg12[%parallel_loop3A_171, %parallel_loop3A_172, %parallel_loop3A_173] {strides = array<i32>} : memref<2x2x3200xi32, #tpu.memory_space<vmem>>, vector<16xi32>,
        %parallel_loop3A_175 = tpu.vector_load_idx %arg9[%broadcast_in_dim3A_32, %parallel_loop3A_166] : memref<1x10000xf32, #tpu.memory_space<vmem>>[vector<16xi32>, vector<16xi32>], vector<16xf32>,
        %parallel_loop3A_176 = tpu.vector_load_idx %arg10[%broadcast_in_dim3A_32, %parallel_loop3A_174] : memref<1x10000xf32, #tpu.memory_space<vmem>>[vector<16xi32>, vector<16xi32>], vector<16xf32>,
        %parallel_loop3A_177 = arith.addf %parallel_loop3A_175, %parallel_loop3A_176 : vector<16xf32>
        %parallel_loop3A_178 = arith.constant 2.000000e-01 : f32
        %parallel_loop3A_179 = vector.broadcast %parallel_loop3A_178 : f32 to vector<16xf32>
        %parallel_loop3A_180 = arith.mulf %parallel_loop3A_179, %parallel_loop3A_177 : vector<16xf32>
        %parallel_loop3A_181 = arith.maximumf %parallel_loop3A_177, %parallel_loop3A_180 : vector<16xf32>
        %parallel_loop3A_182 = math.exp %parallel_loop3A_181 : vector<16xf32>
        %parallel_loop3A_183 = arith.extui %eq3A_30 : i1 to i32
        %parallel_loop3A_184 = arith.constant 0 : i32
        %parallel_loop3A_185 = arith.cmpi ne, %parallel_loop3A_183, %parallel_loop3A_184 : i32
        scf.if %parallel_loop3A_185 {
          tpu.vector_store_idx %arg11[%parallel_loop3A_174], %parallel_loop3A_182 {add = true} : memref<10000xf32, #tpu.memory_space<vmem>>[vector<16xi32>], vector<16xf32>,
        } else {
        }
        %parallel_loop3A_186 = tpu.vector_load_idx %arg7[%broadcast_in_dim3A_32, %parallel_loop3A_166] : memref<1x10000xf32, #tpu.memory_space<vmem>>[vector<16xi32>, vector<16xi32>], vector<16xf32>,
        %parallel_loop3A_187 = arith.mulf %parallel_loop3A_186, %parallel_loop3A_182 : vector<16xf32>
        tpu.vector_store_idx %arg8[%parallel_loop3A_174], %parallel_loop3A_187 {add = true} : memref<10000xf32, #tpu.memory_space<vmem>>[vector<16xi32>], vector<16xf32>,
      } {sc.loop_unroll_factor = 4 : i64, sc.parallel_access}
      %add3A_96 = arith.constant 2 : i32
      %add3A_97 = arith.addi %add3A_77, %add3A_96 : i32
      %mul3A_98 = arith.constant 3200 : i32
      %mul3A_99 = arith.muli %add3A_97, %mul3A_98 : i32
      %min3A = arith.constant 156800 : i32
      %min3A_100 = arith.minsi %mul3A_99, %min3A : i32
      %add3A_101 = arith.addi %mul3A_0, %min3A_100 : i32
      %dma_start3A_102 = arith.constant 0 : i32
      %dma_start3A_103 = arith.constant 0 : i32
      %dma_start3A_104 = arith.constant 0 : i32
      %dma_start3A_105 = tpu.memref_slice %arg12[%dma_start3A_102, %dma_start3A_103, %dma_start3A_104] : memref<2x2x3200xi32, #tpu.memory_space<vmem>> -> memref<1x2x3200xi32, #tpu.memory_space<vmem>>
      %dma_start3A_106 = tpu.memref_squeeze %dma_start3A_105 : memref<1x2x3200xi32, #tpu.memory_space<vmem>> -> memref<2x3200xi32, #tpu.memory_space<vmem>>
      %dma_start3A_107 = arith.constant 0 : i32
      %dma_start3A_108 = tpu.memref_slice %arg4[%dma_start3A_107, %add3A_101] : memref<2x320000xi32, #tpu.memory_space<hbm>> -> memref<2x3200xi32, #tpu.memory_space<hbm>>
      %dma_start3A_109 = arith.constant 0 : i32
      %dma_start3A_110 = arith.constant 0 : i32
      %dma_start3A_111 = tpu.memref_slice %arg12[%dma_start3A_102, %dma_start3A_109, %dma_start3A_110] : memref<2x2x3200xi32, #tpu.memory_space<vmem>> -> memref<1x2x3200xi32, #tpu.memory_space<vmem>>
      %dma_start3A_112 = tpu.memref_squeeze %dma_start3A_111 : memref<1x2x3200xi32, #tpu.memory_space<vmem>> -> memref<2x3200xi32, #tpu.memory_space<vmem>>
      %dma_start3A_113 = arith.constant 0 : i32
      %dma_start3A_114 = tpu.memref_slice %arg4[%dma_start3A_113, %add3A_101] : memref<2x320000xi32, #tpu.memory_space<hbm>> -> memref<2x3200xi32, #tpu.memory_space<hbm>>
      tpu.enqueue_dma source(%dma_start3A_114 : memref<2x3200xi32, #tpu.memory_space<hbm>>) target(%dma_start3A_112 : memref<2x3200xi32, #tpu.memory_space<vmem>>) target_semaphore(%arg13 : memref<!tpu.dma_semaphore, #tpu.memory_space<semaphore_mem>>)
      %mul3A_115 = arith.constant 2 : i32
      %mul3A_116 = arith.muli %mul3A_115, %scan3A_72 : i32
      %add3A_117 = arith.constant 1 : i32
      %add3A_118 = arith.addi %mul3A_116, %add3A_117 : i32
      %dma_wait3A_119 = arith.constant 1 : i32
      %dma_wait3A_120 = arith.constant 0 : i32
      %dma_wait3A_121 = arith.constant 0 : i32
      %dma_wait3A_122 = tpu.memref_slice %arg12[%dma_wait3A_119, %dma_wait3A_120, %dma_wait3A_121] : memref<2x2x3200xi32, #tpu.memory_space<vmem>> -> memref<1x2x3200xi32, #tpu.memory_space<vmem>>
      %dma_wait3A_123 = tpu.memref_squeeze %dma_wait3A_122 : memref<1x2x3200xi32, #tpu.memory_space<vmem>> -> memref<2x3200xi32, #tpu.memory_space<vmem>>
      %dma_wait3A_124 = arith.constant 0 : i32
      %dma_wait3A_125 = arith.constant 0 : i32
      %dma_wait3A_126 = tpu.memref_slice %arg4[%dma_wait3A_124, %dma_wait3A_125] : memref<2x320000xi32, #tpu.memory_space<hbm>> -> memref<2x3200xi32, #tpu.memory_space<hbm>>
      %dma_wait3A_127 = arith.constant 0 : i32
      %dma_wait3A_128 = arith.constant 0 : i32
      %dma_wait3A_129 = tpu.memref_slice %arg12[%dma_wait3A_119, %dma_wait3A_127, %dma_wait3A_128] : memref<2x2x3200xi32, #tpu.memory_space<vmem>> -> memref<1x2x3200xi32, #tpu.memory_space<vmem>>
      %dma_wait3A_130 = tpu.memref_squeeze %dma_wait3A_129 : memref<1x2x3200xi32, #tpu.memory_space<vmem>> -> memref<2x3200xi32, #tpu.memory_space<vmem>>
      %dma_wait3A_131 = arith.constant 0 : i32
      %dma_wait3A_132 = arith.constant 0 : i32
      %dma_wait3A_133 = tpu.memref_slice %arg4[%dma_wait3A_131, %dma_wait3A_132] : memref<2x320000xi32, #tpu.memory_space<hbm>> -> memref<2x3200xi32, #tpu.memory_space<hbm>>
      tpu.wait_dma2 semaphore(%arg14 : memref<!tpu.dma_semaphore, #tpu.memory_space<semaphore_mem>>) src(%dma_wait3A_133 : memref<2x3200xi32, #tpu.memory_space<hbm>>) dst(%dma_wait3A_130 : memref<2x3200xi32, #tpu.memory_space<vmem>>)
      %parallel_loop3A_134 = arith.constant 0 : i32
      %parallel_loop3A_135 = arith.constant 200 : i32
      %parallel_loop3A_136 = arith.constant 1 : i32
      scf.for %parallel_loop3A_158 = %parallel_loop3A_134 to %parallel_loop3A_135 step %parallel_loop3A_136  : i32 {
        %parallel_loop3A_159 = arith.constant 16 : i32
        %parallel_loop3A_160 = arith.muli %parallel_loop3A_158, %parallel_loop3A_159 : i32
        %parallel_loop3A_161 = arith.constant 1 : i32
        %parallel_loop3A_162 = arith.constant 0 : i32
        %parallel_loop3A_163 = arith.index_cast %parallel_loop3A_161 : i32 to index
        %parallel_loop3A_164 = arith.index_cast %parallel_loop3A_162 : i32 to index
        %parallel_loop3A_165 = arith.index_cast %parallel_loop3A_160 : i32 to index
        %parallel_loop3A_166 = tpu.vector_load %arg12[%parallel_loop3A_163, %parallel_loop3A_164, %parallel_loop3A_165] {strides = array<i32>} : memref<2x2x3200xi32, #tpu.memory_space<vmem>>, vector<16xi32>,
        %parallel_loop3A_167 = arith.constant 16 : i32
        %parallel_loop3A_168 = arith.muli %parallel_loop3A_158, %parallel_loop3A_167 : i32
        %parallel_loop3A_169 = arith.constant 1 : i32
        %parallel_loop3A_170 = arith.constant 1 : i32
        %parallel_loop3A_171 = arith.index_cast %parallel_loop3A_169 : i32 to index
        %parallel_loop3A_172 = arith.index_cast %parallel_loop3A_170 : i32 to index
        %parallel_loop3A_173 = arith.index_cast %parallel_loop3A_168 : i32 to index
        %parallel_loop3A_174 = tpu.vector_load %arg12[%parallel_loop3A_171, %parallel_loop3A_172, %parallel_loop3A_173] {strides = array<i32>} : memref<2x2x3200xi32, #tpu.memory_space<vmem>>, vector<16xi32>,
        %parallel_loop3A_175 = tpu.vector_load_idx %arg9[%broadcast_in_dim3A_32, %parallel_loop3A_166] : memref<1x10000xf32, #tpu.memory_space<vmem>>[vector<16xi32>, vector<16xi32>], vector<16xf32>,
        %parallel_loop3A_176 = tpu.vector_load_idx %arg10[%broadcast_in_dim3A_32, %parallel_loop3A_174] : memref<1x10000xf32, #tpu.memory_space<vmem>>[vector<16xi32>, vector<16xi32>], vector<16xf32>,
        %parallel_loop3A_177 = arith.addf %parallel_loop3A_175, %parallel_loop3A_176 : vector<16xf32>
        %parallel_loop3A_178 = arith.constant 2.000000e-01 : f32
        %parallel_loop3A_179 = vector.broadcast %parallel_loop3A_178 : f32 to vector<16xf32>
        %parallel_loop3A_180 = arith.mulf %parallel_loop3A_179, %parallel_loop3A_177 : vector<16xf32>
        %parallel_loop3A_181 = arith.maximumf %parallel_loop3A_177, %parallel_loop3A_180 : vector<16xf32>
        %parallel_loop3A_182 = math.exp %parallel_loop3A_181 : vector<16xf32>
        %parallel_loop3A_183 = arith.extui %eq3A_30 : i1 to i32
        %parallel_loop3A_184 = arith.constant 0 : i32
        %parallel_loop3A_185 = arith.cmpi ne, %parallel_loop3A_183, %parallel_loop3A_184 : i32
        scf.if %parallel_loop3A_185 {
          tpu.vector_store_idx %arg11[%parallel_loop3A_174], %parallel_loop3A_182 {add = true} : memref<10000xf32, #tpu.memory_space<vmem>>[vector<16xi32>], vector<16xf32>,
        } else {
        }
        %parallel_loop3A_186 = tpu.vector_load_idx %arg7[%broadcast_in_dim3A_32, %parallel_loop3A_166] : memref<1x10000xf32, #tpu.memory_space<vmem>>[vector<16xi32>, vector<16xi32>], vector<16xf32>,
        %parallel_loop3A_187 = arith.mulf %parallel_loop3A_186, %parallel_loop3A_182 : vector<16xf32>
        tpu.vector_store_idx %arg8[%parallel_loop3A_174], %parallel_loop3A_187 {add = true} : memref<10000xf32, #tpu.memory_space<vmem>>[vector<16xi32>], vector<16xf32>,
      } {sc.loop_unroll_factor = 4 : i64, sc.parallel_access}
      %add3A_137 = arith.constant 2 : i32
      %add3A_138 = arith.addi %add3A_118, %add3A_137 : i32
      %mul3A_139 = arith.constant 3200 : i32
      %mul3A_140 = arith.muli %add3A_138, %mul3A_139 : i32
      %min3A_141 = arith.constant 156800 : i32
      %min3A_142 = arith.minsi %mul3A_140, %min3A_141 : i32
      %add3A_143 = arith.addi %mul3A_0, %min3A_142 : i32
      %dma_start3A_144 = arith.constant 1 : i32
      %dma_start3A_145 = arith.constant 0 : i32
      %dma_start3A_146 = arith.constant 0 : i32
      %dma_start3A_147 = tpu.memref_slice %arg12[%dma_start3A_144, %dma_start3A_145, %dma_start3A_146] : memref<2x2x3200xi32, #tpu.memory_space<vmem>> -> memref<1x2x3200xi32, #tpu.memory_space<vmem>>
      %dma_start3A_148 = tpu.memref_squeeze %dma_start3A_147 : memref<1x2x3200xi32, #tpu.memory_space<vmem>> -> memref<2x3200xi32, #tpu.memory_space<vmem>>
      %dma_start3A_149 = arith.constant 0 : i32
      %dma_start3A_150 = tpu.memref_slice %arg4[%dma_start3A_149, %add3A_143] : memref<2x320000xi32, #tpu.memory_space<hbm>> -> memref<2x3200xi32, #tpu.memory_space<hbm>>
      %dma_start3A_151 = arith.constant 0 : i32
      %dma_start3A_152 = arith.constant 0 : i32
      %dma_start3A_153 = tpu.memref_slice %arg12[%dma_start3A_144, %dma_start3A_151, %dma_start3A_152] : memref<2x2x3200xi32, #tpu.memory_space<vmem>> -> memref<1x2x3200xi32, #tpu.memory_space<vmem>>
      %dma_start3A_154 = tpu.memref_squeeze %dma_start3A_153 : memref<1x2x3200xi32, #tpu.memory_space<vmem>> -> memref<2x3200xi32, #tpu.memory_space<vmem>>
      %dma_start3A_155 = arith.constant 0 : i32
      %dma_start3A_156 = tpu.memref_slice %arg4[%dma_start3A_155, %add3A_143] : memref<2x320000xi32, #tpu.memory_space<hbm>> -> memref<2x3200xi32, #tpu.memory_space<hbm>>
      tpu.enqueue_dma source(%dma_start3A_156 : memref<2x3200xi32, #tpu.memory_space<hbm>>) target(%dma_start3A_154 : memref<2x3200xi32, #tpu.memory_space<vmem>>) target_semaphore(%arg14 : memref<!tpu.dma_semaphore, #tpu.memory_space<semaphore_mem>>)
      %scan3A_157 = arith.constant 0 : i32
      scf.yield %scan3A_157 : i32
    }
    %scan3A_38 = arith.constant 25 : i32
    %dma_wait3A = arith.constant 0 : i32
    %dma_wait3A_39 = arith.constant 0 : i32
    %dma_wait3A_40 = arith.constant 0 : i32
    %dma_wait3A_41 = tpu.memref_slice %arg12[%dma_wait3A, %dma_wait3A_39, %dma_wait3A_40] : memref<2x2x3200xi32, #tpu.memory_space<vmem>> -> memref<1x2x3200xi32, #tpu.memory_space<vmem>>
    %dma_wait3A_42 = tpu.memref_squeeze %dma_wait3A_41 : memref<1x2x3200xi32, #tpu.memory_space<vmem>> -> memref<2x3200xi32, #tpu.memory_space<vmem>>
    %dma_wait3A_43 = arith.constant 0 : i32
    %dma_wait3A_44 = arith.constant 0 : i32
    %dma_wait3A_45 = tpu.memref_slice %arg4[%dma_wait3A_43, %dma_wait3A_44] : memref<2x320000xi32, #tpu.memory_space<hbm>> -> memref<2x3200xi32, #tpu.memory_space<hbm>>
    %dma_wait3A_46 = arith.constant 0 : i32
    %dma_wait3A_47 = arith.constant 0 : i32
    %dma_wait3A_48 = tpu.memref_slice %arg12[%dma_wait3A, %dma_wait3A_46, %dma_wait3A_47] : memref<2x2x3200xi32, #tpu.memory_space<vmem>> -> memref<1x2x3200xi32, #tpu.memory_space<vmem>>
    %dma_wait3A_49 = tpu.memref_squeeze %dma_wait3A_48 : memref<1x2x3200xi32, #tpu.memory_space<vmem>> -> memref<2x3200xi32, #tpu.memory_space<vmem>>
    %dma_wait3A_50 = arith.constant 0 : i32
    %dma_wait3A_51 = arith.constant 0 : i32
    %dma_wait3A_52 = tpu.memref_slice %arg4[%dma_wait3A_50, %dma_wait3A_51] : memref<2x320000xi32, #tpu.memory_space<hbm>> -> memref<2x3200xi32, #tpu.memory_space<hbm>>
    tpu.wait_dma2 semaphore(%arg13 : memref<!tpu.dma_semaphore, #tpu.memory_space<semaphore_mem>>) src(%dma_wait3A_52 : memref<2x3200xi32, #tpu.memory_space<hbm>>) dst(%dma_wait3A_49 : memref<2x3200xi32, #tpu.memory_space<vmem>>)
    %dma_wait3A_53 = arith.constant 1 : i32
    %dma_wait3A_54 = arith.constant 0 : i32
    %dma_wait3A_55 = arith.constant 0 : i32
    %dma_wait3A_56 = tpu.memref_slice %arg12[%dma_wait3A_53, %dma_wait3A_54, %dma_wait3A_55] : memref<2x2x3200xi32, #tpu.memory_space<vmem>> -> memref<1x2x3200xi32, #tpu.memory_space<vmem>>
    %dma_wait3A_57 = tpu.memref_squeeze %dma_wait3A_56 : memref<1x2x3200xi32, #tpu.memory_space<vmem>> -> memref<2x3200xi32, #tpu.memory_space<vmem>>
    %dma_wait3A_58 = arith.constant 0 : i32
    %dma_wait3A_59 = arith.constant 0 : i32
    %dma_wait3A_60 = tpu.memref_slice %arg4[%dma_wait3A_58, %dma_wait3A_59] : memref<2x320000xi32, #tpu.memory_space<hbm>> -> memref<2x3200xi32, #tpu.memory_space<hbm>>
    %dma_wait3A_61 = arith.constant 0 : i32
    %dma_wait3A_62 = arith.constant 0 : i32
    %dma_wait3A_63 = tpu.memref_slice %arg12[%dma_wait3A_53, %dma_wait3A_61, %dma_wait3A_62] : memref<2x2x3200xi32, #tpu.memory_space<vmem>> -> memref<1x2x3200xi32, #tpu.memory_space<vmem>>
    %dma_wait3A_64 = tpu.memref_squeeze %dma_wait3A_63 : memref<1x2x3200xi32, #tpu.memory_space<vmem>> -> memref<2x3200xi32, #tpu.memory_space<vmem>>
    %dma_wait3A_65 = arith.constant 0 : i32
    %dma_wait3A_66 = arith.constant 0 : i32
    %dma_wait3A_67 = tpu.memref_slice %arg4[%dma_wait3A_65, %dma_wait3A_66] : memref<2x320000xi32, #tpu.memory_space<hbm>> -> memref<2x3200xi32, #tpu.memory_space<hbm>>
    tpu.wait_dma2 semaphore(%arg14 : memref<!tpu.dma_semaphore, #tpu.memory_space<semaphore_mem>>) src(%dma_wait3A_67 : memref<2x3200xi32, #tpu.memory_space<hbm>>) dst(%dma_wait3A_64 : memref<2x3200xi32, #tpu.memory_space<vmem>>)
    %mul3A_68 = arith.constant 16 : i32
    %mul3A_69 = arith.muli %arg0, %mul3A_68 : i32
    %add3A_70 = arith.addi %mul3A_69, %arg1 : i32
    "tpu.region"() ({
      %run_scoped3A = tpu.sem_alloc : memref<!tpu.dma_semaphore, #tpu.memory_space<semaphore_mem>>
      %dma_start3A_72 = arith.constant 0 : i32
      %dma_start3A_73 = tpu.memref_slice %arg5[%add3A_70, %dma_start3A_72] : memref<32x10000xf32, #tpu.memory_space<hbm>> -> memref<1x10000xf32, #tpu.memory_space<hbm>>
      %dma_start3A_74 = tpu.memref_squeeze %dma_start3A_73 : memref<1x10000xf32, #tpu.memory_space<hbm>> -> memref<10000xf32, #tpu.memory_space<hbm>>
      %dma_start3A_75 = arith.constant 0 : i32
      %dma_start3A_76 = tpu.memref_slice %arg5[%add3A_70, %dma_start3A_75] : memref<32x10000xf32, #tpu.memory_space<hbm>> -> memref<1x10000xf32, #tpu.memory_space<hbm>>
      %dma_start3A_77 = tpu.memref_squeeze %dma_start3A_76 : memref<1x10000xf32, #tpu.memory_space<hbm>> -> memref<10000xf32, #tpu.memory_space<hbm>>
      tpu.enqueue_dma source(%arg8 : memref<10000xf32, #tpu.memory_space<vmem>>) target(%dma_start3A_77 : memref<10000xf32, #tpu.memory_space<hbm>>) target_semaphore(%run_scoped3A : memref<!tpu.dma_semaphore, #tpu.memory_space<semaphore_mem>>)
      %dma_wait3A_78 = arith.constant 0 : i32
      %dma_wait3A_79 = tpu.memref_slice %arg5[%add3A_70, %dma_wait3A_78] : memref<32x10000xf32, #tpu.memory_space<hbm>> -> memref<1x10000xf32, #tpu.memory_space<hbm>>
      %dma_wait3A_80 = tpu.memref_squeeze %dma_wait3A_79 : memref<1x10000xf32, #tpu.memory_space<hbm>> -> memref<10000xf32, #tpu.memory_space<hbm>>
      %dma_wait3A_81 = arith.constant 0 : i32
      %dma_wait3A_82 = tpu.memref_slice %arg5[%add3A_70, %dma_wait3A_81] : memref<32x10000xf32, #tpu.memory_space<hbm>> -> memref<1x10000xf32, #tpu.memory_space<hbm>>
      %dma_wait3A_83 = tpu.memref_squeeze %dma_wait3A_82 : memref<1x10000xf32, #tpu.memory_space<hbm>> -> memref<10000xf32, #tpu.memory_space<hbm>>
      tpu.wait_dma2 semaphore(%run_scoped3A : memref<!tpu.dma_semaphore, #tpu.memory_space<semaphore_mem>>) src(%arg8 : memref<10000xf32, #tpu.memory_space<vmem>>) dst(%dma_wait3A_83 : memref<10000xf32, #tpu.memory_space<hbm>>)
      tpu.yield
    }) : () -> ()
    %convert_element_type3A = arith.extui %eq3A_30 : i1 to i32
    %cond3A = arith.constant 0 : i32
    %cond3A_71 = arith.cmpi ne, %convert_element_type3A, %cond3A : i32
    scf.if %cond3A_71 {
      "tpu.region"() ({
        %run_scoped3A = tpu.sem_alloc : memref<!tpu.dma_semaphore, #tpu.memory_space<semaphore_mem>>
        %dma_start3A_72 = arith.constant 0 : i32
        %dma_start3A_73 = tpu.memref_slice %arg6[%arg0, %dma_start3A_72] : memref<2x10000xf32, #tpu.memory_space<hbm>> -> memref<1x10000xf32, #tpu.memory_space<hbm>>
        %dma_start3A_74 = tpu.memref_squeeze %dma_start3A_73 : memref<1x10000xf32, #tpu.memory_space<hbm>> -> memref<10000xf32, #tpu.memory_space<hbm>>
        %dma_start3A_75 = arith.constant 0 : i32
        %dma_start3A_76 = tpu.memref_slice %arg6[%arg0, %dma_start3A_75] : memref<2x10000xf32, #tpu.memory_space<hbm>> -> memref<1x10000xf32, #tpu.memory_space<hbm>>
        %dma_start3A_77 = tpu.memref_squeeze %dma_start3A_76 : memref<1x10000xf32, #tpu.memory_space<hbm>> -> memref<10000xf32, #tpu.memory_space<hbm>>
        tpu.enqueue_dma source(%arg11 : memref<10000xf32, #tpu.memory_space<vmem>>) target(%dma_start3A_77 : memref<10000xf32, #tpu.memory_space<hbm>>) target_semaphore(%run_scoped3A : memref<!tpu.dma_semaphore, #tpu.memory_space<semaphore_mem>>)
        %dma_wait3A_78 = arith.constant 0 : i32
        %dma_wait3A_79 = tpu.memref_slice %arg6[%arg0, %dma_wait3A_78] : memref<2x10000xf32, #tpu.memory_space<hbm>> -> memref<1x10000xf32, #tpu.memory_space<hbm>>
        %dma_wait3A_80 = tpu.memref_squeeze %dma_wait3A_79 : memref<1x10000xf32, #tpu.memory_space<hbm>> -> memref<10000xf32, #tpu.memory_space<hbm>>
        %dma_wait3A_81 = arith.constant 0 : i32
        %dma_wait3A_82 = tpu.memref_slice %arg6[%arg0, %dma_wait3A_81] : memref<2x10000xf32, #tpu.memory_space<hbm>> -> memref<1x10000xf32, #tpu.memory_space<hbm>>
        %dma_wait3A_83 = tpu.memref_squeeze %dma_wait3A_82 : memref<1x10000xf32, #tpu.memory_space<hbm>> -> memref<10000xf32, #tpu.memory_space<hbm>>
        tpu.wait_dma2 semaphore(%run_scoped3A : memref<!tpu.dma_semaphore, #tpu.memory_space<semaphore_mem>>) src(%arg11 : memref<10000xf32, #tpu.memory_space<vmem>>) dst(%dma_wait3A_83 : memref<10000xf32, #tpu.memory_space<hbm>>)
        tpu.yield
      }) : () -> ()
    } else {
    }
    return
  }
}

#map = affine_map<(d0, d1) -> (0, 0)>
module attributes {stable_mosaic.version = 14 : i64} {
  func.func @_sc1_body(%arg0: i32, %arg1: i32, %arg2: memref<128x10000xf32, #tpu.memory_space<hbm>>, %arg3: memref<8x10000xf32, #tpu.memory_space<hbm>>, %arg4: memref<2x320000xi32, #tpu.memory_space<hbm>>, %arg5: memref<128x10000xf32, #tpu.memory_space<hbm>>, %arg6: memref<4x10000xf32, #tpu.memory_space<vmem>>, %arg7: memref<4x10000xf32, #tpu.memory_space<vmem>>, %arg8: memref<1x10000xf32, #tpu.memory_space<vmem>>, %arg9: memref<1x10000xf32, #tpu.memory_space<vmem>>, %arg10: memref<10000xf32, #tpu.memory_space<vmem>>, %arg11: memref<2x2x3200xi32, #tpu.memory_space<vmem>>, %arg12: memref<!tpu.dma_semaphore, #tpu.memory_space<semaphore_mem>>, %arg13: memref<!tpu.dma_semaphore, #tpu.memory_space<semaphore_mem>>) attributes {dimension_semantics = [#tpu.dimension_semantics<core_parallel>, #tpu.dimension_semantics<subcore_parallel>], iteration_bounds = array<i64: 2, 16>, scalar_prefetch = 0 : i64, scratch_operands = 8 : i64, tpu.core_type = #tpu.core_type<sc_vector_subcore>, window_params = [{transform_indices = #map}, {transform_indices = #map}, {transform_indices = #map}, {transform_indices = #map}]} {
    %mul3A = arith.constant 2 : i32
    %mul3A_0 = arith.muli %arg1, %mul3A : i32
    %add3A = arith.addi %mul3A_0, %arg0 : i32
    %jit3A = arith.constant 8 : i32
    %div3A = arith.divsi %add3A, %jit3A : i32
    %sign3A = arith.constant 0 : i32
    %sign3A_1 = arith.cmpi sgt, %add3A, %sign3A : i32
    %sign3A_2 = arith.extui %sign3A_1 : i1 to i32
    %sign3A_3 = arith.constant 0 : i32
    %sign3A_4 = arith.cmpi slt, %add3A, %sign3A_3 : i32
    %sign3A_5 = arith.extui %sign3A_4 : i1 to i32
    %sign3A_6 = arith.subi %sign3A_2, %sign3A_5 : i32
    %sign3A_7 = arith.constant 0 : i32
    %sign3A_8 = arith.cmpi sgt, %jit3A, %sign3A_7 : i32
    %sign3A_9 = arith.extui %sign3A_8 : i1 to i32
    %sign3A_10 = arith.constant 0 : i32
    %sign3A_11 = arith.cmpi slt, %jit3A, %sign3A_10 : i32
    %sign3A_12 = arith.extui %sign3A_11 : i1 to i32
    %sign3A_13 = arith.subi %sign3A_9, %sign3A_12 : i32
    %ne3A = arith.cmpi ne, %sign3A_6, %sign3A_13 : i32
    %rem3A = arith.remsi %add3A, %jit3A : i32
    %ne3A_14 = arith.constant 0 : i32
    %ne3A_15 = arith.cmpi ne, %rem3A, %ne3A_14 : i32
    %and3A = arith.andi %ne3A, %ne3A_15 : i1
    %sub3A = arith.constant 1 : i32
    %sub3A_16 = arith.subi %div3A, %sub3A : i32
    %select_n3A = arith.select %and3A, %sub3A_16, %div3A : i32
    %mul3A_17 = arith.constant 4 : i32
    %mul3A_18 = arith.muli %mul3A_17, %add3A : i32
    "tpu.region"() ({
      %run_scoped3A = tpu.sem_alloc : memref<!tpu.dma_semaphore, #tpu.memory_space<semaphore_mem>>
      %dma_start3A_107 = arith.constant 0 : i32
      %dma_start3A_108 = tpu.memref_slice %arg2[%mul3A_18, %dma_start3A_107] : memref<128x10000xf32, #tpu.memory_space<hbm>> -> memref<4x10000xf32, #tpu.memory_space<hbm>>
      %dma_start3A_109 = arith.constant 0 : i32
      %dma_start3A_110 = tpu.memref_slice %arg2[%mul3A_18, %dma_start3A_109] : memref<128x10000xf32, #tpu.memory_space<hbm>> -> memref<4x10000xf32, #tpu.memory_space<hbm>>
      tpu.enqueue_dma source(%dma_start3A_110 : memref<4x10000xf32, #tpu.memory_space<hbm>>) target(%arg6 : memref<4x10000xf32, #tpu.memory_space<vmem>>) target_semaphore(%run_scoped3A : memref<!tpu.dma_semaphore, #tpu.memory_space<semaphore_mem>>)
      %dma_wait3A_111 = arith.constant 0 : i32
      %dma_wait3A_112 = tpu.memref_slice %arg2[%mul3A_18, %dma_wait3A_111] : memref<128x10000xf32, #tpu.memory_space<hbm>> -> memref<4x10000xf32, #tpu.memory_space<hbm>>
      %dma_wait3A_113 = arith.constant 0 : i32
      %dma_wait3A_114 = tpu.memref_slice %arg2[%mul3A_18, %dma_wait3A_113] : memref<128x10000xf32, #tpu.memory_space<hbm>> -> memref<4x10000xf32, #tpu.memory_space<hbm>>
      tpu.wait_dma2 semaphore(%run_scoped3A : memref<!tpu.dma_semaphore, #tpu.memory_space<semaphore_mem>>) src(%dma_wait3A_114 : memref<4x10000xf32, #tpu.memory_space<hbm>>) dst(%arg6 : memref<4x10000xf32, #tpu.memory_space<vmem>>)
      tpu.yield
    }) : () -> ()
    "tpu.region"() ({
      %run_scoped3A = tpu.sem_alloc : memref<!tpu.dma_semaphore, #tpu.memory_space<semaphore_mem>>
      %dma_start3A_107 = arith.constant 0 : i32
      %dma_start3A_108 = tpu.memref_slice %arg3[%select_n3A, %dma_start3A_107] : memref<8x10000xf32, #tpu.memory_space<hbm>> -> memref<1x10000xf32, #tpu.memory_space<hbm>>
      %dma_start3A_109 = arith.constant 0 : i32
      %dma_start3A_110 = tpu.memref_slice %arg3[%select_n3A, %dma_start3A_109] : memref<8x10000xf32, #tpu.memory_space<hbm>> -> memref<1x10000xf32, #tpu.memory_space<hbm>>
      tpu.enqueue_dma source(%dma_start3A_110 : memref<1x10000xf32, #tpu.memory_space<hbm>>) target(%arg8 : memref<1x10000xf32, #tpu.memory_space<vmem>>) target_semaphore(%run_scoped3A : memref<!tpu.dma_semaphore, #tpu.memory_space<semaphore_mem>>)
      %dma_wait3A_111 = arith.constant 0 : i32
      %dma_wait3A_112 = tpu.memref_slice %arg3[%select_n3A, %dma_wait3A_111] : memref<8x10000xf32, #tpu.memory_space<hbm>> -> memref<1x10000xf32, #tpu.memory_space<hbm>>
      %dma_wait3A_113 = arith.constant 0 : i32
      %dma_wait3A_114 = tpu.memref_slice %arg3[%select_n3A, %dma_wait3A_113] : memref<8x10000xf32, #tpu.memory_space<hbm>> -> memref<1x10000xf32, #tpu.memory_space<hbm>>
      tpu.wait_dma2 semaphore(%run_scoped3A : memref<!tpu.dma_semaphore, #tpu.memory_space<semaphore_mem>>) src(%dma_wait3A_114 : memref<1x10000xf32, #tpu.memory_space<hbm>>) dst(%arg8 : memref<1x10000xf32, #tpu.memory_space<vmem>>)
      tpu.yield
    }) : () -> ()
    %add3A_19 = arith.constant 4 : i32
    %add3A_20 = arith.addi %add3A_19, %select_n3A : i32
    "tpu.region"() ({
      %run_scoped3A = tpu.sem_alloc : memref<!tpu.dma_semaphore, #tpu.memory_space<semaphore_mem>>
      %dma_start3A_107 = arith.constant 0 : i32
      %dma_start3A_108 = tpu.memref_slice %arg3[%add3A_20, %dma_start3A_107] : memref<8x10000xf32, #tpu.memory_space<hbm>> -> memref<1x10000xf32, #tpu.memory_space<hbm>>
      %dma_start3A_109 = arith.constant 0 : i32
      %dma_start3A_110 = tpu.memref_slice %arg3[%add3A_20, %dma_start3A_109] : memref<8x10000xf32, #tpu.memory_space<hbm>> -> memref<1x10000xf32, #tpu.memory_space<hbm>>
      tpu.enqueue_dma source(%dma_start3A_110 : memref<1x10000xf32, #tpu.memory_space<hbm>>) target(%arg9 : memref<1x10000xf32, #tpu.memory_space<vmem>>) target_semaphore(%run_scoped3A : memref<!tpu.dma_semaphore, #tpu.memory_space<semaphore_mem>>)
      %dma_wait3A_111 = arith.constant 0 : i32
      %dma_wait3A_112 = tpu.memref_slice %arg3[%add3A_20, %dma_wait3A_111] : memref<8x10000xf32, #tpu.memory_space<hbm>> -> memref<1x10000xf32, #tpu.memory_space<hbm>>
      %dma_wait3A_113 = arith.constant 0 : i32
      %dma_wait3A_114 = tpu.memref_slice %arg3[%add3A_20, %dma_wait3A_113] : memref<8x10000xf32, #tpu.memory_space<hbm>> -> memref<1x10000xf32, #tpu.memory_space<hbm>>
      tpu.wait_dma2 semaphore(%run_scoped3A : memref<!tpu.dma_semaphore, #tpu.memory_space<semaphore_mem>>) src(%dma_wait3A_114 : memref<1x10000xf32, #tpu.memory_space<hbm>>) dst(%arg9 : memref<1x10000xf32, #tpu.memory_space<vmem>>)
      tpu.yield
    }) : () -> ()
    %broadcast_in_dim3A = arith.constant 0.000000e+00 : f32
    %broadcast_in_dim3A_21 = vector.broadcast %broadcast_in_dim3A : f32 to vector<16xf32>
    %parallel_loop3A = arith.constant 0 : i32
    %parallel_loop3A_22 = arith.constant 625 : i32
    %parallel_loop3A_23 = arith.constant 1 : i32
    scf.for %parallel_loop3A_107 = %parallel_loop3A to %parallel_loop3A_22 step %parallel_loop3A_23  : i32 {
      %parallel_loop3A_108 = arith.constant 16 : i32
      %parallel_loop3A_109 = arith.muli %parallel_loop3A_107, %parallel_loop3A_108 : i32
      %parallel_loop3A_110 = arith.index_cast %parallel_loop3A_109 : i32 to index
      %parallel_loop3A_111 = tpu.vector_load %arg10[%parallel_loop3A_110] {strides = array<i32>} : memref<10000xf32, #tpu.memory_space<vmem>>, vector<16xf32>,
      tpu.vector_store %arg10[%parallel_loop3A_110], %broadcast_in_dim3A_21 {strides = array<i32>} : memref<10000xf32, #tpu.memory_space<vmem>>, vector<16xf32>,
      %parallel_loop3A_112 = arith.constant 16 : i32
      %parallel_loop3A_113 = arith.muli %parallel_loop3A_107, %parallel_loop3A_112 : i32
      %parallel_loop3A_114 = arith.constant 0 : i32
      %parallel_loop3A_115 = arith.index_cast %parallel_loop3A_114 : i32 to index
      %parallel_loop3A_116 = arith.index_cast %parallel_loop3A_113 : i32 to index
      %parallel_loop3A_117 = tpu.vector_load %arg7[%parallel_loop3A_115, %parallel_loop3A_116] {strides = array<i32>} : memref<4x10000xf32, #tpu.memory_space<vmem>>, vector<16xf32>,
      tpu.vector_store %arg7[%parallel_loop3A_115, %parallel_loop3A_116], %broadcast_in_dim3A_21 {strides = array<i32>} : memref<4x10000xf32, #tpu.memory_space<vmem>>, vector<16xf32>,
      %parallel_loop3A_118 = arith.constant 16 : i32
      %parallel_loop3A_119 = arith.muli %parallel_loop3A_107, %parallel_loop3A_118 : i32
      %parallel_loop3A_120 = arith.constant 1 : i32
      %parallel_loop3A_121 = arith.index_cast %parallel_loop3A_120 : i32 to index
      %parallel_loop3A_122 = arith.index_cast %parallel_loop3A_119 : i32 to index
      %parallel_loop3A_123 = tpu.vector_load %arg7[%parallel_loop3A_121, %parallel_loop3A_122] {strides = array<i32>} : memref<4x10000xf32, #tpu.memory_space<vmem>>, vector<16xf32>,
      tpu.vector_store %arg7[%parallel_loop3A_121, %parallel_loop3A_122], %broadcast_in_dim3A_21 {strides = array<i32>} : memref<4x10000xf32, #tpu.memory_space<vmem>>, vector<16xf32>,
      %parallel_loop3A_124 = arith.constant 16 : i32
      %parallel_loop3A_125 = arith.muli %parallel_loop3A_107, %parallel_loop3A_124 : i32
      %parallel_loop3A_126 = arith.constant 2 : i32
      %parallel_loop3A_127 = arith.index_cast %parallel_loop3A_126 : i32 to index
      %parallel_loop3A_128 = arith.index_cast %parallel_loop3A_125 : i32 to index
      %parallel_loop3A_129 = tpu.vector_load %arg7[%parallel_loop3A_127, %parallel_loop3A_128] {strides = array<i32>} : memref<4x10000xf32, #tpu.memory_space<vmem>>, vector<16xf32>,
      tpu.vector_store %arg7[%parallel_loop3A_127, %parallel_loop3A_128], %broadcast_in_dim3A_21 {strides = array<i32>} : memref<4x10000xf32, #tpu.memory_space<vmem>>, vector<16xf32>,
      %parallel_loop3A_130 = arith.constant 16 : i32
      %parallel_loop3A_131 = arith.muli %parallel_loop3A_107, %parallel_loop3A_130 : i32
      %parallel_loop3A_132 = arith.constant 3 : i32
      %parallel_loop3A_133 = arith.index_cast %parallel_loop3A_132 : i32 to index
      %parallel_loop3A_134 = arith.index_cast %parallel_loop3A_131 : i32 to index
      %parallel_loop3A_135 = tpu.vector_load %arg7[%parallel_loop3A_133, %parallel_loop3A_134] {strides = array<i32>} : memref<4x10000xf32, #tpu.memory_space<vmem>>, vector<16xf32>,
      tpu.vector_store %arg7[%parallel_loop3A_133, %parallel_loop3A_134], %broadcast_in_dim3A_21 {strides = array<i32>} : memref<4x10000xf32, #tpu.memory_space<vmem>>, vector<16xf32>,
    } {sc.loop_unroll_factor = 4 : i64, sc.parallel_access}
    %dma_start3A = arith.constant 0 : i32
    %dma_start3A_24 = arith.constant 0 : i32
    %dma_start3A_25 = arith.constant 0 : i32
    %dma_start3A_26 = tpu.memref_slice %arg11[%dma_start3A, %dma_start3A_24, %dma_start3A_25] : memref<2x2x3200xi32, #tpu.memory_space<vmem>> -> memref<1x2x3200xi32, #tpu.memory_space<vmem>>
    %dma_start3A_27 = tpu.memref_squeeze %dma_start3A_26 : memref<1x2x3200xi32, #tpu.memory_space<vmem>> -> memref<2x3200xi32, #tpu.memory_space<vmem>>
    %dma_start3A_28 = arith.constant 0 : i32
    %dma_start3A_29 = arith.constant 0 : i32
    %dma_start3A_30 = tpu.memref_slice %arg4[%dma_start3A_28, %dma_start3A_29] : memref<2x320000xi32, #tpu.memory_space<hbm>> -> memref<2x3200xi32, #tpu.memory_space<hbm>>
    %dma_start3A_31 = arith.constant 0 : i32
    %dma_start3A_32 = arith.constant 0 : i32
    %dma_start3A_33 = tpu.memref_slice %arg11[%dma_start3A, %dma_start3A_31, %dma_start3A_32] : memref<2x2x3200xi32, #tpu.memory_space<vmem>> -> memref<1x2x3200xi32, #tpu.memory_space<vmem>>
    %dma_start3A_34 = tpu.memref_squeeze %dma_start3A_33 : memref<1x2x3200xi32, #tpu.memory_space<vmem>> -> memref<2x3200xi32, #tpu.memory_space<vmem>>
    %dma_start3A_35 = arith.constant 0 : i32
    %dma_start3A_36 = arith.constant 0 : i32
    %dma_start3A_37 = tpu.memref_slice %arg4[%dma_start3A_35, %dma_start3A_36] : memref<2x320000xi32, #tpu.memory_space<hbm>> -> memref<2x3200xi32, #tpu.memory_space<hbm>>
    tpu.enqueue_dma source(%dma_start3A_37 : memref<2x3200xi32, #tpu.memory_space<hbm>>) target(%dma_start3A_34 : memref<2x3200xi32, #tpu.memory_space<vmem>>) target_semaphore(%arg12 : memref<!tpu.dma_semaphore, #tpu.memory_space<semaphore_mem>>)
    %dma_start3A_38 = arith.constant 1 : i32
    %dma_start3A_39 = arith.constant 0 : i32
    %dma_start3A_40 = arith.constant 0 : i32
    %dma_start3A_41 = tpu.memref_slice %arg11[%dma_start3A_38, %dma_start3A_39, %dma_start3A_40] : memref<2x2x3200xi32, #tpu.memory_space<vmem>> -> memref<1x2x3200xi32, #tpu.memory_space<vmem>>
    %dma_start3A_42 = tpu.memref_squeeze %dma_start3A_41 : memref<1x2x3200xi32, #tpu.memory_space<vmem>> -> memref<2x3200xi32, #tpu.memory_space<vmem>>
    %dma_start3A_43 = arith.constant 0 : i32
    %dma_start3A_44 = arith.constant 3200 : i32
    %dma_start3A_45 = tpu.memref_slice %arg4[%dma_start3A_43, %dma_start3A_44] : memref<2x320000xi32, #tpu.memory_space<hbm>> -> memref<2x3200xi32, #tpu.memory_space<hbm>>
    %dma_start3A_46 = arith.constant 0 : i32
    %dma_start3A_47 = arith.constant 0 : i32
    %dma_start3A_48 = tpu.memref_slice %arg11[%dma_start3A_38, %dma_start3A_46, %dma_start3A_47] : memref<2x2x3200xi32, #tpu.memory_space<vmem>> -> memref<1x2x3200xi32, #tpu.memory_space<vmem>>
    %dma_start3A_49 = tpu.memref_squeeze %dma_start3A_48 : memref<1x2x3200xi32, #tpu.memory_space<vmem>> -> memref<2x3200xi32, #tpu.memory_space<vmem>>
    %dma_start3A_50 = arith.constant 0 : i32
    %dma_start3A_51 = arith.constant 3200 : i32
    %dma_start3A_52 = tpu.memref_slice %arg4[%dma_start3A_50, %dma_start3A_51] : memref<2x320000xi32, #tpu.memory_space<hbm>> -> memref<2x3200xi32, #tpu.memory_space<hbm>>
    tpu.enqueue_dma source(%dma_start3A_52 : memref<2x3200xi32, #tpu.memory_space<hbm>>) target(%dma_start3A_49 : memref<2x3200xi32, #tpu.memory_space<vmem>>) target_semaphore(%arg13 : memref<!tpu.dma_semaphore, #tpu.memory_space<semaphore_mem>>)
    %broadcast_in_dim3A_53 = arith.constant 0 : i32
    %broadcast_in_dim3A_54 = vector.broadcast %broadcast_in_dim3A_53 : i32 to vector<16xi32>
    %broadcast_in_dim3A_55 = arith.constant 0 : i32
    %broadcast_in_dim3A_56 = vector.broadcast %broadcast_in_dim3A_55 : i32 to vector<16xi32>
    %broadcast_in_dim3A_57 = arith.constant 1 : i32
    %broadcast_in_dim3A_58 = vector.broadcast %broadcast_in_dim3A_57 : i32 to vector<16xi32>
    %broadcast_in_dim3A_59 = arith.constant 2 : i32
    %broadcast_in_dim3A_60 = vector.broadcast %broadcast_in_dim3A_59 : i32 to vector<16xi32>
    %broadcast_in_dim3A_61 = arith.constant 3 : i32
    %broadcast_in_dim3A_62 = vector.broadcast %broadcast_in_dim3A_61 : i32 to vector<16xi32>
    %scan3A = arith.constant 0 : i32
    %scan3A_63 = arith.constant 0 : i32
    %scan3A_64 = arith.constant 50 : i32
    %scan3A_65 = arith.addi %scan3A_63, %scan3A_64 : i32
    %scan3A_66 = arith.constant 1 : i32
    %scan3A_67 = scf.for %scan3A_107 = %scan3A_63 to %scan3A_65 step %scan3A_66 iter_args(%scan3A_108 = %scan3A) -> (i32)  : i32 {
      %mul3A_109 = arith.constant 2 : i32
      %mul3A_110 = arith.muli %mul3A_109, %scan3A_107 : i32
      %add3A_111 = arith.constant 0 : i32
      %add3A_112 = arith.addi %mul3A_110, %add3A_111 : i32
      %dma_wait3A_113 = arith.constant 0 : i32
      %dma_wait3A_114 = arith.constant 0 : i32
      %dma_wait3A_115 = arith.constant 0 : i32
      %dma_wait3A_116 = tpu.memref_slice %arg11[%dma_wait3A_113, %dma_wait3A_114, %dma_wait3A_115] : memref<2x2x3200xi32, #tpu.memory_space<vmem>> -> memref<1x2x3200xi32, #tpu.memory_space<vmem>>
      %dma_wait3A_117 = tpu.memref_squeeze %dma_wait3A_116 : memref<1x2x3200xi32, #tpu.memory_space<vmem>> -> memref<2x3200xi32, #tpu.memory_space<vmem>>
      %dma_wait3A_118 = arith.constant 0 : i32
      %dma_wait3A_119 = arith.constant 0 : i32
      %dma_wait3A_120 = tpu.memref_slice %arg4[%dma_wait3A_118, %dma_wait3A_119] : memref<2x320000xi32, #tpu.memory_space<hbm>> -> memref<2x3200xi32, #tpu.memory_space<hbm>>
      %dma_wait3A_121 = arith.constant 0 : i32
      %dma_wait3A_122 = arith.constant 0 : i32
      %dma_wait3A_123 = tpu.memref_slice %arg11[%dma_wait3A_113, %dma_wait3A_121, %dma_wait3A_122] : memref<2x2x3200xi32, #tpu.memory_space<vmem>> -> memref<1x2x3200xi32, #tpu.memory_space<vmem>>
      %dma_wait3A_124 = tpu.memref_squeeze %dma_wait3A_123 : memref<1x2x3200xi32, #tpu.memory_space<vmem>> -> memref<2x3200xi32, #tpu.memory_space<vmem>>
      %dma_wait3A_125 = arith.constant 0 : i32
      %dma_wait3A_126 = arith.constant 0 : i32
      %dma_wait3A_127 = tpu.memref_slice %arg4[%dma_wait3A_125, %dma_wait3A_126] : memref<2x320000xi32, #tpu.memory_space<hbm>> -> memref<2x3200xi32, #tpu.memory_space<hbm>>
      tpu.wait_dma2 semaphore(%arg12 : memref<!tpu.dma_semaphore, #tpu.memory_space<semaphore_mem>>) src(%dma_wait3A_127 : memref<2x3200xi32, #tpu.memory_space<hbm>>) dst(%dma_wait3A_124 : memref<2x3200xi32, #tpu.memory_space<vmem>>)
      %parallel_loop3A_128 = arith.constant 0 : i32
      %parallel_loop3A_129 = arith.constant 200 : i32
      %parallel_loop3A_130 = arith.constant 1 : i32
      scf.for %parallel_loop3A_191 = %parallel_loop3A_128 to %parallel_loop3A_129 step %parallel_loop3A_130  : i32 {
        %parallel_loop3A_192 = arith.constant 16 : i32
        %parallel_loop3A_193 = arith.muli %parallel_loop3A_191, %parallel_loop3A_192 : i32
        %parallel_loop3A_194 = arith.constant 0 : i32
        %parallel_loop3A_195 = arith.constant 0 : i32
        %parallel_loop3A_196 = arith.index_cast %parallel_loop3A_194 : i32 to index
        %parallel_loop3A_197 = arith.index_cast %parallel_loop3A_195 : i32 to index
        %parallel_loop3A_198 = arith.index_cast %parallel_loop3A_193 : i32 to index
        %parallel_loop3A_199 = tpu.vector_load %arg11[%parallel_loop3A_196, %parallel_loop3A_197, %parallel_loop3A_198] {strides = array<i32>} : memref<2x2x3200xi32, #tpu.memory_space<vmem>>, vector<16xi32>,
        %parallel_loop3A_200 = arith.constant 16 : i32
        %parallel_loop3A_201 = arith.muli %parallel_loop3A_191, %parallel_loop3A_200 : i32
        %parallel_loop3A_202 = arith.constant 0 : i32
        %parallel_loop3A_203 = arith.constant 1 : i32
        %parallel_loop3A_204 = arith.index_cast %parallel_loop3A_202 : i32 to index
        %parallel_loop3A_205 = arith.index_cast %parallel_loop3A_203 : i32 to index
        %parallel_loop3A_206 = arith.index_cast %parallel_loop3A_201 : i32 to index
        %parallel_loop3A_207 = tpu.vector_load %arg11[%parallel_loop3A_204, %parallel_loop3A_205, %parallel_loop3A_206] {strides = array<i32>} : memref<2x2x3200xi32, #tpu.memory_space<vmem>>, vector<16xi32>,
        %parallel_loop3A_208 = tpu.vector_load_idx %arg8[%broadcast_in_dim3A_54, %parallel_loop3A_199] : memref<1x10000xf32, #tpu.memory_space<vmem>>[vector<16xi32>, vector<16xi32>], vector<16xf32>,
        %parallel_loop3A_209 = tpu.vector_load_idx %arg9[%broadcast_in_dim3A_54, %parallel_loop3A_207] : memref<1x10000xf32, #tpu.memory_space<vmem>>[vector<16xi32>, vector<16xi32>], vector<16xf32>,
        %parallel_loop3A_210 = arith.addf %parallel_loop3A_208, %parallel_loop3A_209 : vector<16xf32>
        %parallel_loop3A_211 = arith.constant 2.000000e-01 : f32
        %parallel_loop3A_212 = vector.broadcast %parallel_loop3A_211 : f32 to vector<16xf32>
        %parallel_loop3A_213 = arith.mulf %parallel_loop3A_212, %parallel_loop3A_210 : vector<16xf32>
        %parallel_loop3A_214 = arith.maximumf %parallel_loop3A_210, %parallel_loop3A_213 : vector<16xf32>
        %parallel_loop3A_215 = math.exp %parallel_loop3A_214 : vector<16xf32>
        tpu.vector_store_idx %arg10[%parallel_loop3A_207], %parallel_loop3A_215 {add = true} : memref<10000xf32, #tpu.memory_space<vmem>>[vector<16xi32>], vector<16xf32>,
        %parallel_loop3A_216 = tpu.vector_load_idx %arg6[%broadcast_in_dim3A_56, %parallel_loop3A_199] : memref<4x10000xf32, #tpu.memory_space<vmem>>[vector<16xi32>, vector<16xi32>], vector<16xf32>,
        %parallel_loop3A_217 = arith.mulf %parallel_loop3A_216, %parallel_loop3A_215 : vector<16xf32>
        tpu.vector_store_idx %arg7[%broadcast_in_dim3A_56, %parallel_loop3A_207], %parallel_loop3A_217 {add = true} : memref<4x10000xf32, #tpu.memory_space<vmem>>[vector<16xi32>, vector<16xi32>], vector<16xf32>,
        %parallel_loop3A_218 = tpu.vector_load_idx %arg6[%broadcast_in_dim3A_58, %parallel_loop3A_199] : memref<4x10000xf32, #tpu.memory_space<vmem>>[vector<16xi32>, vector<16xi32>], vector<16xf32>,
        %parallel_loop3A_219 = arith.mulf %parallel_loop3A_218, %parallel_loop3A_215 : vector<16xf32>
        tpu.vector_store_idx %arg7[%broadcast_in_dim3A_58, %parallel_loop3A_207], %parallel_loop3A_219 {add = true} : memref<4x10000xf32, #tpu.memory_space<vmem>>[vector<16xi32>, vector<16xi32>], vector<16xf32>,
        %parallel_loop3A_220 = tpu.vector_load_idx %arg6[%broadcast_in_dim3A_60, %parallel_loop3A_199] : memref<4x10000xf32, #tpu.memory_space<vmem>>[vector<16xi32>, vector<16xi32>], vector<16xf32>,
        %parallel_loop3A_221 = arith.mulf %parallel_loop3A_220, %parallel_loop3A_215 : vector<16xf32>
        tpu.vector_store_idx %arg7[%broadcast_in_dim3A_60, %parallel_loop3A_207], %parallel_loop3A_221 {add = true} : memref<4x10000xf32, #tpu.memory_space<vmem>>[vector<16xi32>, vector<16xi32>], vector<16xf32>,
        %parallel_loop3A_222 = tpu.vector_load_idx %arg6[%broadcast_in_dim3A_62, %parallel_loop3A_199] : memref<4x10000xf32, #tpu.memory_space<vmem>>[vector<16xi32>, vector<16xi32>], vector<16xf32>,
        %parallel_loop3A_223 = arith.mulf %parallel_loop3A_222, %parallel_loop3A_215 : vector<16xf32>
        tpu.vector_store_idx %arg7[%broadcast_in_dim3A_62, %parallel_loop3A_207], %parallel_loop3A_223 {add = true} : memref<4x10000xf32, #tpu.memory_space<vmem>>[vector<16xi32>, vector<16xi32>], vector<16xf32>,
      } {sc.loop_unroll_factor = 4 : i64, sc.parallel_access}
      %add3A_131 = arith.constant 2 : i32
      %add3A_132 = arith.addi %add3A_112, %add3A_131 : i32
      %mul3A_133 = arith.constant 3200 : i32
      %mul3A_134 = arith.muli %add3A_132, %mul3A_133 : i32
      %min3A = arith.constant 316800 : i32
      %min3A_135 = arith.minsi %mul3A_134, %min3A : i32
      %dma_start3A_136 = arith.constant 0 : i32
      %dma_start3A_137 = arith.constant 0 : i32
      %dma_start3A_138 = arith.constant 0 : i32
      %dma_start3A_139 = tpu.memref_slice %arg11[%dma_start3A_136, %dma_start3A_137, %dma_start3A_138] : memref<2x2x3200xi32, #tpu.memory_space<vmem>> -> memref<1x2x3200xi32, #tpu.memory_space<vmem>>
      %dma_start3A_140 = tpu.memref_squeeze %dma_start3A_139 : memref<1x2x3200xi32, #tpu.memory_space<vmem>> -> memref<2x3200xi32, #tpu.memory_space<vmem>>
      %dma_start3A_141 = arith.constant 0 : i32
      %dma_start3A_142 = tpu.memref_slice %arg4[%dma_start3A_141, %min3A_135] : memref<2x320000xi32, #tpu.memory_space<hbm>> -> memref<2x3200xi32, #tpu.memory_space<hbm>>
      %dma_start3A_143 = arith.constant 0 : i32
      %dma_start3A_144 = arith.constant 0 : i32
      %dma_start3A_145 = tpu.memref_slice %arg11[%dma_start3A_136, %dma_start3A_143, %dma_start3A_144] : memref<2x2x3200xi32, #tpu.memory_space<vmem>> -> memref<1x2x3200xi32, #tpu.memory_space<vmem>>
      %dma_start3A_146 = tpu.memref_squeeze %dma_start3A_145 : memref<1x2x3200xi32, #tpu.memory_space<vmem>> -> memref<2x3200xi32, #tpu.memory_space<vmem>>
      %dma_start3A_147 = arith.constant 0 : i32
      %dma_start3A_148 = tpu.memref_slice %arg4[%dma_start3A_147, %min3A_135] : memref<2x320000xi32, #tpu.memory_space<hbm>> -> memref<2x3200xi32, #tpu.memory_space<hbm>>
      tpu.enqueue_dma source(%dma_start3A_148 : memref<2x3200xi32, #tpu.memory_space<hbm>>) target(%dma_start3A_146 : memref<2x3200xi32, #tpu.memory_space<vmem>>) target_semaphore(%arg12 : memref<!tpu.dma_semaphore, #tpu.memory_space<semaphore_mem>>)
      %mul3A_149 = arith.constant 2 : i32
      %mul3A_150 = arith.muli %mul3A_149, %scan3A_107 : i32
      %add3A_151 = arith.constant 1 : i32
      %add3A_152 = arith.addi %mul3A_150, %add3A_151 : i32
      %dma_wait3A_153 = arith.constant 1 : i32
      %dma_wait3A_154 = arith.constant 0 : i32
      %dma_wait3A_155 = arith.constant 0 : i32
      %dma_wait3A_156 = tpu.memref_slice %arg11[%dma_wait3A_153, %dma_wait3A_154, %dma_wait3A_155] : memref<2x2x3200xi32, #tpu.memory_space<vmem>> -> memref<1x2x3200xi32, #tpu.memory_space<vmem>>
      %dma_wait3A_157 = tpu.memref_squeeze %dma_wait3A_156 : memref<1x2x3200xi32, #tpu.memory_space<vmem>> -> memref<2x3200xi32, #tpu.memory_space<vmem>>
      %dma_wait3A_158 = arith.constant 0 : i32
      %dma_wait3A_159 = arith.constant 0 : i32
      %dma_wait3A_160 = tpu.memref_slice %arg4[%dma_wait3A_158, %dma_wait3A_159] : memref<2x320000xi32, #tpu.memory_space<hbm>> -> memref<2x3200xi32, #tpu.memory_space<hbm>>
      %dma_wait3A_161 = arith.constant 0 : i32
      %dma_wait3A_162 = arith.constant 0 : i32
      %dma_wait3A_163 = tpu.memref_slice %arg11[%dma_wait3A_153, %dma_wait3A_161, %dma_wait3A_162] : memref<2x2x3200xi32, #tpu.memory_space<vmem>> -> memref<1x2x3200xi32, #tpu.memory_space<vmem>>
      %dma_wait3A_164 = tpu.memref_squeeze %dma_wait3A_163 : memref<1x2x3200xi32, #tpu.memory_space<vmem>> -> memref<2x3200xi32, #tpu.memory_space<vmem>>
      %dma_wait3A_165 = arith.constant 0 : i32
      %dma_wait3A_166 = arith.constant 0 : i32
      %dma_wait3A_167 = tpu.memref_slice %arg4[%dma_wait3A_165, %dma_wait3A_166] : memref<2x320000xi32, #tpu.memory_space<hbm>> -> memref<2x3200xi32, #tpu.memory_space<hbm>>
      tpu.wait_dma2 semaphore(%arg13 : memref<!tpu.dma_semaphore, #tpu.memory_space<semaphore_mem>>) src(%dma_wait3A_167 : memref<2x3200xi32, #tpu.memory_space<hbm>>) dst(%dma_wait3A_164 : memref<2x3200xi32, #tpu.memory_space<vmem>>)
      %parallel_loop3A_168 = arith.constant 0 : i32
      %parallel_loop3A_169 = arith.constant 200 : i32
      %parallel_loop3A_170 = arith.constant 1 : i32
      scf.for %parallel_loop3A_191 = %parallel_loop3A_168 to %parallel_loop3A_169 step %parallel_loop3A_170  : i32 {
        %parallel_loop3A_192 = arith.constant 16 : i32
        %parallel_loop3A_193 = arith.muli %parallel_loop3A_191, %parallel_loop3A_192 : i32
        %parallel_loop3A_194 = arith.constant 1 : i32
        %parallel_loop3A_195 = arith.constant 0 : i32
        %parallel_loop3A_196 = arith.index_cast %parallel_loop3A_194 : i32 to index
        %parallel_loop3A_197 = arith.index_cast %parallel_loop3A_195 : i32 to index
        %parallel_loop3A_198 = arith.index_cast %parallel_loop3A_193 : i32 to index
        %parallel_loop3A_199 = tpu.vector_load %arg11[%parallel_loop3A_196, %parallel_loop3A_197, %parallel_loop3A_198] {strides = array<i32>} : memref<2x2x3200xi32, #tpu.memory_space<vmem>>, vector<16xi32>,
        %parallel_loop3A_200 = arith.constant 16 : i32
        %parallel_loop3A_201 = arith.muli %parallel_loop3A_191, %parallel_loop3A_200 : i32
        %parallel_loop3A_202 = arith.constant 1 : i32
        %parallel_loop3A_203 = arith.constant 1 : i32
        %parallel_loop3A_204 = arith.index_cast %parallel_loop3A_202 : i32 to index
        %parallel_loop3A_205 = arith.index_cast %parallel_loop3A_203 : i32 to index
        %parallel_loop3A_206 = arith.index_cast %parallel_loop3A_201 : i32 to index
        %parallel_loop3A_207 = tpu.vector_load %arg11[%parallel_loop3A_204, %parallel_loop3A_205, %parallel_loop3A_206] {strides = array<i32>} : memref<2x2x3200xi32, #tpu.memory_space<vmem>>, vector<16xi32>,
        %parallel_loop3A_208 = tpu.vector_load_idx %arg8[%broadcast_in_dim3A_54, %parallel_loop3A_199] : memref<1x10000xf32, #tpu.memory_space<vmem>>[vector<16xi32>, vector<16xi32>], vector<16xf32>,
        %parallel_loop3A_209 = tpu.vector_load_idx %arg9[%broadcast_in_dim3A_54, %parallel_loop3A_207] : memref<1x10000xf32, #tpu.memory_space<vmem>>[vector<16xi32>, vector<16xi32>], vector<16xf32>,
        %parallel_loop3A_210 = arith.addf %parallel_loop3A_208, %parallel_loop3A_209 : vector<16xf32>
        %parallel_loop3A_211 = arith.constant 2.000000e-01 : f32
        %parallel_loop3A_212 = vector.broadcast %parallel_loop3A_211 : f32 to vector<16xf32>
        %parallel_loop3A_213 = arith.mulf %parallel_loop3A_212, %parallel_loop3A_210 : vector<16xf32>
        %parallel_loop3A_214 = arith.maximumf %parallel_loop3A_210, %parallel_loop3A_213 : vector<16xf32>
        %parallel_loop3A_215 = math.exp %parallel_loop3A_214 : vector<16xf32>
        tpu.vector_store_idx %arg10[%parallel_loop3A_207], %parallel_loop3A_215 {add = true} : memref<10000xf32, #tpu.memory_space<vmem>>[vector<16xi32>], vector<16xf32>,
        %parallel_loop3A_216 = tpu.vector_load_idx %arg6[%broadcast_in_dim3A_56, %parallel_loop3A_199] : memref<4x10000xf32, #tpu.memory_space<vmem>>[vector<16xi32>, vector<16xi32>], vector<16xf32>,
        %parallel_loop3A_217 = arith.mulf %parallel_loop3A_216, %parallel_loop3A_215 : vector<16xf32>
        tpu.vector_store_idx %arg7[%broadcast_in_dim3A_56, %parallel_loop3A_207], %parallel_loop3A_217 {add = true} : memref<4x10000xf32, #tpu.memory_space<vmem>>[vector<16xi32>, vector<16xi32>], vector<16xf32>,
        %parallel_loop3A_218 = tpu.vector_load_idx %arg6[%broadcast_in_dim3A_58, %parallel_loop3A_199] : memref<4x10000xf32, #tpu.memory_space<vmem>>[vector<16xi32>, vector<16xi32>], vector<16xf32>,
        %parallel_loop3A_219 = arith.mulf %parallel_loop3A_218, %parallel_loop3A_215 : vector<16xf32>
        tpu.vector_store_idx %arg7[%broadcast_in_dim3A_58, %parallel_loop3A_207], %parallel_loop3A_219 {add = true} : memref<4x10000xf32, #tpu.memory_space<vmem>>[vector<16xi32>, vector<16xi32>], vector<16xf32>,
        %parallel_loop3A_220 = tpu.vector_load_idx %arg6[%broadcast_in_dim3A_60, %parallel_loop3A_199] : memref<4x10000xf32, #tpu.memory_space<vmem>>[vector<16xi32>, vector<16xi32>], vector<16xf32>,
        %parallel_loop3A_221 = arith.mulf %parallel_loop3A_220, %parallel_loop3A_215 : vector<16xf32>
        tpu.vector_store_idx %arg7[%broadcast_in_dim3A_60, %parallel_loop3A_207], %parallel_loop3A_221 {add = true} : memref<4x10000xf32, #tpu.memory_space<vmem>>[vector<16xi32>, vector<16xi32>], vector<16xf32>,
        %parallel_loop3A_222 = tpu.vector_load_idx %arg6[%broadcast_in_dim3A_62, %parallel_loop3A_199] : memref<4x10000xf32, #tpu.memory_space<vmem>>[vector<16xi32>, vector<16xi32>], vector<16xf32>,
        %parallel_loop3A_223 = arith.mulf %parallel_loop3A_222, %parallel_loop3A_215 : vector<16xf32>
        tpu.vector_store_idx %arg7[%broadcast_in_dim3A_62, %parallel_loop3A_207], %parallel_loop3A_223 {add = true} : memref<4x10000xf32, #tpu.memory_space<vmem>>[vector<16xi32>, vector<16xi32>], vector<16xf32>,
      } {sc.loop_unroll_factor = 4 : i64, sc.parallel_access}
      %add3A_171 = arith.constant 2 : i32
      %add3A_172 = arith.addi %add3A_152, %add3A_171 : i32
      %mul3A_173 = arith.constant 3200 : i32
      %mul3A_174 = arith.muli %add3A_172, %mul3A_173 : i32
      %min3A_175 = arith.constant 316800 : i32
      %min3A_176 = arith.minsi %mul3A_174, %min3A_175 : i32
      %dma_start3A_177 = arith.constant 1 : i32
      %dma_start3A_178 = arith.constant 0 : i32
      %dma_start3A_179 = arith.constant 0 : i32
      %dma_start3A_180 = tpu.memref_slice %arg11[%dma_start3A_177, %dma_start3A_178, %dma_start3A_179] : memref<2x2x3200xi32, #tpu.memory_space<vmem>> -> memref<1x2x3200xi32, #tpu.memory_space<vmem>>
      %dma_start3A_181 = tpu.memref_squeeze %dma_start3A_180 : memref<1x2x3200xi32, #tpu.memory_space<vmem>> -> memref<2x3200xi32, #tpu.memory_space<vmem>>
      %dma_start3A_182 = arith.constant 0 : i32
      %dma_start3A_183 = tpu.memref_slice %arg4[%dma_start3A_182, %min3A_176] : memref<2x320000xi32, #tpu.memory_space<hbm>> -> memref<2x3200xi32, #tpu.memory_space<hbm>>
      %dma_start3A_184 = arith.constant 0 : i32
      %dma_start3A_185 = arith.constant 0 : i32
      %dma_start3A_186 = tpu.memref_slice %arg11[%dma_start3A_177, %dma_start3A_184, %dma_start3A_185] : memref<2x2x3200xi32, #tpu.memory_space<vmem>> -> memref<1x2x3200xi32, #tpu.memory_space<vmem>>
      %dma_start3A_187 = tpu.memref_squeeze %dma_start3A_186 : memref<1x2x3200xi32, #tpu.memory_space<vmem>> -> memref<2x3200xi32, #tpu.memory_space<vmem>>
      %dma_start3A_188 = arith.constant 0 : i32
      %dma_start3A_189 = tpu.memref_slice %arg4[%dma_start3A_188, %min3A_176] : memref<2x320000xi32, #tpu.memory_space<hbm>> -> memref<2x3200xi32, #tpu.memory_space<hbm>>
      tpu.enqueue_dma source(%dma_start3A_189 : memref<2x3200xi32, #tpu.memory_space<hbm>>) target(%dma_start3A_187 : memref<2x3200xi32, #tpu.memory_space<vmem>>) target_semaphore(%arg13 : memref<!tpu.dma_semaphore, #tpu.memory_space<semaphore_mem>>)
      %scan3A_190 = arith.constant 0 : i32
      scf.yield %scan3A_190 : i32
    }
    %scan3A_68 = arith.constant 50 : i32
    %dma_wait3A = arith.constant 0 : i32
    %dma_wait3A_69 = arith.constant 0 : i32
    %dma_wait3A_70 = arith.constant 0 : i32
    %dma_wait3A_71 = tpu.memref_slice %arg11[%dma_wait3A, %dma_wait3A_69, %dma_wait3A_70] : memref<2x2x3200xi32, #tpu.memory_space<vmem>> -> memref<1x2x3200xi32, #tpu.memory_space<vmem>>
    %dma_wait3A_72 = tpu.memref_squeeze %dma_wait3A_71 : memref<1x2x3200xi32, #tpu.memory_space<vmem>> -> memref<2x3200xi32, #tpu.memory_space<vmem>>
    %dma_wait3A_73 = arith.constant 0 : i32
    %dma_wait3A_74 = arith.constant 0 : i32
    %dma_wait3A_75 = tpu.memref_slice %arg4[%dma_wait3A_73, %dma_wait3A_74] : memref<2x320000xi32, #tpu.memory_space<hbm>> -> memref<2x3200xi32, #tpu.memory_space<hbm>>
    %dma_wait3A_76 = arith.constant 0 : i32
    %dma_wait3A_77 = arith.constant 0 : i32
    %dma_wait3A_78 = tpu.memref_slice %arg11[%dma_wait3A, %dma_wait3A_76, %dma_wait3A_77] : memref<2x2x3200xi32, #tpu.memory_space<vmem>> -> memref<1x2x3200xi32, #tpu.memory_space<vmem>>
    %dma_wait3A_79 = tpu.memref_squeeze %dma_wait3A_78 : memref<1x2x3200xi32, #tpu.memory_space<vmem>> -> memref<2x3200xi32, #tpu.memory_space<vmem>>
    %dma_wait3A_80 = arith.constant 0 : i32
    %dma_wait3A_81 = arith.constant 0 : i32
    %dma_wait3A_82 = tpu.memref_slice %arg4[%dma_wait3A_80, %dma_wait3A_81] : memref<2x320000xi32, #tpu.memory_space<hbm>> -> memref<2x3200xi32, #tpu.memory_space<hbm>>
    tpu.wait_dma2 semaphore(%arg12 : memref<!tpu.dma_semaphore, #tpu.memory_space<semaphore_mem>>) src(%dma_wait3A_82 : memref<2x3200xi32, #tpu.memory_space<hbm>>) dst(%dma_wait3A_79 : memref<2x3200xi32, #tpu.memory_space<vmem>>)
    %dma_wait3A_83 = arith.constant 1 : i32
    %dma_wait3A_84 = arith.constant 0 : i32
    %dma_wait3A_85 = arith.constant 0 : i32
    %dma_wait3A_86 = tpu.memref_slice %arg11[%dma_wait3A_83, %dma_wait3A_84, %dma_wait3A_85] : memref<2x2x3200xi32, #tpu.memory_space<vmem>> -> memref<1x2x3200xi32, #tpu.memory_space<vmem>>
    %dma_wait3A_87 = tpu.memref_squeeze %dma_wait3A_86 : memref<1x2x3200xi32, #tpu.memory_space<vmem>> -> memref<2x3200xi32, #tpu.memory_space<vmem>>
    %dma_wait3A_88 = arith.constant 0 : i32
    %dma_wait3A_89 = arith.constant 0 : i32
    %dma_wait3A_90 = tpu.memref_slice %arg4[%dma_wait3A_88, %dma_wait3A_89] : memref<2x320000xi32, #tpu.memory_space<hbm>> -> memref<2x3200xi32, #tpu.memory_space<hbm>>
    %dma_wait3A_91 = arith.constant 0 : i32
    %dma_wait3A_92 = arith.constant 0 : i32
    %dma_wait3A_93 = tpu.memref_slice %arg11[%dma_wait3A_83, %dma_wait3A_91, %dma_wait3A_92] : memref<2x2x3200xi32, #tpu.memory_space<vmem>> -> memref<1x2x3200xi32, #tpu.memory_space<vmem>>
    %dma_wait3A_94 = tpu.memref_squeeze %dma_wait3A_93 : memref<1x2x3200xi32, #tpu.memory_space<vmem>> -> memref<2x3200xi32, #tpu.memory_space<vmem>>
    %dma_wait3A_95 = arith.constant 0 : i32
    %dma_wait3A_96 = arith.constant 0 : i32
    %dma_wait3A_97 = tpu.memref_slice %arg4[%dma_wait3A_95, %dma_wait3A_96] : memref<2x320000xi32, #tpu.memory_space<hbm>> -> memref<2x3200xi32, #tpu.memory_space<hbm>>
    tpu.wait_dma2 semaphore(%arg13 : memref<!tpu.dma_semaphore, #tpu.memory_space<semaphore_mem>>) src(%dma_wait3A_97 : memref<2x3200xi32, #tpu.memory_space<hbm>>) dst(%dma_wait3A_94 : memref<2x3200xi32, #tpu.memory_space<vmem>>)
    %broadcast_in_dim3A_98 = arith.constant 1.000000e+00 : f32
    %broadcast_in_dim3A_99 = vector.broadcast %broadcast_in_dim3A_98 : f32 to vector<16xf32>
    %broadcast_in_dim3A_100 = arith.constant 9.99999971E-10 : f32
    %broadcast_in_dim3A_101 = vector.broadcast %broadcast_in_dim3A_100 : f32 to vector<16xf32>
    %parallel_loop3A_102 = arith.constant 0 : i32
    %parallel_loop3A_103 = arith.constant 625 : i32
    %parallel_loop3A_104 = arith.constant 1 : i32
    scf.for %parallel_loop3A_107 = %parallel_loop3A_102 to %parallel_loop3A_103 step %parallel_loop3A_104  : i32 {
      %parallel_loop3A_108 = arith.constant 16 : i32
      %parallel_loop3A_109 = arith.muli %parallel_loop3A_107, %parallel_loop3A_108 : i32
      %parallel_loop3A_110 = arith.index_cast %parallel_loop3A_109 : i32 to index
      %parallel_loop3A_111 = tpu.vector_load %arg10[%parallel_loop3A_110] {strides = array<i32>} : memref<10000xf32, #tpu.memory_space<vmem>>, vector<16xf32>,
      %parallel_loop3A_112 = arith.addf %parallel_loop3A_111, %broadcast_in_dim3A_101 : vector<16xf32>
      %parallel_loop3A_113 = arith.divf %broadcast_in_dim3A_99, %parallel_loop3A_112 : vector<16xf32>
      %parallel_loop3A_114 = arith.constant 16 : i32
      %parallel_loop3A_115 = arith.muli %parallel_loop3A_107, %parallel_loop3A_114 : i32
      %parallel_loop3A_116 = arith.constant 0 : i32
      %parallel_loop3A_117 = arith.index_cast %parallel_loop3A_116 : i32 to index
      %parallel_loop3A_118 = arith.index_cast %parallel_loop3A_115 : i32 to index
      %parallel_loop3A_119 = tpu.vector_load %arg7[%parallel_loop3A_117, %parallel_loop3A_118] {strides = array<i32>} : memref<4x10000xf32, #tpu.memory_space<vmem>>, vector<16xf32>,
      %parallel_loop3A_120 = arith.mulf %parallel_loop3A_119, %parallel_loop3A_113 : vector<16xf32>
      %parallel_loop3A_121 = arith.constant 16 : i32
      %parallel_loop3A_122 = arith.muli %parallel_loop3A_107, %parallel_loop3A_121 : i32
      %parallel_loop3A_123 = arith.constant 0 : i32
      %parallel_loop3A_124 = arith.index_cast %parallel_loop3A_123 : i32 to index
      %parallel_loop3A_125 = arith.index_cast %parallel_loop3A_122 : i32 to index
      %parallel_loop3A_126 = tpu.vector_load %arg7[%parallel_loop3A_124, %parallel_loop3A_125] {strides = array<i32>} : memref<4x10000xf32, #tpu.memory_space<vmem>>, vector<16xf32>,
      tpu.vector_store %arg7[%parallel_loop3A_124, %parallel_loop3A_125], %parallel_loop3A_120 {strides = array<i32>} : memref<4x10000xf32, #tpu.memory_space<vmem>>, vector<16xf32>,
      %parallel_loop3A_127 = arith.constant 16 : i32
      %parallel_loop3A_128 = arith.muli %parallel_loop3A_107, %parallel_loop3A_127 : i32
      %parallel_loop3A_129 = arith.constant 1 : i32
      %parallel_loop3A_130 = arith.index_cast %parallel_loop3A_129 : i32 to index
      %parallel_loop3A_131 = arith.index_cast %parallel_loop3A_128 : i32 to index
      %parallel_loop3A_132 = tpu.vector_load %arg7[%parallel_loop3A_130, %parallel_loop3A_131] {strides = array<i32>} : memref<4x10000xf32, #tpu.memory_space<vmem>>, vector<16xf32>,
      %parallel_loop3A_133 = arith.mulf %parallel_loop3A_132, %parallel_loop3A_113 : vector<16xf32>
      %parallel_loop3A_134 = arith.constant 16 : i32
      %parallel_loop3A_135 = arith.muli %parallel_loop3A_107, %parallel_loop3A_134 : i32
      %parallel_loop3A_136 = arith.constant 1 : i32
      %parallel_loop3A_137 = arith.index_cast %parallel_loop3A_136 : i32 to index
      %parallel_loop3A_138 = arith.index_cast %parallel_loop3A_135 : i32 to index
      %parallel_loop3A_139 = tpu.vector_load %arg7[%parallel_loop3A_137, %parallel_loop3A_138] {strides = array<i32>} : memref<4x10000xf32, #tpu.memory_space<vmem>>, vector<16xf32>,
      tpu.vector_store %arg7[%parallel_loop3A_137, %parallel_loop3A_138], %parallel_loop3A_133 {strides = array<i32>} : memref<4x10000xf32, #tpu.memory_space<vmem>>, vector<16xf32>,
      %parallel_loop3A_140 = arith.constant 16 : i32
      %parallel_loop3A_141 = arith.muli %parallel_loop3A_107, %parallel_loop3A_140 : i32
      %parallel_loop3A_142 = arith.constant 2 : i32
      %parallel_loop3A_143 = arith.index_cast %parallel_loop3A_142 : i32 to index
      %parallel_loop3A_144 = arith.index_cast %parallel_loop3A_141 : i32 to index
      %parallel_loop3A_145 = tpu.vector_load %arg7[%parallel_loop3A_143, %parallel_loop3A_144] {strides = array<i32>} : memref<4x10000xf32, #tpu.memory_space<vmem>>, vector<16xf32>,
      %parallel_loop3A_146 = arith.mulf %parallel_loop3A_145, %parallel_loop3A_113 : vector<16xf32>
      %parallel_loop3A_147 = arith.constant 16 : i32
      %parallel_loop3A_148 = arith.muli %parallel_loop3A_107, %parallel_loop3A_147 : i32
      %parallel_loop3A_149 = arith.constant 2 : i32
      %parallel_loop3A_150 = arith.index_cast %parallel_loop3A_149 : i32 to index
      %parallel_loop3A_151 = arith.index_cast %parallel_loop3A_148 : i32 to index
      %parallel_loop3A_152 = tpu.vector_load %arg7[%parallel_loop3A_150, %parallel_loop3A_151] {strides = array<i32>} : memref<4x10000xf32, #tpu.memory_space<vmem>>, vector<16xf32>,
      tpu.vector_store %arg7[%parallel_loop3A_150, %parallel_loop3A_151], %parallel_loop3A_146 {strides = array<i32>} : memref<4x10000xf32, #tpu.memory_space<vmem>>, vector<16xf32>,
      %parallel_loop3A_153 = arith.constant 16 : i32
      %parallel_loop3A_154 = arith.muli %parallel_loop3A_107, %parallel_loop3A_153 : i32
      %parallel_loop3A_155 = arith.constant 3 : i32
      %parallel_loop3A_156 = arith.index_cast %parallel_loop3A_155 : i32 to index
      %parallel_loop3A_157 = arith.index_cast %parallel_loop3A_154 : i32 to index
      %parallel_loop3A_158 = tpu.vector_load %arg7[%parallel_loop3A_156, %parallel_loop3A_157] {strides = array<i32>} : memref<4x10000xf32, #tpu.memory_space<vmem>>, vector<16xf32>,
      %parallel_loop3A_159 = arith.mulf %parallel_loop3A_158, %parallel_loop3A_113 : vector<16xf32>
      %parallel_loop3A_160 = arith.constant 16 : i32
      %parallel_loop3A_161 = arith.muli %parallel_loop3A_107, %parallel_loop3A_160 : i32
      %parallel_loop3A_162 = arith.constant 3 : i32
      %parallel_loop3A_163 = arith.index_cast %parallel_loop3A_162 : i32 to index
      %parallel_loop3A_164 = arith.index_cast %parallel_loop3A_161 : i32 to index
      %parallel_loop3A_165 = tpu.vector_load %arg7[%parallel_loop3A_163, %parallel_loop3A_164] {strides = array<i32>} : memref<4x10000xf32, #tpu.memory_space<vmem>>, vector<16xf32>,
      tpu.vector_store %arg7[%parallel_loop3A_163, %parallel_loop3A_164], %parallel_loop3A_159 {strides = array<i32>} : memref<4x10000xf32, #tpu.memory_space<vmem>>, vector<16xf32>,
    } {sc.loop_unroll_factor = 4 : i64, sc.parallel_access}
    %mul3A_105 = arith.constant 4 : i32
    %mul3A_106 = arith.muli %mul3A_105, %add3A : i32
    "tpu.region"() ({
      %run_scoped3A = tpu.sem_alloc : memref<!tpu.dma_semaphore, #tpu.memory_space<semaphore_mem>>
      %dma_start3A_107 = arith.constant 0 : i32
      %dma_start3A_108 = tpu.memref_slice %arg5[%mul3A_106, %dma_start3A_107] : memref<128x10000xf32, #tpu.memory_space<hbm>> -> memref<4x10000xf32, #tpu.memory_space<hbm>>
      %dma_start3A_109 = arith.constant 0 : i32
      %dma_start3A_110 = tpu.memref_slice %arg5[%mul3A_106, %dma_start3A_109] : memref<128x10000xf32, #tpu.memory_space<hbm>> -> memref<4x10000xf32, #tpu.memory_space<hbm>>
      tpu.enqueue_dma source(%arg7 : memref<4x10000xf32, #tpu.memory_space<vmem>>) target(%dma_start3A_110 : memref<4x10000xf32, #tpu.memory_space<hbm>>) target_semaphore(%run_scoped3A : memref<!tpu.dma_semaphore, #tpu.memory_space<semaphore_mem>>)
      %dma_wait3A_111 = arith.constant 0 : i32
      %dma_wait3A_112 = tpu.memref_slice %arg5[%mul3A_106, %dma_wait3A_111] : memref<128x10000xf32, #tpu.memory_space<hbm>> -> memref<4x10000xf32, #tpu.memory_space<hbm>>
      %dma_wait3A_113 = arith.constant 0 : i32
      %dma_wait3A_114 = tpu.memref_slice %arg5[%mul3A_106, %dma_wait3A_113] : memref<128x10000xf32, #tpu.memory_space<hbm>> -> memref<4x10000xf32, #tpu.memory_space<hbm>>
      tpu.wait_dma2 semaphore(%run_scoped3A : memref<!tpu.dma_semaphore, #tpu.memory_space<semaphore_mem>>) src(%arg7 : memref<4x10000xf32, #tpu.memory_space<vmem>>) dst(%dma_wait3A_114 : memref<4x10000xf32, #tpu.memory_space<hbm>>)
      tpu.yield
    }) : () -> ()
    return
  }
}

module attributes {stable_mosaic.version = 14 : i64} {
  func.func @_tc1_body(%arg0: memref<10000x128xf32, #tpu.memory_space<vmem>>, %arg1: memref<128x128xf32, #tpu.memory_space<vmem>>, %arg2: memref<8x128xf32, #tpu.memory_space<vmem>>, %arg3: memref<128x10000xf32, #tpu.memory_space<vmem>>, %arg4: memref<8x10000xf32, #tpu.memory_space<vmem>>) attributes {dimension_semantics = [], scalar_prefetch = 0 : i64, scratch_operands = 0 : i64, tpu.core_type = #tpu.core_type<tc>} {
    %get3A = arith.constant 0 : index
    %get3A_0 = arith.constant 0 : index
    %get3A_1 = vector.load %arg1[%get3A, %get3A_0] : memref<128x128xf32, #tpu.memory_space<vmem>>, vector<128x128xf32>
    %get3A_2 = arith.constant 0 : index
    %get3A_3 = arith.constant 0 : index
    %get3A_4 = vector.load %arg0[%get3A_2, %get3A_3] : memref<10000x128xf32, #tpu.memory_space<vmem>>, vector<10000x128xf32>
    %dot_general3A = arith.constant dense<0.000000e+00> : vector<128x10000xf32>
    %dot_general3A_5 = tpu.matmul %get3A_1, %get3A_4, %dot_general3A {dimension_numbers = #tpu.dot_dimension_numbers<[0], [1], [1], [0], [0, 1, 1, 0], [], []>, transpose_lhs_hint = false} : vector<128x128xf32>, vector<10000x128xf32>, vector<128x10000xf32> -> vector<128x10000xf32>
    %swap3A = arith.constant 0 : index
    %swap3A_6 = arith.constant 0 : index
    %swap3A_7 = vector.load %arg3[%swap3A, %swap3A_6] : memref<128x10000xf32, #tpu.memory_space<vmem>>, vector<128x10000xf32>
    tpu.vector_store %arg3[%swap3A, %swap3A_6], %dot_general3A_5 {strides = array<i32>} : memref<128x10000xf32, #tpu.memory_space<vmem>>, vector<128x10000xf32>,
    %get3A_8 = arith.constant 0 : index
    %get3A_9 = arith.constant 0 : index
    %get3A_10 = vector.load %arg2[%get3A_8, %get3A_9] : memref<8x128xf32, #tpu.memory_space<vmem>>, vector<8x128xf32>
    %dot_general3A_11 = arith.constant dense<0.000000e+00> : vector<8x10000xf32>
    %dot_general3A_12 = tpu.matmul %get3A_10, %dot_general3A_5, %dot_general3A_11 {dimension_numbers = #tpu.dot_dimension_numbers<[1], [0], [0], [1], [0, 0, 1, 1], [], []>, transpose_lhs_hint = false} : vector<8x128xf32>, vector<128x10000xf32>, vector<8x10000xf32> -> vector<8x10000xf32>
    %swap3A_13 = arith.constant 0 : index
    %swap3A_14 = arith.constant 0 : index
    %swap3A_15 = vector.load %arg4[%swap3A_13, %swap3A_14] : memref<8x10000xf32, #tpu.memory_space<vmem>>, vector<8x10000xf32>
    tpu.vector_store %arg4[%swap3A_13, %swap3A_14], %dot_general3A_12 {strides = array<i32>} : memref<8x10000xf32, #tpu.memory_space<vmem>>, vector<8x10000xf32>,
    return
  }
}

module attributes {stable_mosaic.version = 14 : i64} {
  func.func @_tc2_body(%arg0: memref<128x10000xf32, #tpu.memory_space<vmem>>, %arg1: memref<128x1xf32, #tpu.memory_space<vmem>>, %arg2: memref<128x16xf32, #tpu.memory_space<vmem>>, %arg3: memref<8x16xf32, #tpu.memory_space<vmem>>, %arg4: memref<16x10000xf32, #tpu.memory_space<vmem>>, %arg5: memref<8x10000xf32, #tpu.memory_space<vmem>>) attributes {dimension_semantics = [], scalar_prefetch = 0 : i64, scratch_operands = 0 : i64, tpu.core_type = #tpu.core_type<tc>} {
    %get3A = arith.constant 0 : index
    %get3A_0 = arith.constant 0 : index
    %get3A_1 = vector.load %arg0[%get3A, %get3A_0] : memref<128x10000xf32, #tpu.memory_space<vmem>>, vector<128x10000xf32>
    %get3A_2 = arith.constant 0 : index
    %get3A_3 = arith.constant 0 : index
    %get3A_4 = vector.load %arg1[%get3A_2, %get3A_3] : memref<128x1xf32, #tpu.memory_space<vmem>>, vector<128x1xf32>
    %add3A = vector.broadcast %get3A_4 : vector<128x1xf32> to vector<128x10000xf32>
    %add3A_5 = arith.addf %get3A_1, %add3A : vector<128x10000xf32>
    %max3A = arith.constant 0.000000e+00 : f32
    %max3A_6 = vector.broadcast %max3A : f32 to vector<128x10000xf32>
    %max3A_7 = arith.maximumf %add3A_5, %max3A_6 : vector<128x10000xf32>
    %get3A_8 = arith.constant 0 : index
    %get3A_9 = arith.constant 0 : index
    %get3A_10 = vector.load %arg2[%get3A_8, %get3A_9] : memref<128x16xf32, #tpu.memory_space<vmem>>, vector<128x16xf32>
    %dot_general3A = arith.constant dense<0.000000e+00> : vector<16x10000xf32>
    %dot_general3A_11 = tpu.matmul %get3A_10, %max3A_7, %dot_general3A {dimension_numbers = #tpu.dot_dimension_numbers<[0], [0], [1], [1], [0, 1, 1, 1], [], []>, transpose_lhs_hint = false} : vector<128x16xf32>, vector<128x10000xf32>, vector<16x10000xf32> -> vector<16x10000xf32>
    %swap3A = arith.constant 0 : index
    %swap3A_12 = arith.constant 0 : index
    %swap3A_13 = vector.load %arg4[%swap3A, %swap3A_12] : memref<16x10000xf32, #tpu.memory_space<vmem>>, vector<16x10000xf32>
    tpu.vector_store %arg4[%swap3A, %swap3A_12], %dot_general3A_11 {strides = array<i32>} : memref<16x10000xf32, #tpu.memory_space<vmem>>, vector<16x10000xf32>,
    %get3A_14 = arith.constant 0 : index
    %get3A_15 = arith.constant 0 : index
    %get3A_16 = vector.load %arg3[%get3A_14, %get3A_15] : memref<8x16xf32, #tpu.memory_space<vmem>>, vector<8x16xf32>
    %dot_general3A_17 = arith.constant dense<0.000000e+00> : vector<8x10000xf32>
    %dot_general3A_18 = tpu.matmul %get3A_16, %dot_general3A_11, %dot_general3A_17 {dimension_numbers = #tpu.dot_dimension_numbers<[1], [0], [0], [1], [0, 0, 1, 1], [], []>, transpose_lhs_hint = false} : vector<8x16xf32>, vector<16x10000xf32>, vector<8x10000xf32> -> vector<8x10000xf32>
    %swap3A_19 = arith.constant 0 : index
    %swap3A_20 = arith.constant 0 : index
    %swap3A_21 = vector.load %arg5[%swap3A_19, %swap3A_20] : memref<8x10000xf32, #tpu.memory_space<vmem>>, vector<8x10000xf32>
    tpu.vector_store %arg5[%swap3A_19, %swap3A_20], %dot_general3A_18 {strides = array<i32>} : memref<8x10000xf32, #tpu.memory_space<vmem>>, vector<8x10000xf32>,
    return
  }
}

module attributes {stable_mosaic.version = 14 : i64} {
  func.func @_tc3_body(%arg0: memref<2x16x10000xf32, #tpu.memory_space<vmem>>, %arg1: memref<2x10000xf32, #tpu.memory_space<vmem>>, %arg2: memref<16x1xf32, #tpu.memory_space<vmem>>, %arg3: memref<16x10000xf32, #tpu.memory_space<vmem>>) attributes {dimension_semantics = [], scalar_prefetch = 0 : i64, scratch_operands = 0 : i64, tpu.core_type = #tpu.core_type<tc>} {
    %get3A = arith.constant 0 : index
    %get3A_0 = arith.constant 0 : index
    %get3A_1 = arith.constant 0 : index
    %get3A_2 = vector.load %arg0[%get3A, %get3A_0, %get3A_1] : memref<2x16x10000xf32, #tpu.memory_space<vmem>>, vector<1x16x10000xf32>
    %get3A_3 = vector.shape_cast %get3A_2 : vector<1x16x10000xf32> to vector<16x10000xf32>
    %get3A_4 = arith.constant 1 : index
    %get3A_5 = arith.constant 0 : index
    %get3A_6 = arith.constant 0 : index
    %get3A_7 = vector.load %arg0[%get3A_4, %get3A_5, %get3A_6] : memref<2x16x10000xf32, #tpu.memory_space<vmem>>, vector<1x16x10000xf32>
    %get3A_8 = vector.shape_cast %get3A_7 : vector<1x16x10000xf32> to vector<16x10000xf32>
    %add3A = arith.addf %get3A_3, %get3A_8 : vector<16x10000xf32>
    %get3A_9 = arith.constant 0 : index
    %get3A_10 = arith.constant 0 : index
    %get3A_11 = vector.load %arg1[%get3A_9, %get3A_10] : memref<2x10000xf32, #tpu.memory_space<vmem>>, vector<1x10000xf32>
    %get3A_12 = arith.constant 1 : index
    %get3A_13 = arith.constant 0 : index
    %get3A_14 = vector.load %arg1[%get3A_12, %get3A_13] : memref<2x10000xf32, #tpu.memory_space<vmem>>, vector<1x10000xf32>
    %add3A_15 = arith.addf %get3A_11, %get3A_14 : vector<1x10000xf32>
    %add3A_16 = arith.constant 9.99999971E-10 : f32
    %add3A_17 = vector.broadcast %add3A_16 : f32 to vector<1x10000xf32>
    %add3A_18 = arith.addf %add3A_15, %add3A_17 : vector<1x10000xf32>
    %div3A = vector.broadcast %add3A_18 : vector<1x10000xf32> to vector<16x10000xf32>
    %div3A_19 = arith.divf %add3A, %div3A : vector<16x10000xf32>
    %get3A_20 = arith.constant 0 : index
    %get3A_21 = arith.constant 0 : index
    %get3A_22 = vector.load %arg2[%get3A_20, %get3A_21] : memref<16x1xf32, #tpu.memory_space<vmem>>, vector<16x1xf32>
    %add3A_23 = vector.broadcast %get3A_22 : vector<16x1xf32> to vector<16x10000xf32>
    %add3A_24 = arith.addf %div3A_19, %add3A_23 : vector<16x10000xf32>
    %swap3A = arith.constant 0 : index
    %swap3A_25 = arith.constant 0 : index
    %swap3A_26 = vector.load %arg3[%swap3A, %swap3A_25] : memref<16x10000xf32, #tpu.memory_space<vmem>>, vector<16x10000xf32>
    tpu.vector_store %arg3[%swap3A, %swap3A_25], %add3A_24 {strides = array<i32>} : memref<16x10000xf32, #tpu.memory_space<vmem>>, vector<16x10000xf32>,
    return
  }
}

</mosaic_0001>

<sc_bundles>
// kernel: kernel.10.cloned.1.call-start
scs
__scs_entry_jumppad:
0x0: {  	(pc) =	sbr.rel $0x88, $3  }
0x1: {  	(tag) =	ssettag $0x0;
	lr =	simm.s32 $0x1  }
0x2: {  	[smem:$0x3F97] =	sst lr;
	_ =	strace $0xD0000000  }
0x3: {  	_ = 	snop  }
0x4: {  	_ = 	snop  }
0x5: {  	_ = 	snop  }
0x6: {  	_ = 	snop  }
0x7: {  	_ = 	snop  }
__scs_overlays_trampoline_lowered:
0x8: {  	[smem:$0x3FA6] =	sst s0  }
0x9: {  	[smem:$0x3FA7] =	sst s1  }
0xa: {  	[smem:$0x3FA8] =	sst s2  }
0xb: {  	[smem:$0x3FA9] =	sst s3  }
0xc: {  	[smem:$0x3FAA] =	sst s4  }
0xd: {  	[smem:$0x3FAB] =	sst s5  }
0xe: {  	[smem:$0x3FAC] =	sst s6  }
0xf: {  	[smem:$0x3FAD] =	sst s7  }
0x10: {  	[smem:$0x3FAE] =	sst s8  }
0x11: {  	[smem:$0x3FAF] =	sst s9;
	s0 =	simm.s32 @!p0 $0x0  }
0x12: {  	s1 =	sld [smem:$0x3F95];
	s0 =	simm.s32 @p0 $0x1  }
0x13: {  	[smem:$0x3FB0] =	sst s0;
	s0 =	simm.s32 @!p1 $0x0  }
0x14: {  	s2 =	sld [smem:$0x3F94];
	s0 =	simm.s32 @p1 $0x1  }
0x15: {  	[smem:$0x3FB1] =	sst s0;
	s0 =	simm.s32 @!p2 $0x0  }
0x16: {  	s3 =	sld [smem:$0x3FDB];
	s0 =	simm.s32 @p2 $0x1  }
0x17: {  	s4 =	simm.s32 $0x1BF5;
	[smem:$0x3FB3] =	sst s0  }
0x18: {  	s0 =	sld [smem:$0x3F96];
	_ =	swait.ge [sflag:s4], $0x0  }
0x19: {  	s7 =	sld [smem:$0x3F97]  }
0x1a: {  	s8 =	sadd.s32 $0xFFFFE003, lr  }
0x1b: {  	s9 =	sadd.s32 $0xFFFFFEF7, lr;
	s5 =	simm.s32 $0xFFFFFFFF;
	p2 =	slt.u32 s8, $0xFFFFF086  }
0x1c: {  	p1 =	slt.u32 s9, $0xF7A;
	s5 =	simm.s32 @!p2 $0x0  }
0x1d: {  	s5 =	simm.s32 @p1 $0x1;
	p0 =	seq.s32 s7, s2  }
0x1e: {  	s7 =	smul.u32 @!p0 $0xF7A, s2;
	p2 =	seq.s32 @!p0 s5, $0x0  }
0x1f: {  	s9 =	smul.u32 $0xF7A, s1;
	s8 =	simm.s32 @!p0 $0x1BF5;
	p2 =	por !p2, p0  }
0x20: {  	[sflag:s8] =	ssyncset.s32 @!p0 $0xFFFFF086;
	s6 =	sadd.s32 @!p0 s3, s7;
	s7 =	simm.s32 @!p0 $0x108  }
0x21: {  	s3 =	sadd.s32 s3, s9;
	s6 =	sadd.s32 @!p0 $0x88, s6;
	s7 =	simm.s32 @p2 $0x1082  }
0x22: {  	[simem:s7], [sflag:s8] =	dma.local @!p0 [hbm:s6], $0xF7A  }
0x23: {  	s9 =	sor.u32 $0xD0000000, s2;
	s6 =	simm.s32 $0x108;
	_ =	swait.ge @!p0 [sflag:s8], $0x0  }
0x24: {  	s3 =	sadd.s32 $0x88, s3;
	s6 =	simm.s32 @!p1 $0x1082;
	[sflag:s4] =	ssyncset.s32 $0xFFFFF086  }
0x25: {  	[simem:s6], [sflag:s4] =	dma.local [hbm:s3], $0xF7A  }
0x26: {  	[smem:$0x3F97] =	sst s1;
	(tag) =	ssettag s2;
	_ =	strace s9  }
0x27: {  	s1 =	sld [smem:$0x3FA7]  }
0x28: {  	s2 =	sld [smem:$0x3FA8]  }
0x29: {  	s4 =	sld [smem:$0x3FAA]  }
0x2a: {  	p0 =	seq.s32 s5, $0x0;
	s5 =	sld [smem:$0x3FAB]  }
0x2b: {  	s6 =	sld [smem:$0x3FAC]  }
0x2c: {  	s7 =	sld [smem:$0x3FAD]  }
0x2d: {  	s3 =	simm.s32 $0x108;
	s8 =	sld [smem:$0x3FAE]  }
0x2e: {  	s3 =	simm.s32 @!p0 $0x1082;
	s9 =	sld [smem:$0x3FAF]  }
0x2f: {  	lr =	sadd.s32 s0, s3;
	s0 =	sld [smem:$0x3FA6]  }
0x30: {  	s3 =	sld [smem:$0x3FA9]  }
0x31: {  	[smem:$0x3FB2] =	sst s10  }
0x32: {  	s10 =	sld [smem:$0x3FB0];
	_ =	sdelay $0x3  }
0x33: {  	p0 =	seq.s32 s10, $0x1;
	s10 =	sld [smem:$0x3FB2];
	_ =	sdelay $0x3  }
0x34: {  	[smem:$0x3FB2] =	sst s10  }
0x35: {  	s10 =	sld [smem:$0x3FB1];
	_ =	sdelay $0x3  }
0x36: {  	p1 =	seq.s32 s10, $0x1;
	s10 =	sld [smem:$0x3FB2];
	_ =	sdelay $0x3  }
0x37: {  	[smem:$0x3FB2] =	sst s10  }
0x38: {  	s10 =	sld [smem:$0x3FB3]  }
0x39: {  	_ = 	snop;
	(pc) =	sbr.ind lr, $3  }
0x3a: {  	_ = 	snop  }
0x3b: {  	_ = 	snop  }
0x3c: {  	p2 =	seq.s32 s10, $0x1;
	s10 =	sld [smem:$0x3FB2]  }
0x3d: {  	_ =	shalt  }
0x3e: {  	_ =	shalt  }
0x3f: {  	_ =	shalt  }
0x40: {  	_ =	shalt  }
0x41: {  	_ =	shalt  }
0x42: {  	_ =	shalt  }
0x43: {  	_ =	shalt  }
0x44: {  	_ =	shalt  }
0x45: {  	_ =	shalt  }
0x46: {  	_ =	shalt  }
0x47: {  	_ =	shalt  }
0x48: {  	_ =	shalt  }
0x49: {  	_ =	shalt  }
0x4a: {  	_ =	shalt  }
0x4b: {  	_ =	shalt  }
0x4c: {  	_ =	shalt  }
0x4d: {  	_ =	shalt  }
0x4e: {  	_ =	shalt  }
0x4f: {  	_ =	shalt  }
0x50: {  	_ =	shalt  }
0x51: {  	_ =	shalt  }
0x52: {  	_ =	shalt  }
0x53: {  	_ =	shalt  }
0x54: {  	_ =	shalt  }
0x55: {  	_ =	shalt  }
0x56: {  	_ =	shalt  }
0x57: {  	_ =	shalt  }
0x58: {  	_ =	shalt  }
0x59: {  	_ =	shalt  }
0x5a: {  	_ =	shalt  }
0x5b: {  	_ =	shalt  }
0x5c: {  	_ =	shalt  }
0x5d: {  	_ =	shalt  }
0x5e: {  	_ =	shalt  }
0x5f: {  	_ =	shalt  }
0x60: {  	_ =	shalt  }
0x61: {  	_ =	shalt  }
0x62: {  	_ =	shalt  }
0x63: {  	_ =	shalt  }
0x64: {  	_ =	shalt  }
0x65: {  	_ =	shalt  }
0x66: {  	_ =	shalt  }
0x67: {  	_ =	shalt  }
0x68: {  	_ =	shalt  }
0x69: {  	_ =	shalt  }
0x6a: {  	_ =	shalt  }
0x6b: {  	_ =	shalt  }
0x6c: {  	_ =	shalt  }
0x6d: {  	_ =	shalt  }
0x6e: {  	_ =	shalt  }
0x6f: {  	_ =	shalt  }
0x70: {  	_ =	shalt  }
0x71: {  	_ =	shalt  }
0x72: {  	_ =	shalt  }
0x73: {  	_ =	shalt  }
0x74: {  	_ =	shalt  }
0x75: {  	_ =	shalt  }
0x76: {  	_ =	shalt  }
0x77: {  	_ =	shalt  }
0x78: {  	_ =	shalt  }
0x79: {  	_ =	shalt  }
0x7a: {  	_ =	shalt  }
0x7b: {  	_ =	shalt  }
0x7c: {  	_ =	shalt  }
0x7d: {  	_ =	shalt  }
0x7e: {  	_ =	shalt  }
0x7f: {  	_ =	shalt  }
0x80: {  	_ =	shalt  }
0x81: {  	_ =	shalt  }
0x82: {  	_ =	shalt  }
0x83: {  	_ =	shalt  }
0x84: {  	_ =	shalt  }
0x85: {  	_ =	shalt  }
0x86: {  	_ =	shalt  }
0x87: {  	_ =	shalt  }
.Lfunc_end0:
.L_simem_size_0:
called_computation.1_lowered:
.L_overlay_start_0:
0x88: {  	s2 =	sld [smem:$0x3FD9]  }
0x89: {  	s3 =	sld [smem:$0x3FFE];
	_ =	sdelay $0x1  }
0x8a: {  	s1 =	srdreg.scid  }
0x8b: {  	s0 =	sand.u32 $0x1, s1  }
0x8c: {  	s17 =	sshll.u32 s0, $0xA;
	s2 =	sadd.s32 s3, s2  }
0x8d: {  	s2 =	sadd.s32 s2, s17  }
0x8e: {  	[smem:$0x3FBE] =	sst s2  }
0x8f: {  	_ = 	snop  }
0x90: {  	s2 =	sld [smem:$0x3FC8]  }
0x91: {  	s18 =	sld [smem:$0x3FD0];
	(tm) =	ssettm $0x1  }
0x92: {  	s4 =	sld [smem:$0x3FFB];
	_ =	sdelay $0x3  }
0x93: {  	_ =	strace s4  }
0x94: {  	s4 =	sld [smem:$0x3FFC];
	_ =	sdelay $0x3  }
0x95: {  	_ =	strace s4  }
0x96: {  	s4 =	sld [smem:$0x3FFD];
	_ =	sdelay $0x3  }
0x97: {  	_ =	strace s4  }
0x98: {  	_ =	strace $0x8FFFFFFF  }
0x99: {  	s19 =	sld [smem:$0x3FDB];
	_ =	sdelay $0x1  }
0x9a: {  	s5 =	simm.s32 $_scs_section_size  }
0x9b: {  	s6 =	simm.s32 $_size__tile_overlayer_lowered;
	s7 =	simm.s32 $_tile_overlayer_lowered  }
0x9c: {  	s22 =	simm.s32 $0x1BFF;
	s21 =	sshll.u32 s7, $0x1;
	s4 =	sadd.s32 s5, s19  }
0x9d: {  	s8 =	simm.s32 $0x0;
	s20 =	sshll.u32 s6, $0x1;
	s6 =	sadd.s32 s21, s4  }
0x9e: {  	[timem:s8], [sflag:s22] =	dma.local [hbm:s6], s20  }
0x9f: {  	_ =	swait.ge [sflag:s22], s20  }
0xa0: {  	s5 =	ssub.s32 $0x0, s20;
	[sflag:s22] =	ssyncset.done $0x0  }
0xa1: {  	[sflag:s22] =	ssyncadd.s32 s5;
	_ =	sdelay $0x1  }
0xa2: {  	s23 =	simm.s32 $0x1B8B  }
0xa3: {  	_ =	swait.ge [sflag:s23], $0x1  }
0xa4: {  	[sflag:s23] =	ssyncset.done $0x0  }
0xa5: {  	s25 =	simm.s32 $0x1B8E;
	s24 =	sld [smem:$0x3FFE];
	[sflag:s23] =	ssyncadd.s32 $0xFFFFFFFF  }
0xa6: {  	s26 =	simm.s32 $execute0_lowered;
	[smem:$0x3FD2] =	sst s25  }
0xa7: {  	s6 =	sshll.u32 s26, $0x1;
	_ =	strace $0x80000049;
	[dreg:$0x1] =	wrdreg $0xFFFFFFFF  }
0xa8: {  	s28 =	simm.s32 $_size_execute0_lowered;
	s4 =	sadd.s32 s4, s6;
	[dreg:$0x0] =	wrdreg $0x0  }
0xa9: {  	s6 =	sshll.u32 s28, $0x1;
	[dreg:$0x2] =	wrdreg s4  }
0xaa: {  	[dreg:$0x3] =	wrdreg s6  }
0xab: {  	[dreg:$0x4] =	wrdreg $0xC0  }
0xac: {  	_ =	task [dreg:s8], $0x5FFFF  }
0xad: {  	[dreg:$0x1] =	wrdreg $0xFFFFFFFF  }
0xae: {  	[dreg:$0x0] =	wrdreg $0x60  }
0xaf: {  	[dreg:$0x2] =	wrdreg s18  }
0xb0: {  	[dreg:$0x3] =	wrdreg s24  }
0xb1: {  	[dreg:$0x4] =	wrdreg s2  }
0xb2: {  	[dreg:$0x5] =	wrdreg $0x9  }
0xb3: {  	_ =	task.clear_ibuf [dreg:s8], $0x6FFFF;
	_ =	strace $0x90000049  }
0xb4: {  	s29 =	simm.s32 $0x9;
	_ =	strace $0x8000004B  }
0xb5: {  	_ =	swait.ge [sflag:s29], $0x1  }
0xb6: {  	[sflag:s29] =	ssyncadd.s32 $0xFFFFFFFF  }
0xb7: {  	_ =	strace $0x9000004B  }
0xb8: {  	_ =	sfence  }
0xb9: {  	s30 =	sld [smem:$0x0];
	_ =	sdelay $0x2  }
0xba: {  	s31 =	sshll.u32 s1, $0xD;
	s1 =	sshrl.u32 s1, $0x2  }
0xbb: {  	s3 =	sand.u32 $0x4000, s31;
	s1 =	sadd.s32 s1, s30  }
0xbc: {  	s0 =	sor.u32 s3, s0;
	s1 =	sshll.u32 s1, $0x11  }
0xbd: {  	s0 =	sor.u32 s1, s0  }
0xbe: {  	s0 =	sadd.s32 $0x8F2B, s0  }
0xbf: {  	[sflag:s0] =	ssyncadd.remote.s32 $0x1  }
0xc0: {  	_ =	sfence.sel $0xFFFF  }
0xc1: {  	[dreg:$0x0] =	wrdreg $0xFFFFFFFF;
	(pc) =	sbr.abs _section_cstart, $3  }
0xc2: {  	[dreg:$0x1] =	wrdreg $0xFFFFFFFF  }
0xc3: {  	_ =	task.clear_ibuf [dreg:s8], $0x2FFFF;
	_ =	strace $0x9FFFFFFF  }
0xc4: {  	(tm) =	ssettm $0x7FFFFFFF  }
0xc5: {  	_ =	shalt  }
tec
execute0_lowered:
.L_overlay_start_1:
0x0: {  	(tag) =	ssettag $0x1  }
0x1: {  	s4 =	rddreg [dreg:$0x0]  }
0x2: {  	s0 =	srdreg.scid;
	s6 =	rddreg [dreg:$0x1]  }
0x3: {  	s21 =	stileid.u32;
	s1 =	rddreg [dreg:$0x2];
	s14 =	simm.s32 $0x400  }
0x4: {  	s15 =	simm.s32 $0x3;
	s5 =	sand.u32 $0x1, s0;
	s10 =	sshrl.u32 s21, $0x3  }
0x5: {  	s8 =	sshll.u32 s21, $0x7;
	s16 =	sadd.s32 $0x3000, s6;
	s10 =	smul.u32 $0x13C00, s10  }
0x6: {  	s26 =	sadd.s32 $0x3010, s6;
	p0 =	sne.s32 s21, $0x0;
	s19 =	smul.u32 $0x4E200, s5  }
0x7: {  	s7 =	sshll.u32 s5, $0x4;
	s8 =	sand.u32 $0x380, s8;
	s22 =	smul.u32 $0x9C40, s5  }
0x8: {  	s17 =	ssub.s32 $0x2, s5;
	s23 =	smul.u32 $0x27100, s5;
	s2 =	sor.u32 s21, s7  }
0x9: {  	s12 =	sadd.s32 s7, s6;
	s18 =	sshrl.u32 s17, $0x1;
	s21 =	simm.s32 $0x2780  }
0xa: {  	s3 =	sshrl.u32 s2, $0x3;
	s2 =	simm.s32 $0x0;
	s13 =	ssub.s32 s17, s18  }
0xb: {  	s25 =	sshrl.u32 s19, $0x3;
	s28 =	sadd.s32 s1, s22;
	s31 =	sadd.s32 $0xF600, s12  }
0xc: {  	s17 =	simm.s32 $0x7680;
	s18 =	simm.s32 $0xC580;
	[smem:$0x7FF] =	sst s2  }
0xd: {  	s19 =	simm.s32 $0xDE80;
	_ =	strace $0x8000004A;
	[dreg:$0x4] =	wrdreg s16  }
0xe: {  	s22 =	simm.s32 $0x2;
	s3 =	smul.u32 $0x13C00, s3;
	[dreg:$0x6] =	wrdreg s26  }
0xf: {  	s7 =	sadd.s32 s1, s25;
	s12 =	smax.u32 s13, $0x1;
	[dreg:$0x7] =	wrdreg s28  }
0x10: {  	s13 =	simm.s32 $0x80;
	s29 =	sadd.s32 $0x320, s7;
	[dreg:$0xa] =	wrdreg s31  }
0x11: {  	s16 =	simm.s32 $0x4F00;
	s9 =	sor.u32 s8, s3;
	s8 =	sor.u32 s8, s10  }
0x12: {  	[dreg:$0x8] =	wrdreg s29;
	s9 =	sshrl.u32 s9, $0x3;
	s20 =	sshrl.u32 s8, $0x3  }
0x13: {  	s8 =	sadd.s32 $0x1900, s23;
	s11 =	sadd.s32 s9, s6;
	s24 =	sadd.s32 s4, s20  }
0x14: {  	s9 =	sadd.s32 $0x2580, s23;
	[dreg:$0x5] =	wrdreg s24;
	s30 =	sadd.s32 $0x5800, s11  }
0x15: {  	v0 =	vimm.f32 $0.0e+00;
	s20 =	simm.s32 $0x1;
	s23 =	simm.s32 $0x0;
	[dreg:$0x9] =	wrdreg s30  }
.LBB2_1:
0x16: {  	s0 =	rddreg [dreg:$0x5]  }
0x17: {  	[tilespmem:s2], [sflag:$0x3] =	stream.strided.gather [hbm4b:s0+s13], $0x2780, s14, s13, $0x38;
	[tilespmem:$0xF780] =	vst v63  }
0x18: {  	_ =	swait.ge [sflag:s15], $0x2780  }
0x19: {  	[sflag:s15] =	ssyncset.done $0x0  }
0x1a: {  	s30 =	rddreg [dreg:$0x4];
	[sflag:s15] =	ssyncadd.s32 $0xFFFFD880  }
0x1b: {  	[tilespmem:s16], [sflag:$0x3] =	stream.strided.gather [hbm4b:s30+s13], $0x2780, s14, s13, $0x38;
	[tilespmem:$0xF780] =	vst v63  }
0x1c: {  	_ =	swait.ge [sflag:s15], $0x2780  }
0x1d: {  	[sflag:s15] =	ssyncset.done $0x0  }
0x1e: {  	s31 =	rddreg [dreg:$0x6];
	[sflag:s15] =	ssyncadd.s32 $0xFFFFD880  }
0x1f: {  	[tilespmem:s17], [sflag:$0x3] =	stream.strided.gather [hbm4b:s31+s13], $0x2780, s14, s13, $0x38;
	[tilespmem:$0xF780] =	vst v63  }
0x20: {  	_ =	swait.ge [sflag:s15], $0x2780  }
0x21: {  	[sflag:s15] =	ssyncset.done $0x0  }
0x22: {  	s25 =	simm.s32 $0x9E20;
	[sflag:s15] =	ssyncadd.s32 $0xFFFFD880  }
0x23: {  	[tilespmem:s25+$0xFFFFFFF0] =	vst v0  }
0x24: {  	[tilespmem:s25+$0x0] =	vst v0  }
0x25: {  	[tilespmem:s25+$0x10] =	vst v0  }
0x26: {  	s24 =	simm.s32 $0x27A0;
	[tilespmem:s25+$0xFFFFFFE0] =	vst v0  }
0x27: {  	[tilespmem:s24+$0xFFFFFFF0] =	vst v0  }
0x28: {  	[tilespmem:s24+$0x0] =	vst v0  }
0x29: {  	[tilespmem:s24+$0x10] =	vst v0  }
0x2a: {  	s26 =	simm.s32 $0x9E60;
	s25 =	simm.s32 $0x0;
	[tilespmem:s24+$0xFFFFFFE0] =	vst v0  }
.LBB2_2:
0x2b: {  	[tilespmem:s26+$0xFFFFFFF0] =	vst v0;
	s24 =	sadd.s32 $0x40, s24  }
0x2c: {  	s25 =	sadd.s32 $0x4, s25;
	[tilespmem:s24+$0xFFFFFFF0] =	vst v0  }
0x2d: {  	p1 =	slt.u32 s25, $0x26C;
	[tilespmem:s26+$0x0] =	vst v0  }
.Ltmp0:
0x2e: {  	[tilespmem:s24+$0x0] =	vst v0;
	(pc) =	sbr.rel @p1 .LBB2_2-.Ltmp0, $4  }
0x2f: {  	[tilespmem:s26+$0x10] =	vst v0  }
0x30: {  	[tilespmem:s24+$0x10] =	vst v0  }
0x31: {  	[tilespmem:s26+$0xFFFFFFE0] =	vst v0  }
0x32: {  	s26 =	sadd.s32 $0x40, s26;
	[tilespmem:s24+$0xFFFFFFE0] =	vst v0  }
0x33: {  	[tilespmem:$0xC500] =	vst v0  }
0x34: {  	[tilespmem:$0x4E80] =	vst v0;
	s24 =	simm.s32 $0x0;
	s0 =	rddreg [dreg:$0x7]  }
0x35: {  	[tilespmem:s18], [sflag:$0x1] =	stream.linear.gather [hbm4b:s0+s24], $0x1900, $0x38;
	[tilespmem:$0xF780] =	vst v63  }
0x36: {  	s31 =	rddreg [dreg:$0x8];
	s25 =	simm.s32 $0x0  }
0x37: {  	[tilespmem:s19], [sflag:$0x2] =	stream.linear.gather [hbm4b:s31+s24], $0x1900, $0x38;
	[tilespmem:$0xF780] =	vst v63  }
.LBB2_4:
0x38: {  	p1 =	por $0x0, $0x0;
	s26 =	simm.s32 $0x1  }
0x39: {  	_ =	swait.ge [sflag:s20], $0x1900;
	s26 =	simm.s32 @!p1 $0x0  }
0x3a: {  	s28 =	sand.u32 $0x1F00, s24;
	s29 =	sand.u32 $0x40, s24;
	s26 =	sshll.u32 s26, $0x6  }
0x3b: {  	[sflag:s20] =	ssyncset.done $0x0;
	s28 =	sadd.s32 $0xC580, s28;
	s26 =	sadd.s32 $0x0, s26  }
0x3c: {  	[sflag:s20] =	ssyncadd.s32 $0xFFFFE700;
	s30 =	sadd.s32 s29, s28;
	s31 =	sadd.s32 $0x30, s26  }
0x3d: {  	v6 =	vld [tilespmem:s30+$0x30];
	s31 =	sor.u32 $0x80, s31  }
0x3e: {  	v8 =	vld [tilespmem:s31+$0xC580];
	_ =	sdelay $0x6  }
0x3f: {  	v3 =	vld.idx.msk [tilespmem:v6+s16+$0x0], $0xffff  }
0x40: {  	v4 =	vld.idx.msk [tilespmem:v8+s17+$0x0], $0xffff  }
0x41: {  	v10 =	vld [tilespmem:s30+$0x10];
	s7 =	sadd.s32 $0x10, s26;
	s0 =	sor.u32 $0x80, s26  }
0x42: {  	v1 =	vld [tilespmem:s0+$0xC580];
	s31 =	sor.u32 $0x80, s7  }
0x43: {  	s28 =	sor.u32 s29, s28;
	v2 =	vld [tilespmem:s31+$0xC580]  }
0x44: {  	v9 =	vld [tilespmem:s28+$0x0]  }
0x45: {  	v4 =	vadd.f32 v4, v3  }
0x46: {  	s10 =	sadd.s32 $0x20, s26  }
0x47: {  	v11 =	vld [tilespmem:s30+$0x20];
	s0 =	sor.u32 $0x80, s10;
	v5 =	vmul.f32 $2.000000030e-01, v4  }
0x48: {  	v3 =	vld [tilespmem:s0+$0xC580]  }
0x49: {  	s11 =	simm.s32 $0x80;
	v12 =	vld.idx.msk [tilespmem:v10+s16+$0x0], $0xffff;
	v4 =	vmax.f32 v4, v5  }
0x4a: {  	p1 =	por !p1, !p1;
	s28 =	simm.s32 $0x40;
	s26 =	sand.u32 $0x1F00, s11;
	v7 =	vld.idx.msk [tilespmem:v1+s17+$0x0], $0xffff;
	v4 =	vmul.f32 $1.442695020e+00, v4  }
0x4b: {  	s28 =	sand.u32 $0x40, s28;
	s29 =	sadd.s32 $0xC580, s26;
	s0 =	simm.s32 $0x1;
	v5 =	vld.idx.msk [tilespmem:v2+s17+$0x0], $0xffff  }
0x4c: {  	s30 =	sadd.s32 s28, s29;
	s0 =	simm.s32 @!p1 $0x0;
	(erf) = vpow2.f32 v4;
	v4 =	vld.idx.msk [tilespmem:v9+s16+$0x0], $0xffff  }
0x4d: {  	v15 =	vld [tilespmem:s30+$0x30];
	s0 =	sshll.u32 s0, $0x6  }
0x4e: {  	s0 =	sadd.s32 $0x80, s0  }
0x4f: {  	v14 =	vld.idx.msk [tilespmem:v11+s16+$0x0], $0xffff;
	s31 =	sadd.s32 $0x30, s0  }
0x50: {  	s26 =	sor.u32 $0x80, s31;
	v13 =	vld.idx.msk [tilespmem:v3+s17+$0x0], $0xffff  }
0x51: {  	s5 =	sadd.s32 $0x20, s0;
	v16 =	vld [tilespmem:s26+$0xC580];
	v12 =	vadd.f32 v5, v12;
	v7 =	vadd.f32 v7, v4  }
0x52: {  	v22 =	vld [tilespmem:s30+$0x20];
	s3 =	sadd.s32 $0x10, s0;
	s31 =	sor.u32 $0x80, s5  }
0x53: {  	s4 =	sor.u32 $0x80, s3;
	v5 =	vld [tilespmem:s31+$0xC580];
	v18 =	vmul.f32 $2.000000030e-01, v12;
	v17 =	vmul.f32 $2.000000030e-01, v7  }
0x54: {  	v4 =	vld [tilespmem:s4+$0xC580]  }
0x55: {  	s26 =	simm.s32 @!p0 $0x9E00;
	v13 =	vadd.f32 v13, v14;
	v12 =	vmax.f32 v12, v18;
	v18 =	vld.idx.msk [tilespmem:v15+s16+$0x0], $0xffff;
	v19 =	vpop (erf);
	v7 =	vmax.f32 v7, v17  }
0x56: {  	[tilespmem:v8+s26+$0x0] =	vst.idx.add.f32.msk @!p0 $0xffff, v19;
	v7 =	vmul.f32 $1.442695020e+00, v7  }
0x57: {  	s0 =	sor.u32 $0x80, s0;
	v12 =	vmul.f32 $1.442695020e+00, v12;
	v17 =	vmul.f32 $2.000000030e-01, v13;
	v14 =	vld.idx.msk [tilespmem:v6+s2+$0x0], $0xffff  }
0x58: {  	v6 =	vld [tilespmem:s0+$0xC580];
	(erf) = vpow2.f32 v7  }
0x59: {  	s6 =	sor.u32 s28, s29;
	v7 =	vmax.f32 v13, v17;
	(erf) = vpow2.f32 v12;
	v12 =	vld.idx.msk [tilespmem:v16+s17+$0x0], $0xffff  }
0x5a: {  	v13 =	vmul.f32 $1.442695020e+00, v7;
	v7 =	vld [tilespmem:s6+$0x0]  }
0x5b: {  	v20 =	vld [tilespmem:s30+$0x10];
	_ =	sdelay $0x1  }
0x5c: {  	v23 =	vld.idx.msk [tilespmem:v22+s16+$0x0], $0xffff;
	(erf) = vpow2.f32 v13;
	v13 =	vmul.f32 v14, v19  }
0x5d: {  	v14 =	vld.idx.msk [tilespmem:v4+s17+$0x0], $0xffff  }
0x5e: {  	v12 =	vadd.f32 v12, v18;
	[tilespmem:v8+s21+$0x0] =	vst.idx.add.f32.msk $0xffff, v13  }
0x5f: {  	v13 =	vld.idx.msk [tilespmem:v5+s17+$0x0], $0xffff  }
0x60: {  	v17 =	vld.idx.msk [tilespmem:v6+s17+$0x0], $0xffff;
	v8 =	vmul.f32 $2.000000030e-01, v12  }
0x61: {  	v18 =	vld.idx.msk [tilespmem:v7+s16+$0x0], $0xffff  }
0x62: {  	s29 =	simm.s32 $0x100;
	s28 =	simm.s32 $0x80;
	v28 =	vpop (erf);
	v8 =	vmax.f32 v12, v8;
	v12 =	vld.idx.msk [tilespmem:v20+s16+$0x0], $0xffff  }
0x63: {  	s29 =	sand.u32 $0x1F00, s29;
	p1 =	por !p1, !p1;
	s0 =	simm.s32 $0x1;
	v19 =	vpop (erf);
	[tilespmem:v1+s26+$0x0] =	vst.idx.add.f32.msk @!p0 $0xffff, v28  }
0x64: {  	s30 =	sand.u32 $0x40, s28;
	s29 =	sadd.s32 $0xC580, s29;
	s0 =	simm.s32 @!p1 $0x0;
	[tilespmem:v2+s26+$0x0] =	vst.idx.add.f32.msk @!p0 $0xffff, v19  }
0x65: {  	s7 =	sadd.s32 s30, s29;
	s0 =	sshll.u32 s0, $0x6;
	v8 =	vmul.f32 $1.442695020e+00, v8;
	v31 =	vld.idx.msk [tilespmem:v9+s2+$0x0], $0xffff  }
0x66: {  	s0 =	sadd.s32 $0x100, s0;
	v9 =	vld [tilespmem:s7+$0x30]  }
0x67: {  	s3 =	sadd.s32 $0x30, s0;
	v21 =	vpop (erf);
	v29 =	vld.idx.msk [tilespmem:v10+s2+$0x0], $0xffff;
	(erf) = vpow2.f32 v8  }
0x68: {  	s3 =	sor.u32 $0x80, s3;
	[tilespmem:v3+s26+$0x0] =	vst.idx.add.f32.msk @!p0 $0xffff, v21;
	v10 =	vadd.f32 v17, v18  }
0x69: {  	s4 =	sadd.s32 $0x10, s0;
	v8 =	vld [tilespmem:s3+$0xC580];
	v12 =	vadd.f32 v14, v12  }
0x6a: {  	s4 =	sor.u32 $0x80, s4;
	v30 =	vld.idx.msk [tilespmem:v11+s2+$0x0], $0xffff;
	v14 =	vmul.f32 $2.000000030e-01, v10  }
0x6b: {  	s11 =	sor.u32 s30, s29;
	s5 =	sadd.s32 $0x20, s0;
	v13 =	vadd.f32 v13, v23;
	v11 =	vld [tilespmem:s4+$0xC580];
	v17 =	vmul.f32 $2.000000030e-01, v12  }
0x6c: {  	s10 =	sor.u32 $0x80, s5;
	v18 =	vld [tilespmem:s11+$0x0];
	v14 =	vmax.f32 v10, v14  }
0x6d: {  	v10 =	vld [tilespmem:s10+$0xC580];
	v14 =	vmul.f32 $1.442695020e+00, v14;
	v12 =	vmax.f32 v12, v17;
	v17 =	vmul.f32 $2.000000030e-01, v13  }
0x6e: {  	s0 =	sor.u32 $0x80, s0;
	v26 =	vld.idx.msk [tilespmem:v9+s16+$0x0], $0xffff;
	v12 =	vmul.f32 $1.442695020e+00, v12  }
0x6f: {  	(erf) = vpow2.f32 v14;
	v14 =	vld [tilespmem:s0+$0xC580];
	v13 =	vmax.f32 v13, v17  }
0x70: {  	v23 =	vpop (erf);
	(erf) = vpow2.f32 v12;
	v12 =	vmul.f32 $1.442695020e+00, v13;
	v13 =	vld [tilespmem:s7+$0x10]  }
0x71: {  	[tilespmem:v16+s26+$0x0] =	vst.idx.add.f32.msk @!p0 $0xffff, v23  }
0x72: {  	v15 =	vld.idx.msk [tilespmem:v15+s2+$0x0], $0xffff  }
0x73: {  	(erf) = vpow2.f32 v12;
	v12 =	vld [tilespmem:s7+$0x20]  }
0x74: {  	v27 =	vld.idx.msk [tilespmem:v8+s17+$0x0], $0xffff  }
0x75: {  	v25 =	vld.idx.msk [tilespmem:v11+s17+$0x0], $0xffff  }
0x76: {  	v33 =	vld.idx.msk [tilespmem:v18+s16+$0x0], $0xffff  }
0x77: {  	v24 =	vld.idx.msk [tilespmem:v10+s17+$0x0], $0xffff;
	v15 =	vmul.f32 v15, v23  }
0x78: {  	v32 =	vld.idx.msk [tilespmem:v14+s17+$0x0], $0xffff  }
0x79: {  	v23 =	vadd.f32 v27, v26;
	v27 =	vld.idx.msk [tilespmem:v13+s16+$0x0], $0xffff  }
0x7a: {  	[tilespmem:v16+s21+$0x0] =	vst.idx.add.f32.msk $0xffff, v15  }
0x7b: {  	v34 =	vmul.f32 $2.000000030e-01, v23;
	v26 =	vld.idx.msk [tilespmem:v12+s16+$0x0], $0xffff;
	v15 =	vpop (erf)  }
0x7c: {  	v17 =	vpop (erf);
	[tilespmem:v6+s26+$0x0] =	vst.idx.add.f32.msk @!p0 $0xffff, v15  }
0x7d: {  	v23 =	vmax.f32 v23, v34;
	[tilespmem:v4+s26+$0x0] =	vst.idx.add.f32.msk @!p0 $0xffff, v17;
	v16 =	vpop (erf)  }
0x7e: {  	v34 =	vmul.f32 $1.442695020e+00, v23;
	[tilespmem:v5+s26+$0x0] =	vst.idx.add.f32.msk @!p0 $0xffff, v16  }
0x7f: {  	v19 =	vmul.f32 v29, v19;
	v21 =	vmul.f32 v30, v21;
	v23 =	vld.idx.msk [tilespmem:v20+s2+$0x0], $0xffff  }
0x80: {  	s29 =	simm.s32 $0x8;
	s30 =	simm.s32 $0x180;
	p1 =	por !p1, !p1;
	v20 =	vmul.f32 v31, v28;
	v28 =	vadd.f32 v32, v33;
	(erf) = vpow2.f32 v34;
	v22 =	vld.idx.msk [tilespmem:v22+s2+$0x0], $0xffff  }
.LBB2_5:
0x81: {  	s0 =	simm.s32 $0x1  }
0x82: {  	s29 =	sadd.s32 $0x4, s29;
	v29 =	vmul.f32 $2.000000030e-01, v28;
	v25 =	vadd.f32 v25, v27;
	s28 =	sadd.s32 $0x40, s28;
	v27 =	vld.idx.msk [tilespmem:v7+s2+$0x0], $0xffff;
	v7 =	vmov v18;
	s0 =	simm.s32 @!p1 $0x0  }
0x83: {  	s3 =	sand.u32 $0x1F00, s30;
	v18 =	vadd.f32 v24, v26;
	p2 =	slt.u32 s29, $0xC4;
	s0 =	sshll.u32 s0, $0x6;
	[tilespmem:v2+s21+$0x0] =	vst.idx.add.f32.msk $0xffff, v19;
	v2 =	vmov v4;
	v4 =	vmov v11  }
0x84: {  	s4 =	sand.u32 $0x40, s28;
	s3 =	sadd.s32 $0xC580, s3;
	v11 =	vmax.f32 v28, v29;
	v19 =	vmul.f32 $2.000000030e-01, v25;
	s0 =	sadd.s32 s0, s30;
	[tilespmem:v3+s21+$0x0] =	vst.idx.add.f32.msk $0xffff, v21;
	v3 =	vmovc v5;
	v5 =	vmov v10  }
0x85: {  	s5 =	sadd.s32 s4, s3;
	v10 =	vmul.f32 $1.442695020e+00, v11;
	v11 =	vmul.f32 $2.000000030e-01, v18;
	s31 =	sadd.s32 $0x10, s0;
	s6 =	sadd.s32 $0x30, s0;
	[tilespmem:v1+s21+$0x0] =	vst.idx.add.f32.msk $0xffff, v20;
	v1 =	vmovc v6;
	v6 =	vmov v14  }
0x86: {  	s7 =	sadd.s32 $0x20, s0;
	v14 =	vmax.f32 v25, v19;
	v19 =	vmul.f32 v23, v17;
	s31 =	sor.u32 $0x80, s31;
	v24 =	vld [tilespmem:s5+$0x30];
	s6 =	sor.u32 $0x80, s6  }
0x87: {  	s3 =	sor.u32 s4, s3;
	s0 =	sor.u32 $0x80, s0;
	s4 =	sor.u32 $0x80, s7;
	v14 =	vmul.f32 $1.442695020e+00, v14;
	v17 =	vmax.f32 v18, v11;
	v23 =	vld [tilespmem:s6+$0xC580];
	(erf) = vpow2.f32 v10  }
0x88: {  	v21 =	vmul.f32 v22, v16;
	v17 =	vmul.f32 $1.442695020e+00, v17;
	v11 =	vld [tilespmem:s31+$0xC580]  }
0x89: {  	v20 =	vmul.f32 v27, v15;
	v10 =	vld [tilespmem:s4+$0xC580];
	(erf) = vpow2.f32 v14;
	v16 =	vpop (erf)  }
0x8a: {  	[tilespmem:v8+s26+$0x0] =	vst.idx.add.f32.msk @!p0 $0xffff, v16;
	(erf) = vpow2.f32 v17  }
0x8b: {  	v17 =	vld.idx.msk [tilespmem:v9+s2+$0x0], $0xffff;
	v9 =	vmov v24  }
0x8c: {  	v14 =	vld [tilespmem:s0+$0xC580]  }
0x8d: {  	v18 =	vld [tilespmem:s3+$0x0]  }
0x8e: {  	v22 =	vld.idx.msk [tilespmem:v24+s16+$0x0], $0xffff  }
0x8f: {  	v26 =	vld.idx.msk [tilespmem:v23+s17+$0x0], $0xffff  }
0x90: {  	v29 =	vld [tilespmem:s5+$0x10];
	v15 =	vpop (erf)  }
0x91: {  	v24 =	vmul.f32 v17, v16;
	v30 =	vld [tilespmem:s5+$0x20]  }
0x92: {  	v25 =	vld.idx.msk [tilespmem:v11+s17+$0x0], $0xffff;
	v17 =	vpop (erf)  }
0x93: {  	[tilespmem:v8+s21+$0x0] =	vst.idx.add.f32.msk $0xffff, v24;
	v16 =	vpop (erf);
	v8 =	vmov v23  }
0x94: {  	v24 =	vld.idx.msk [tilespmem:v10+s17+$0x0], $0xffff  }
0x95: {  	v22 =	vadd.f32 v26, v22;
	v23 =	vld.idx.msk [tilespmem:v14+s17+$0x0], $0xffff  }
0x96: {  	v28 =	vld.idx.msk [tilespmem:v18+s16+$0x0], $0xffff  }
0x97: {  	v31 =	vmul.f32 $2.000000030e-01, v22;
	[tilespmem:v4+s26+$0x0] =	vst.idx.add.f32.msk @!p0 $0xffff, v17  }
0x98: {  	v27 =	vld.idx.msk [tilespmem:v29+s16+$0x0], $0xffff  }
.Ltmp1:
0x99: {  	v22 =	vmax.f32 v22, v31;
	v26 =	vld.idx.msk [tilespmem:v30+s16+$0x0], $0xffff;
	(pc) =	sbr.rel @p2 .LBB2_5-.Ltmp1, $4  }
0x9a: {  	v22 =	vmul.f32 $1.442695020e+00, v22;
	[tilespmem:v5+s26+$0x0] =	vst.idx.add.f32.msk @!p0 $0xffff, v16  }
0x9b: {  	[tilespmem:v6+s26+$0x0] =	vst.idx.add.f32.msk @!p0 $0xffff, v15  }
0x9c: {  	v28 =	vadd.f32 v23, v28;
	(erf) = vpow2.f32 v22;
	v23 =	vld.idx.msk [tilespmem:v13+s2+$0x0], $0xffff;
	v13 =	vmov v29  }
0x9d: {  	p1 =	por !p1, !p1;
	s30 =	sadd.s32 $0x80, s30;
	v22 =	vld.idx.msk [tilespmem:v12+s2+$0x0], $0xffff;
	v12 =	vmov v30  }
0x9e: {  	v25 =	vadd.f32 v25, v27  }
0x9f: {  	v27 =	vmul.f32 $2.000000030e-01, v28;
	v24 =	vadd.f32 v24, v26  }
0xa0: {  	v26 =	vmul.f32 $2.000000030e-01, v25  }
0xa1: {  	v27 =	vmax.f32 v28, v27;
	v28 =	vmul.f32 $2.000000030e-01, v24  }
0xa2: {  	v27 =	vmul.f32 $1.442695020e+00, v27;
	v25 =	vmax.f32 v25, v26  }
0xa3: {  	v24 =	vmax.f32 v24, v28;
	v25 =	vmul.f32 $1.442695020e+00, v25  }
0xa4: {  	(erf) = vpow2.f32 v27;
	v24 =	vmul.f32 $1.442695020e+00, v24  }
0xa5: {  	(erf) = vpow2.f32 v25  }
0xa6: {  	(erf) = vpow2.f32 v24;
	_ =	sdelay $0x1  }
0xa7: {  	v7 =	vld.idx.msk [tilespmem:v7+s2+$0x0], $0xffff  }
0xa8: {  	[tilespmem:v2+s21+$0x0] =	vst.idx.add.f32.msk $0xffff, v19  }
0xa9: {  	[tilespmem:v3+s21+$0x0] =	vst.idx.add.f32.msk $0xffff, v21  }
0xaa: {  	[tilespmem:v1+s21+$0x0] =	vst.idx.add.f32.msk $0xffff, v20;
	s28 =	simm.s32 @!p0 $0x9E00;
	v2 =	vpop (erf)  }
0xab: {  	[tilespmem:v8+s28+$0x0] =	vst.idx.add.f32.msk @!p0 $0xffff, v2  }
0xac: {  	v3 =	vld.idx.msk [tilespmem:v9+s2+$0x0], $0xffff;
	v1 =	vpop (erf)  }
0xad: {  	[tilespmem:v14+s28+$0x0] =	vst.idx.add.f32.msk @!p0 $0xffff, v1;
	v9 =	vpop (erf)  }
0xae: {  	v19 =	vpop (erf);
	[tilespmem:v11+s28+$0x0] =	vst.idx.add.f32.msk @!p0 $0xffff, v9  }
0xaf: {  	[tilespmem:v10+s28+$0x0] =	vst.idx.add.f32.msk @!p0 $0xffff, v19  }
0xb0: {  	v13 =	vld.idx.msk [tilespmem:v13+s2+$0x0], $0xffff  }
0xb1: {  	v16 =	vmul.f32 v22, v16;
	v2 =	vmul.f32 v3, v2;
	v3 =	vld.idx.msk [tilespmem:v12+s2+$0x0], $0xffff  }
0xb2: {  	v12 =	vmul.f32 v23, v17;
	v17 =	vld.idx.msk [tilespmem:v18+s2+$0x0], $0xffff  }
0xb3: {  	[tilespmem:v5+s21+$0x0] =	vst.idx.add.f32.msk $0xffff, v16  }
0xb4: {  	s26 =	smul.u32 $0x1900, s25;
	[tilespmem:v8+s21+$0x0] =	vst.idx.add.f32.msk $0xffff, v2;
	v2 =	vmul.f32 v7, v15  }
0xb5: {  	[tilespmem:v4+s21+$0x0] =	vst.idx.add.f32.msk $0xffff, v12;
	v4 =	vmul.f32 v13, v9  }
0xb6: {  	s0 =	smin.u32 s26, $0x24B80;
	[tilespmem:v6+s21+$0x0] =	vst.idx.add.f32.msk $0xffff, v2;
	v2 =	vmul.f32 v3, v19  }
0xb7: {  	s0 =	sadd.s32 s0, s8;
	v1 =	vmul.f32 v17, v1;
	[tilespmem:v11+s21+$0x0] =	vst.idx.add.f32.msk $0xffff, v4  }
0xb8: {  	s0 =	sshrl.u32 s0, $0x2;
	[tilespmem:v10+s21+$0x0] =	vst.idx.add.f32.msk $0xffff, v2  }
0xb9: {  	s3 =	simm.s32 $0x0;
	s0 =	sadd.s32 s1, s0;
	[tilespmem:v14+s21+$0x0] =	vst.idx.add.f32.msk $0xffff, v1  }
0xba: {  	[tilespmem:s18], [sflag:$0x1] =	stream.linear.gather [hbm4b:s0+s3], $0x1900, $0x38;
	[tilespmem:$0xF780] =	vst v63  }
0xbb: {  	s0 =	sand.u32 $0x40, s3;
	s3 =	sand.u32 $0x1F00, s3;
	_ =	swait.ge [sflag:s22], $0x1900  }
0xbc: {  	s4 =	sadd.s32 $0xDE80, s3;
	s5 =	sor.u32 $0x30, s0;
	[sflag:s22] =	ssyncset.done $0x0  }
0xbd: {  	s3 =	sadd.s32 $0xDF00, s3;
	s6 =	sadd.s32 s5, s4;
	[sflag:s22] =	ssyncadd.s32 $0xFFFFE700  }
0xbe: {  	s5 =	sadd.s32 s5, s3;
	v5 =	vld [tilespmem:s6+$0x0]  }
0xbf: {  	v7 =	vld [tilespmem:s5+$0x0];
	_ =	sdelay $0x6  }
0xc0: {  	v2 =	vld.idx.msk [tilespmem:v5+s16+$0x0], $0xffff  }
0xc1: {  	v3 =	vld.idx.msk [tilespmem:v7+s17+$0x0], $0xffff;
	_ =	sdelay $0x1  }
0xc2: {  	s7 =	sor.u32 s0, s3  }
0xc3: {  	s10 =	sor.u32 $0x10, s0;
	s6 =	sor.u32 s0, s4;
	v1 =	vld [tilespmem:s7+$0x0]  }
0xc4: {  	s11 =	sadd.s32 s10, s4;
	s0 =	sor.u32 $0x20, s0;
	v8 =	vld [tilespmem:s6+$0x0]  }
0xc5: {  	v9 =	vld [tilespmem:s11+$0x0];
	s4 =	sadd.s32 s0, s4;
	v4 =	vadd.f32 v3, v2  }
0xc6: {  	v10 =	vld [tilespmem:s4+$0x0]  }
0xc7: {  	s6 =	sadd.s32 s10, s3;
	v6 =	vmul.f32 $2.000000030e-01, v4  }
0xc8: {  	s0 =	sadd.s32 s0, s3;
	v2 =	vld [tilespmem:s6+$0x0]  }
0xc9: {  	v3 =	vld [tilespmem:s0+$0x0];
	v4 =	vmax.f32 v4, v6  }
0xca: {  	v4 =	vmul.f32 $1.442695020e+00, v4  }
0xcb: {  	s7 =	simm.s32 $0x40;
	v11 =	vld.idx.msk [tilespmem:v1+s17+$0x0], $0xffff;
	s6 =	simm.s32 $0x80  }
0xcc: {  	s3 =	sand.u32 $0x40, s7;
	s0 =	sand.u32 $0x1F00, s6;
	v6 =	vld.idx.msk [tilespmem:v8+s16+$0x0], $0xffff;
	(erf) = vpow2.f32 v4  }
0xcd: {  	s10 =	sor.u32 $0x30, s3;
	v12 =	vld.idx.msk [tilespmem:v9+s16+$0x0], $0xffff;
	s4 =	sadd.s32 $0xDE80, s0  }
0xce: {  	v14 =	vld.idx.msk [tilespmem:v10+s16+$0x0], $0xffff;
	s11 =	sadd.s32 s10, s4  }
0xcf: {  	s0 =	sadd.s32 $0xDF00, s0;
	v16 =	vld [tilespmem:s11+$0x0]  }
0xd0: {  	s5 =	sadd.s32 s10, s0;
	s6 =	sor.u32 s3, s4;
	v13 =	vld.idx.msk [tilespmem:v2+s17+$0x0], $0xffff  }
0xd1: {  	s7 =	sor.u32 s3, s0;
	s10 =	sor.u32 $0x10, s3;
	s3 =	sor.u32 $0x20, s3;
	v15 =	vld.idx.msk [tilespmem:v3+s17+$0x0], $0xffff;
	v6 =	vadd.f32 v11, v6  }
0xd2: {  	v17 =	vld [tilespmem:s5+$0x0];
	s11 =	sadd.s32 s10, s4;
	s4 =	sadd.s32 s3, s4  }
0xd3: {  	v23 =	vld [tilespmem:s4+$0x0];
	v11 =	vmul.f32 $2.000000030e-01, v6  }
0xd4: {  	v19 =	vld [tilespmem:s6+$0x0]  }
0xd5: {  	v21 =	vld [tilespmem:s11+$0x0];
	v12 =	vadd.f32 v13, v12;
	v6 =	vmax.f32 v6, v11;
	v18 =	vpop (erf)  }
0xd6: {  	v11 =	vadd.f32 v15, v14;
	v6 =	vmul.f32 $1.442695020e+00, v6;
	[tilespmem:v7+s28+$0x0] =	vst.idx.add.f32.msk @!p0 $0xffff, v18  }
0xd7: {  	v13 =	vld.idx.msk [tilespmem:v5+s2+$0x0], $0xffff;
	v5 =	vmul.f32 $2.000000030e-01, v12  }
0xd8: {  	v4 =	vld [tilespmem:s7+$0x0];
	v14 =	vmul.f32 $2.000000030e-01, v11;
	(erf) = vpow2.f32 v6  }
0xd9: {  	v15 =	vld.idx.msk [tilespmem:v16+s16+$0x0], $0xffff;
	v5 =	vmax.f32 v12, v5  }
0xda: {  	v11 =	vmax.f32 v11, v14;
	v12 =	vld.idx.msk [tilespmem:v17+s17+$0x0], $0xffff;
	v6 =	vmul.f32 $1.442695020e+00, v5  }
0xdb: {  	s5 =	sadd.s32 s10, s0;
	v20 =	vld.idx.msk [tilespmem:v23+s16+$0x0], $0xffff;
	v11 =	vmul.f32 $1.442695020e+00, v11  }
0xdc: {  	s0 =	sadd.s32 s3, s0;
	v5 =	vld [tilespmem:s5+$0x0];
	(erf) = vpow2.f32 v6  }
0xdd: {  	v6 =	vld [tilespmem:s0+$0x0];
	(erf) = vpow2.f32 v11  }
0xde: {  	v14 =	vld.idx.msk [tilespmem:v21+s16+$0x0], $0xffff;
	v11 =	vmul.f32 v13, v18  }
0xdf: {  	v13 =	vld.idx.msk [tilespmem:v19+s16+$0x0], $0xffff;
	v12 =	vadd.f32 v12, v15  }
0xe0: {  	[tilespmem:v7+s21+$0x0] =	vst.idx.add.f32.msk $0xffff, v11  }
0xe1: {  	v18 =	vpop (erf);
	v7 =	vld.idx.msk [tilespmem:v4+s17+$0x0], $0xffff;
	v11 =	vmul.f32 $2.000000030e-01, v12  }
0xe2: {  	[tilespmem:v1+s28+$0x0] =	vst.idx.add.f32.msk @!p0 $0xffff, v18  }
0xe3: {  	v26 =	vld.idx.msk [tilespmem:v8+s2+$0x0], $0xffff;
	v11 =	vmax.f32 v12, v11  }
0xe4: {  	v15 =	vld.idx.msk [tilespmem:v5+s17+$0x0], $0xffff;
	v11 =	vmul.f32 $1.442695020e+00, v11  }
0xe5: {  	s6 =	simm.s32 $0x80;
	s5 =	simm.s32 $0x100;
	v22 =	vld.idx.msk [tilespmem:v6+s17+$0x0], $0xffff;
	v27 =	vpop (erf)  }
0xe6: {  	s3 =	sand.u32 $0x40, s6;
	s0 =	sand.u32 $0x1F00, s5;
	(erf) = vpow2.f32 v11;
	v28 =	vpop (erf);
	[tilespmem:v2+s28+$0x0] =	vst.idx.add.f32.msk @!p0 $0xffff, v27  }
0xe7: {  	s7 =	sor.u32 $0x30, s3;
	s4 =	sadd.s32 $0xDE80, s0;
	[tilespmem:v3+s28+$0x0] =	vst.idx.add.f32.msk @!p0 $0xffff, v28  }
0xe8: {  	s10 =	sadd.s32 s7, s4;
	v29 =	vld.idx.msk [tilespmem:v9+s2+$0x0], $0xffff  }
0xe9: {  	v9 =	vld [tilespmem:s10+$0x0]  }
0xea: {  	s0 =	sadd.s32 $0xDF00, s0;
	s11 =	sor.u32 s3, s4;
	v30 =	vld.idx.msk [tilespmem:v10+s2+$0x0], $0xffff;
	v10 =	vadd.f32 v7, v13;
	v13 =	vadd.f32 v15, v14  }
0xeb: {  	s5 =	sadd.s32 s7, s0;
	v8 =	vld [tilespmem:s11+$0x0]  }
0xec: {  	s7 =	sor.u32 s3, s0;
	s10 =	sor.u32 $0x10, s3;
	v7 =	vld [tilespmem:s5+$0x0];
	v11 =	vmul.f32 $2.000000030e-01, v10;
	v14 =	vmul.f32 $2.000000030e-01, v13  }
0xed: {  	v12 =	vld [tilespmem:s7+$0x0];
	s5 =	sadd.s32 s10, s0  }
0xee: {  	s11 =	sadd.s32 s10, s4;
	v10 =	vmax.f32 v10, v11;
	v14 =	vmax.f32 v13, v14;
	v13 =	vld [tilespmem:s5+$0x0]  }
0xef: {  	v11 =	vadd.f32 v22, v20;
	v20 =	vmul.f32 $1.442695020e+00, v10;
	v10 =	vld [tilespmem:s11+$0x0];
	v15 =	vpop (erf)  }
0xf0: {  	[tilespmem:v17+s28+$0x0] =	vst.idx.add.f32.msk @!p0 $0xffff, v15  }
0xf1: {  	s3 =	sor.u32 $0x20, s3;
	v14 =	vmul.f32 $1.442695020e+00, v14;
	v22 =	vmul.f32 $2.000000030e-01, v11;
	v16 =	vld.idx.msk [tilespmem:v16+s2+$0x0], $0xffff  }
0xf2: {  	s0 =	sadd.s32 s3, s0;
	(erf) = vpow2.f32 v20;
	v20 =	vld.idx.msk [tilespmem:v9+s16+$0x0], $0xffff  }
0xf3: {  	v11 =	vmax.f32 v11, v22;
	(erf) = vpow2.f32 v14;
	v14 =	vld [tilespmem:s0+$0x0]  }
0xf4: {  	s4 =	sadd.s32 s3, s4;
	v24 =	vld.idx.msk [tilespmem:v7+s17+$0x0], $0xffff;
	v22 =	vmul.f32 $1.442695020e+00, v11  }
0xf5: {  	v11 =	vld [tilespmem:s4+$0x0]  }
0xf6: {  	(erf) = vpow2.f32 v22;
	v22 =	vld.idx.msk [tilespmem:v8+s16+$0x0], $0xffff;
	v15 =	vmul.f32 v16, v15  }
0xf7: {  	v32 =	vld.idx.msk [tilespmem:v13+s17+$0x0], $0xffff  }
0xf8: {  	[tilespmem:v17+s21+$0x0] =	vst.idx.add.f32.msk $0xffff, v15  }
0xf9: {  	v20 =	vadd.f32 v24, v20;
	v17 =	vld.idx.msk [tilespmem:v12+s17+$0x0], $0xffff  }
0xfa: {  	v31 =	vld.idx.msk [tilespmem:v10+s16+$0x0], $0xffff  }
0xfb: {  	v33 =	vmul.f32 $2.000000030e-01, v20;
	v16 =	vpop (erf);
	v25 =	vld.idx.msk [tilespmem:v14+s17+$0x0], $0xffff  }
0xfc: {  	[tilespmem:v4+s28+$0x0] =	vst.idx.add.f32.msk @!p0 $0xffff, v16  }
0xfd: {  	v24 =	vld.idx.msk [tilespmem:v11+s16+$0x0], $0xffff;
	v15 =	vpop (erf);
	v20 =	vmax.f32 v20, v33  }
0xfe: {  	[tilespmem:v5+s28+$0x0] =	vst.idx.add.f32.msk @!p0 $0xffff, v15;
	v33 =	vmul.f32 $1.442695020e+00, v20;
	v34 =	vadd.f32 v17, v22  }
0xff: {  	v18 =	vmul.f32 v26, v18;
	v21 =	vld.idx.msk [tilespmem:v21+s2+$0x0], $0xffff  }
0x100: {  	v26 =	vadd.f32 v32, v31;
	v17 =	vpop (erf);
	v22 =	vld.idx.msk [tilespmem:v19+s2+$0x0], $0xffff;
	(erf) = vpow2.f32 v33;
	v31 =	vmul.f32 $2.000000030e-01, v34  }
0x101: {  	v20 =	vmul.f32 v29, v27;
	[tilespmem:v6+s28+$0x0] =	vst.idx.add.f32.msk @!p0 $0xffff, v17  }
0x102: {  	s29 =	simm.s32 $0x8;
	s30 =	simm.s32 $0x180;
	s31 =	simm.s32 $0xC0;
	v19 =	vmul.f32 v30, v28;
	v27 =	vmul.f32 $2.000000030e-01, v26;
	v23 =	vld.idx.msk [tilespmem:v23+s2+$0x0], $0xffff;
	v28 =	vmax.f32 v34, v31  }
.LBB2_7:
0x103: {  	s0 =	sand.u32 $0x40, s31;
	s3 =	sand.u32 $0x1F00, s30;
	v28 =	vmul.f32 $1.442695020e+00, v28;
	v24 =	vadd.f32 v25, v24;
	[tilespmem:v1+s21+$0x0] =	vst.idx.add.f32.msk $0xffff, v18;
	v1 =	vmovc v4;
	v4 =	vmov v12  }
0x104: {  	s29 =	sadd.s32 $0x4, s29;
	s4 =	sadd.s32 $0xDE80, s3;
	s5 =	sor.u32 $0x30, s0;
	v12 =	vmax.f32 v26, v27;
	[tilespmem:v2+s21+$0x0] =	vst.idx.add.f32.msk $0xffff, v20;
	v2 =	vmov v5;
	v5 =	vmov v13  }
0x105: {  	s3 =	sadd.s32 $0xDF00, s3;
	p1 =	slt.u32 s29, $0xC4;
	s6 =	sadd.s32 s5, s4;
	v12 =	vmul.f32 $1.442695020e+00, v12;
	v13 =	vmul.f32 $2.000000030e-01, v24;
	[tilespmem:v3+s21+$0x0] =	vst.idx.add.f32.msk $0xffff, v19;
	v3 =	vmovc v6;
	v6 =	vmov v14  }
0x106: {  	s7 =	sor.u32 $0x10, s0;
	s10 =	sor.u32 $0x20, s0;
	s5 =	sadd.s32 s5, s3;
	v18 =	vmul.f32 v22, v16;
	v14 =	vld [tilespmem:s6+$0x0];
	(erf) = vpow2.f32 v28  }
0x107: {  	s11 =	sadd.s32 s7, s4;
	s6 =	sor.u32 s0, s4;
	s0 =	sor.u32 s0, s3;
	v20 =	vmul.f32 v21, v15;
	v22 =	vld [tilespmem:s5+$0x0];
	v13 =	vmax.f32 v24, v13;
	(erf) = vpow2.f32 v12  }
0x108: {  	s4 =	sadd.s32 s10, s4;
	s5 =	sadd.s32 s7, s3;
	s3 =	sadd.s32 s10, s3;
	v19 =	vmul.f32 v23, v17;
	v21 =	vld [tilespmem:s6+$0x0];
	v13 =	vmul.f32 $1.442695020e+00, v13  }
0x109: {  	v12 =	vld [tilespmem:s0+$0x0];
	v17 =	vpop (erf)  }
0x10a: {  	[tilespmem:v7+s28+$0x0] =	vst.idx.add.f32.msk @!p0 $0xffff, v17;
	(erf) = vpow2.f32 v13  }
0x10b: {  	v23 =	vld.idx.msk [tilespmem:v9+s2+$0x0], $0xffff;
	v9 =	vmov v14  }
0x10c: {  	v27 =	vld [tilespmem:s11+$0x0]  }
0x10d: {  	v13 =	vld [tilespmem:s5+$0x0]  }
0x10e: {  	v24 =	vld.idx.msk [tilespmem:v14+s16+$0x0], $0xffff  }
0x10f: {  	v25 =	vld.idx.msk [tilespmem:v22+s17+$0x0], $0xffff;
	v16 =	vpop (erf)  }
0x110: {  	v29 =	vld [tilespmem:s4+$0x0];
	v15 =	vpop (erf)  }
0x111: {  	v26 =	vmul.f32 v23, v17;
	v14 =	vld [tilespmem:s3+$0x0]  }
0x112: {  	v23 =	vld.idx.msk [tilespmem:v21+s16+$0x0], $0xffff  }
0x113: {  	[tilespmem:v7+s21+$0x0] =	vst.idx.add.f32.msk $0xffff, v26;
	v17 =	vpop (erf);
	v7 =	vmov v22  }
0x114: {  	v22 =	vld.idx.msk [tilespmem:v12+s17+$0x0], $0xffff  }
0x115: {  	v28 =	vadd.f32 v25, v24;
	v26 =	vld.idx.msk [tilespmem:v27+s16+$0x0], $0xffff  }
0x116: {  	v30 =	vld.idx.msk [tilespmem:v13+s17+$0x0], $0xffff  }
0x117: {  	v31 =	vmul.f32 $2.000000030e-01, v28;
	[tilespmem:v4+s28+$0x0] =	vst.idx.add.f32.msk @!p0 $0xffff, v16  }
0x118: {  	v24 =	vld.idx.msk [tilespmem:v29+s16+$0x0], $0xffff  }
0x119: {  	v28 =	vmax.f32 v28, v31;
	v25 =	vld.idx.msk [tilespmem:v14+s17+$0x0], $0xffff  }
.Ltmp2:
0x11a: {  	v23 =	vadd.f32 v22, v23;
	v22 =	vmul.f32 $1.442695020e+00, v28;
	[tilespmem:v5+s28+$0x0] =	vst.idx.add.f32.msk @!p0 $0xffff, v15;
	(pc) =	sbr.rel @p1 .LBB2_7-.Ltmp2, $4  }
0x11b: {  	[tilespmem:v6+s28+$0x0] =	vst.idx.add.f32.msk @!p0 $0xffff, v17  }
0x11c: {  	v28 =	vmul.f32 $2.000000030e-01, v23;
	v26 =	vadd.f32 v30, v26;
	(erf) = vpow2.f32 v22;
	v22 =	vld.idx.msk [tilespmem:v8+s2+$0x0], $0xffff;
	v8 =	vmovc v21  }
0x11d: {  	v21 =	vld.idx.msk [tilespmem:v10+s2+$0x0], $0xffff;
	v10 =	vmov v27  }
0x11e: {  	s30 =	sadd.s32 $0x80, s30;
	s31 =	sadd.s32 $0x40, s31;
	v28 =	vmax.f32 v23, v28;
	v27 =	vmul.f32 $2.000000030e-01, v26;
	v23 =	vld.idx.msk [tilespmem:v11+s2+$0x0], $0xffff;
	v11 =	vmov v29  }
0x11f: {  	v24 =	vadd.f32 v25, v24  }
0x120: {  	v28 =	vmul.f32 $1.442695020e+00, v28  }
0x121: {  	v26 =	vmax.f32 v26, v27;
	v25 =	vmul.f32 $2.000000030e-01, v24  }
0x122: {  	v26 =	vmul.f32 $1.442695020e+00, v26;
	(erf) = vpow2.f32 v28  }
0x123: {  	v24 =	vmax.f32 v24, v25  }
0x124: {  	(erf) = vpow2.f32 v26;
	v24 =	vmul.f32 $1.442695020e+00, v24;
	_ =	sdelay $0x1  }
0x125: {  	(erf) = vpow2.f32 v24  }
0x126: {  	[tilespmem:v1+s21+$0x0] =	vst.idx.add.f32.msk $0xffff, v18  }
0x127: {  	[tilespmem:v2+s21+$0x0] =	vst.idx.add.f32.msk $0xffff, v20;
	s28 =	simm.s32 @!p0 $0x9E00;
	v1 =	vpop (erf)  }
0x128: {  	[tilespmem:v7+s28+$0x0] =	vst.idx.add.f32.msk @!p0 $0xffff, v1  }
0x129: {  	v2 =	vld.idx.msk [tilespmem:v9+s2+$0x0], $0xffff  }
0x12a: {  	[tilespmem:v3+s21+$0x0] =	vst.idx.add.f32.msk $0xffff, v19;
	v3 =	vpop (erf)  }
0x12b: {  	[tilespmem:v12+s28+$0x0] =	vst.idx.add.f32.msk @!p0 $0xffff, v3  }
0x12c: {  	v9 =	vpop (erf);
	v8 =	vld.idx.msk [tilespmem:v8+s2+$0x0], $0xffff  }
0x12d: {  	[tilespmem:v13+s28+$0x0] =	vst.idx.add.f32.msk @!p0 $0xffff, v9  }
0x12e: {  	v1 =	vmul.f32 v2, v1;
	v2 =	vld.idx.msk [tilespmem:v10+s2+$0x0], $0xffff;
	v18 =	vpop (erf)  }
0x12f: {  	v63 =	vmul.f32 v22, v16;
	[tilespmem:v14+s28+$0x0] =	vst.idx.add.f32.msk @!p0 $0xffff, v18  }
0x130: {  	v11 =	vld.idx.msk [tilespmem:v11+s2+$0x0], $0xffff  }
0x131: {  	v15 =	vmul.f32 v21, v15;
	[tilespmem:v4+s21+$0x0] =	vst.idx.add.f32.msk $0xffff, v63  }
0x132: {  	p1 =	slt.s32 s26, $0x23F00;
	s25 =	sadd.s32 $0x1, s25;
	[tilespmem:v7+s21+$0x0] =	vst.idx.add.f32.msk $0xffff, v1;
	v1 =	vmul.f32 v23, v17  }
0x133: {  	s26 =	simm.s32 @!p1 $0x23F00;
	p1 =	sne.s32 s25, $0x19;
	[tilespmem:v5+s21+$0x0] =	vst.idx.add.f32.msk $0xffff, v15;
	v3 =	vmul.f32 v8, v3  }
.Ltmp3:
0x134: {  	[tilespmem:v6+s21+$0x0] =	vst.idx.add.f32.msk $0xffff, v1;
	v1 =	vmul.f32 v2, v9;
	(pc) =	sbr.rel @p1 .LBB2_4-.Ltmp3, $4  }
0x135: {  	s0 =	sadd.s32 s26, s9;
	[tilespmem:v12+s21+$0x0] =	vst.idx.add.f32.msk $0xffff, v3;
	v2 =	vmul.f32 v11, v18  }
0x136: {  	s0 =	sshrl.u32 s0, $0x2;
	[tilespmem:v13+s21+$0x0] =	vst.idx.add.f32.msk $0xffff, v1  }
0x137: {  	s0 =	sadd.s32 s1, s0;
	[tilespmem:v14+s21+$0x0] =	vst.idx.add.f32.msk $0xffff, v2  }
0x138: {  	[tilespmem:s19], [sflag:$0x2] =	stream.linear.gather [hbm4b:s0+s2], $0x1900, $0x38;
	[tilespmem:$0xF780] =	vst v63  }
0x139: {  	_ =	swait.ge [sflag:s20], $0x1900  }
0x13a: {  	[sflag:s20] =	ssyncset.done $0x0  }
0x13b: {  	[sflag:s20] =	ssyncadd.s32 $0xFFFFE700  }
0x13c: {  	_ =	swait.ge [sflag:s22], $0x1900  }
0x13d: {  	[sflag:s22] =	ssyncset.done $0x0  }
0x13e: {  	s0 =	rddreg [dreg:$0x9];
	[sflag:s22] =	ssyncadd.s32 $0xFFFFE700  }
0x13f: {  	[hbm4b:s0+s13] =	stream.strided.scatter [tilespmem:s21], [sflag:$0x3], $0x2780, s14, s13, $0x38;
	[tilespmem:$0xF780] =	vst v63  }
0x140: {  	s23 =	sadd.s32 $0x1, s23;
	_ =	swait.ge [sflag:s15], $0x2780  }
0x141: {  	s3 =	simm.s32 @!p0 $0x100;
	p1 =	sne.s32 s23, s12;
	[sflag:s15] =	ssyncset.done $0x0  }
0x142: {  	s0 =	simm.s32 @!p0 $0x80;
	s4 =	rddreg [dreg:$0xa];
	[sflag:s15] =	ssyncadd.s32 $0xFFFFD880  }
0x143: {  	[hbm4b:s4+s0] =	stream.strided.scatter @!p0 [tilespmem:s28], [sflag:$0x3], $0x2780, s3, s0, $0x38;
	[tilespmem:$0xF780] =	vst v63  }
.Ltmp4:
0x144: {  	_ = 	snop;
	(pc) =	sbr.rel @p1 .LBB2_1-.Ltmp4, $4  }
0x145: {  	s0 =	simm.s32 @!p0 $0x3  }
0x146: {  	_ =	swait.ge @!p0 [sflag:s0], $0x2780  }
0x147: {  	[sflag:s0] =	ssyncset.done @!p0 $0x0  }
0x148: {  	[sflag:s0] =	ssyncadd.s32 @!p0 $0xFFFFD880  }
0x149: {  	_ =	sfence.sel $0x180000  }
0x14a: {  	[bflag:$0x0] =	sbarrier.arrive $0xFFFF  }
0x14b: {  	_ =	strace $0x9000004A  }
0x14c: {  	[bflag:$0x2] =	sbarrier.arrive $0xFFFF  }
0x14d: {  	s0 =	rddreg [dreg:$0x3]  }
0x14e: {  	s0 =	sadd.s32 @!p0 $0x100000, s0  }
0x14f: {  	[sflag:s0] =	ssyncadd.tile.s32 @!p0 $0x1;
	_ =	shalt  }
.Lfunc_end2:
_tile_overlayer_lowered:
.L_overlay_start_2:
0x150: {  	(tag) =	ssettag $0x2  }
0x151: {  	s0 =	rddreg [dreg:$0x0];
	s2 =	stileid.u32  }
0x152: {  	s1 =	rddreg [dreg:$0x1];
	p0 =	sne.s32 s2, $0x0  }
0x153: {  	s3 =	rddreg [dreg:$0x2];
	[bflag:$0x3] =	sbarrier.arrive $0xFFFF;
	s2 =	simm.s32 @!p0 $0x1C03  }
0x154: {  	[timem:s3], [sflag:s2] =	dma.local @!p0 [hbm:s0], s1  }
0x155: {  	s0 =	simm.s32 @!p0 $0x3  }
0x156: {  	_ =	swait.ge @!p0 [sflag:s0], s1  }
0x157: {  	s1 =	ssub.s32 @!p0 $0x0, s1;
	[sflag:s0] =	ssyncset.done @!p0 $0x0  }
0x158: {  	[sflag:s0] =	ssyncadd.s32 @!p0 s1  }
0x159: {  	[bflag:$0x3] =	sbarrier.arrive $0xFFFF  }
0x15a: {  	_ =	shalt  }

// kernel: kernel.7.cloned.1.call-start
scs
__scs_entry_jumppad:
0x0: {  	(pc) =	sbr.rel $0x88, $3  }
0x1: {  	(tag) =	ssettag $0x0;
	lr =	simm.s32 $0x1  }
0x2: {  	[smem:$0x3F97] =	sst lr;
	_ =	strace $0xD0000000  }
0x3: {  	_ = 	snop  }
0x4: {  	_ = 	snop  }
0x5: {  	_ = 	snop  }
0x6: {  	_ = 	snop  }
0x7: {  	_ = 	snop  }
__scs_overlays_trampoline_lowered:
0x8: {  	[smem:$0x3FA6] =	sst s0  }
0x9: {  	[smem:$0x3FA7] =	sst s1  }
0xa: {  	[smem:$0x3FA8] =	sst s2  }
0xb: {  	[smem:$0x3FA9] =	sst s3  }
0xc: {  	[smem:$0x3FAA] =	sst s4  }
0xd: {  	[smem:$0x3FAB] =	sst s5  }
0xe: {  	[smem:$0x3FAC] =	sst s6  }
0xf: {  	[smem:$0x3FAD] =	sst s7  }
0x10: {  	[smem:$0x3FAE] =	sst s8  }
0x11: {  	[smem:$0x3FAF] =	sst s9;
	s0 =	simm.s32 @!p0 $0x0  }
0x12: {  	s1 =	sld [smem:$0x3F95];
	s0 =	simm.s32 @p0 $0x1  }
0x13: {  	[smem:$0x3FB0] =	sst s0;
	s0 =	simm.s32 @!p1 $0x0  }
0x14: {  	s2 =	sld [smem:$0x3F94];
	s0 =	simm.s32 @p1 $0x1  }
0x15: {  	[smem:$0x3FB1] =	sst s0;
	s0 =	simm.s32 @!p2 $0x0  }
0x16: {  	s3 =	sld [smem:$0x3FDB];
	s0 =	simm.s32 @p2 $0x1  }
0x17: {  	s4 =	simm.s32 $0x1BF5;
	[smem:$0x3FB3] =	sst s0  }
0x18: {  	s0 =	sld [smem:$0x3F96];
	_ =	swait.ge [sflag:s4], $0x0  }
0x19: {  	s7 =	sld [smem:$0x3F97]  }
0x1a: {  	s8 =	sadd.s32 $0xFFFFE003, lr  }
0x1b: {  	s9 =	sadd.s32 $0xFFFFFEF7, lr;
	s5 =	simm.s32 $0xFFFFFFFF;
	p2 =	slt.u32 s8, $0xFFFFF086  }
0x1c: {  	p1 =	slt.u32 s9, $0xF7A;
	s5 =	simm.s32 @!p2 $0x0  }
0x1d: {  	s5 =	simm.s32 @p1 $0x1;
	p0 =	seq.s32 s7, s2  }
0x1e: {  	s7 =	smul.u32 @!p0 $0xF7A, s2;
	p2 =	seq.s32 @!p0 s5, $0x0  }
0x1f: {  	s9 =	smul.u32 $0xF7A, s1;
	s8 =	simm.s32 @!p0 $0x1BF5;
	p2 =	por !p2, p0  }
0x20: {  	[sflag:s8] =	ssyncset.s32 @!p0 $0xFFFFF086;
	s6 =	sadd.s32 @!p0 s3, s7;
	s7 =	simm.s32 @!p0 $0x108  }
0x21: {  	s3 =	sadd.s32 s3, s9;
	s6 =	sadd.s32 @!p0 $0x88, s6;
	s7 =	simm.s32 @p2 $0x1082  }
0x22: {  	[simem:s7], [sflag:s8] =	dma.local @!p0 [hbm:s6], $0xF7A  }
0x23: {  	s9 =	sor.u32 $0xD0000000, s2;
	s6 =	simm.s32 $0x108;
	_ =	swait.ge @!p0 [sflag:s8], $0x0  }
0x24: {  	s3 =	sadd.s32 $0x88, s3;
	s6 =	simm.s32 @!p1 $0x1082;
	[sflag:s4] =	ssyncset.s32 $0xFFFFF086  }
0x25: {  	[simem:s6], [sflag:s4] =	dma.local [hbm:s3], $0xF7A  }
0x26: {  	[smem:$0x3F97] =	sst s1;
	(tag) =	ssettag s2;
	_ =	strace s9  }
0x27: {  	s1 =	sld [smem:$0x3FA7]  }
0x28: {  	s2 =	sld [smem:$0x3FA8]  }
0x29: {  	s4 =	sld [smem:$0x3FAA]  }
0x2a: {  	p0 =	seq.s32 s5, $0x0;
	s5 =	sld [smem:$0x3FAB]  }
0x2b: {  	s6 =	sld [smem:$0x3FAC]  }
0x2c: {  	s7 =	sld [smem:$0x3FAD]  }
0x2d: {  	s3 =	simm.s32 $0x108;
	s8 =	sld [smem:$0x3FAE]  }
0x2e: {  	s3 =	simm.s32 @!p0 $0x1082;
	s9 =	sld [smem:$0x3FAF]  }
0x2f: {  	lr =	sadd.s32 s0, s3;
	s0 =	sld [smem:$0x3FA6]  }
0x30: {  	s3 =	sld [smem:$0x3FA9]  }
0x31: {  	[smem:$0x3FB2] =	sst s10  }
0x32: {  	s10 =	sld [smem:$0x3FB0];
	_ =	sdelay $0x3  }
0x33: {  	p0 =	seq.s32 s10, $0x1;
	s10 =	sld [smem:$0x3FB2];
	_ =	sdelay $0x3  }
0x34: {  	[smem:$0x3FB2] =	sst s10  }
0x35: {  	s10 =	sld [smem:$0x3FB1];
	_ =	sdelay $0x3  }
0x36: {  	p1 =	seq.s32 s10, $0x1;
	s10 =	sld [smem:$0x3FB2];
	_ =	sdelay $0x3  }
0x37: {  	[smem:$0x3FB2] =	sst s10  }
0x38: {  	s10 =	sld [smem:$0x3FB3]  }
0x39: {  	_ = 	snop;
	(pc) =	sbr.ind lr, $3  }
0x3a: {  	_ = 	snop  }
0x3b: {  	_ = 	snop  }
0x3c: {  	p2 =	seq.s32 s10, $0x1;
	s10 =	sld [smem:$0x3FB2]  }
0x3d: {  	_ =	shalt  }
0x3e: {  	_ =	shalt  }
0x3f: {  	_ =	shalt  }
0x40: {  	_ =	shalt  }
0x41: {  	_ =	shalt  }
0x42: {  	_ =	shalt  }
0x43: {  	_ =	shalt  }
0x44: {  	_ =	shalt  }
0x45: {  	_ =	shalt  }
0x46: {  	_ =	shalt  }
0x47: {  	_ =	shalt  }
0x48: {  	_ =	shalt  }
0x49: {  	_ =	shalt  }
0x4a: {  	_ =	shalt  }
0x4b: {  	_ =	shalt  }
0x4c: {  	_ =	shalt  }
0x4d: {  	_ =	shalt  }
0x4e: {  	_ =	shalt  }
0x4f: {  	_ =	shalt  }
0x50: {  	_ =	shalt  }
0x51: {  	_ =	shalt  }
0x52: {  	_ =	shalt  }
0x53: {  	_ =	shalt  }
0x54: {  	_ =	shalt  }
0x55: {  	_ =	shalt  }
0x56: {  	_ =	shalt  }
0x57: {  	_ =	shalt  }
0x58: {  	_ =	shalt  }
0x59: {  	_ =	shalt  }
0x5a: {  	_ =	shalt  }
0x5b: {  	_ =	shalt  }
0x5c: {  	_ =	shalt  }
0x5d: {  	_ =	shalt  }
0x5e: {  	_ =	shalt  }
0x5f: {  	_ =	shalt  }
0x60: {  	_ =	shalt  }
0x61: {  	_ =	shalt  }
0x62: {  	_ =	shalt  }
0x63: {  	_ =	shalt  }
0x64: {  	_ =	shalt  }
0x65: {  	_ =	shalt  }
0x66: {  	_ =	shalt  }
0x67: {  	_ =	shalt  }
0x68: {  	_ =	shalt  }
0x69: {  	_ =	shalt  }
0x6a: {  	_ =	shalt  }
0x6b: {  	_ =	shalt  }
0x6c: {  	_ =	shalt  }
0x6d: {  	_ =	shalt  }
0x6e: {  	_ =	shalt  }
0x6f: {  	_ =	shalt  }
0x70: {  	_ =	shalt  }
0x71: {  	_ =	shalt  }
0x72: {  	_ =	shalt  }
0x73: {  	_ =	shalt  }
0x74: {  	_ =	shalt  }
0x75: {  	_ =	shalt  }
0x76: {  	_ =	shalt  }
0x77: {  	_ =	shalt  }
0x78: {  	_ =	shalt  }
0x79: {  	_ =	shalt  }
0x7a: {  	_ =	shalt  }
0x7b: {  	_ =	shalt  }
0x7c: {  	_ =	shalt  }
0x7d: {  	_ =	shalt  }
0x7e: {  	_ =	shalt  }
0x7f: {  	_ =	shalt  }
0x80: {  	_ =	shalt  }
0x81: {  	_ =	shalt  }
0x82: {  	_ =	shalt  }
0x83: {  	_ =	shalt  }
0x84: {  	_ =	shalt  }
0x85: {  	_ =	shalt  }
0x86: {  	_ =	shalt  }
0x87: {  	_ =	shalt  }
.Lfunc_end0:
.L_simem_size_0:
called_computation_lowered:
.L_overlay_start_0:
0x88: {  	s2 =	sld [smem:$0x3FD9]  }
0x89: {  	s3 =	sld [smem:$0x3FFE];
	_ =	sdelay $0x1  }
0x8a: {  	s1 =	srdreg.scid  }
0x8b: {  	s0 =	sand.u32 $0x1, s1  }
0x8c: {  	s17 =	sshll.u32 s0, $0xA;
	s2 =	sadd.s32 s3, s2  }
0x8d: {  	s2 =	sadd.s32 s2, s17  }
0x8e: {  	[smem:$0x3FBE] =	sst s2  }
0x8f: {  	_ = 	snop  }
0x90: {  	s2 =	sld [smem:$0x3FC8]  }
0x91: {  	s18 =	sld [smem:$0x3FD0];
	(tm) =	ssettm $0x1  }
0x92: {  	s4 =	sld [smem:$0x3FFB];
	_ =	sdelay $0x3  }
0x93: {  	_ =	strace s4  }
0x94: {  	s4 =	sld [smem:$0x3FFC];
	_ =	sdelay $0x3  }
0x95: {  	_ =	strace s4  }
0x96: {  	s4 =	sld [smem:$0x3FFD];
	_ =	sdelay $0x3  }
0x97: {  	_ =	strace s4  }
0x98: {  	_ =	strace $0x8FFFFFFF  }
0x99: {  	s19 =	sld [smem:$0x3FDB];
	_ =	sdelay $0x1  }
0x9a: {  	s5 =	simm.s32 $_scs_section_size  }
0x9b: {  	s6 =	simm.s32 $_size__tile_overlayer_lowered;
	s7 =	simm.s32 $_tile_overlayer_lowered  }
0x9c: {  	s22 =	simm.s32 $0x1BFF;
	s21 =	sshll.u32 s7, $0x1;
	s4 =	sadd.s32 s5, s19  }
0x9d: {  	s8 =	simm.s32 $0x0;
	s20 =	sshll.u32 s6, $0x1;
	s6 =	sadd.s32 s21, s4  }
0x9e: {  	[timem:s8], [sflag:s22] =	dma.local [hbm:s6], s20  }
0x9f: {  	_ =	swait.ge [sflag:s22], s20  }
0xa0: {  	s5 =	ssub.s32 $0x0, s20;
	[sflag:s22] =	ssyncset.done $0x0  }
0xa1: {  	[sflag:s22] =	ssyncadd.s32 s5;
	_ =	sdelay $0x1  }
0xa2: {  	s23 =	simm.s32 $0x1B8B  }
0xa3: {  	_ =	swait.ge [sflag:s23], $0x1  }
0xa4: {  	[sflag:s23] =	ssyncset.done $0x0  }
0xa5: {  	s25 =	simm.s32 $0x1B8E;
	s24 =	sld [smem:$0x3FFE];
	[sflag:s23] =	ssyncadd.s32 $0xFFFFFFFF  }
0xa6: {  	s26 =	simm.s32 $execute0_lowered;
	[smem:$0x3FD2] =	sst s25  }
0xa7: {  	s6 =	sshll.u32 s26, $0x1;
	_ =	strace $0x80000046;
	[dreg:$0x1] =	wrdreg $0xFFFFFFFF  }
0xa8: {  	s28 =	simm.s32 $_size_execute0_lowered;
	s4 =	sadd.s32 s4, s6;
	[dreg:$0x0] =	wrdreg $0x0  }
0xa9: {  	s6 =	sshll.u32 s28, $0x1;
	[dreg:$0x2] =	wrdreg s4  }
0xaa: {  	[dreg:$0x3] =	wrdreg s6  }
0xab: {  	[dreg:$0x4] =	wrdreg $0xC0  }
0xac: {  	_ =	task [dreg:s8], $0x5FFFF  }
0xad: {  	[dreg:$0x1] =	wrdreg $0xFFFFFFFF  }
0xae: {  	[dreg:$0x0] =	wrdreg $0x60  }
0xaf: {  	[dreg:$0x2] =	wrdreg s24  }
0xb0: {  	[dreg:$0x3] =	wrdreg s18  }
0xb1: {  	[dreg:$0x4] =	wrdreg s2  }
0xb2: {  	[dreg:$0x5] =	wrdreg $0x9  }
0xb3: {  	_ =	task.clear_ibuf [dreg:s8], $0x6FFFF;
	_ =	strace $0x90000046  }
0xb4: {  	s29 =	simm.s32 $0x9;
	_ =	strace $0x80000048  }
0xb5: {  	_ =	swait.ge [sflag:s29], $0x1  }
0xb6: {  	[sflag:s29] =	ssyncadd.s32 $0xFFFFFFFF  }
0xb7: {  	_ =	strace $0x90000048  }
0xb8: {  	_ =	sfence  }
0xb9: {  	s30 =	sld [smem:$0x0];
	_ =	sdelay $0x2  }
0xba: {  	s31 =	sshll.u32 s1, $0xD;
	s1 =	sshrl.u32 s1, $0x2  }
0xbb: {  	s3 =	sand.u32 $0x4000, s31;
	s1 =	sadd.s32 s1, s30  }
0xbc: {  	s0 =	sor.u32 s3, s0;
	s1 =	sshll.u32 s1, $0x11  }
0xbd: {  	s0 =	sor.u32 s1, s0  }
0xbe: {  	s0 =	sadd.s32 $0x8F2B, s0  }
0xbf: {  	[sflag:s0] =	ssyncadd.remote.s32 $0x1  }
0xc0: {  	_ =	sfence.sel $0xFFFF  }
0xc1: {  	[dreg:$0x0] =	wrdreg $0xFFFFFFFF;
	(pc) =	sbr.abs _section_cstart, $3  }
0xc2: {  	[dreg:$0x1] =	wrdreg $0xFFFFFFFF  }
0xc3: {  	_ =	task.clear_ibuf [dreg:s8], $0x2FFFF;
	_ =	strace $0x9FFFFFFF  }
0xc4: {  	(tm) =	ssettm $0x7FFFFFFF  }
0xc5: {  	_ =	shalt  }
tec
execute0_lowered:
.L_overlay_start_1:
0x0: {  	(tag) =	ssettag $0x1  }
0x1: {  	s0 =	rddreg [dreg:$0x0]  }
0x2: {  	s1 =	rddreg [dreg:$0x1]  }
0x3: {  	s2 =	rddreg [dreg:$0x2];
	s3 =	simm.s32 $0x0  }
0x4: {  	s4 =	srdreg.scid;
	s7 =	stileid.u32;
	s14 =	simm.s32 $0x13C00  }
0x5: {  	s15 =	simm.s32 $0x16380;
	s16 =	simm.s32 $0x1;
	s11 =	simm.s32 $0x1B280  }
0x6: {  	s12 =	simm.s32 $0x1CB80;
	s19 =	simm.s32 $0x18B00;
	s20 =	simm.s32 $0x9E00  }
0x7: {  	s21 =	simm.s32 $0x2;
	[smem:$0x7FF] =	sst s3;
	s4 =	sand.u32 $0x1, s4  }
0x8: {  	s5 =	smul.u32 $0x13C00, s7;
	s28 =	sshll.u32 s7, $0x2;
	s30 =	sadd.s32 $0x320, s2  }
0x9: {  	_ =	strace $0x80000047;
	s6 =	sshll.u32 s4, $0x9;
	s4 =	ssub.s32 $0x2, s4  }
0xa: {  	[dreg:$0x7] =	wrdreg s30;
	s5 =	sor.u32 s6, s5;
	s6 =	sand.u32 $0x30, s28  }
0xb: {  	s29 =	sshrl.u32 s4, $0x1;
	s5 =	sshrl.u32 s5, $0x3;
	s1 =	sadd.s32 s1, s6  }
0xc: {  	s4 =	ssub.s32 s4, s29;
	[dreg:$0x4] =	wrdreg s1;
	s1 =	sadd.s32 $0x40, s1  }
0xd: {  	s0 =	sadd.s32 s5, s0;
	s31 =	smax.u32 s4, $0x1;
	[dreg:$0x6] =	wrdreg s1  }
0xe: {  	s6 =	simm.s32 $0x0;
	s5 =	sadd.s32 $0x3000, s0;
	[dreg:$0x9] =	wrdreg s31  }
0xf: {  	s4 =	simm.s32 $0x400;
	s0 =	sadd.s32 $0x2A800, s0;
	[dreg:$0x5] =	wrdreg s5  }
0x10: {  	v0 =	vimm.f32 $0.0e+00;
	s1 =	simm.s32 $0x200;
	[dreg:$0x8] =	wrdreg s0;
	s5 =	simm.s32 $0x3  }
.LBB2_1:
0x11: {  	[dreg:$0xa] =	wrdreg s6  }
0x12: {  	s0 =	rddreg [dreg:$0x5]  }
0x13: {  	[tilespmem:s3], [sflag:$0x3] =	stream.strided.gather [hbm4b:s0+s1], $0x9E00, s4, s1, $0x38;
	[tilespmem:$0x1E480] =	vst v63  }
0x14: {  	_ =	swait.ge [sflag:s5], $0x9E00  }
0x15: {  	[sflag:s5] =	ssyncset.done $0x0  }
0x16: {  	s25 =	simm.s32 $0x80;
	s24 =	rddreg [dreg:$0x4];
	[sflag:s5] =	ssyncadd.s32 $0xFFFF6200  }
0x17: {  	[tilespmem:s14], [sflag:$0x3] =	stream.strided.gather [hbm4b:s24+s25], $0x2780, s4, s25, $0x38;
	[tilespmem:$0x1E480] =	vst v63  }
0x18: {  	_ =	swait.ge [sflag:s5], $0x2780  }
0x19: {  	[sflag:s5] =	ssyncset.done $0x0  }
0x1a: {  	s26 =	rddreg [dreg:$0x6];
	[sflag:s5] =	ssyncadd.s32 $0xFFFFD880  }
0x1b: {  	[tilespmem:s15], [sflag:$0x3] =	stream.strided.gather [hbm4b:s26+s25], $0x2780, s4, s25, $0x38;
	[tilespmem:$0x1E480] =	vst v63  }
0x1c: {  	s28 =	sand.u32 $0x40, s3;
	_ =	swait.ge [sflag:s5], $0x2780  }
0x1d: {  	s29 =	sand.u32 $0x3F80, s3;
	s30 =	simm.s32 $0x0;
	[sflag:s5] =	ssyncset.done $0x0  }
0x1e: {  	s31 =	sor.u32 $0x10, s28;
	s1 =	sadd.s32 $0x18B00, s29;
	[sflag:s5] =	ssyncadd.s32 $0xFFFFD880  }
0x1f: {  	s10 =	sor.u32 $0x20, s28;
	s9 =	sor.u32 s31, s1;
	[tilespmem:s30+$0x18B00] =	vst v0  }
0x20: {  	s7 =	sand.u32 $0xFE00, s3;
	s8 =	sor.u32 $0x30, s28;
	s13 =	sor.u32 s10, s1;
	[tilespmem:s9+$0x0] =	vst v0  }
0x21: {  	s7 =	sadd.s32 $0x9E00, s7;
	s1 =	sor.u32 s8, s1;
	[tilespmem:s13+$0x0] =	vst v0  }
0x22: {  	s0 =	sor.u32 s28, s7;
	[tilespmem:s1+$0x0] =	vst v0  }
0x23: {  	s6 =	sor.u32 s10, s7;
	[tilespmem:s0+$0x80] =	vst v0  }
0x24: {  	[tilespmem:s6+$0x0] =	vst v0  }
0x25: {  	s23 =	sor.u32 s31, s7;
	[tilespmem:s0+$0x0] =	vst v0  }
0x26: {  	p0 =	por $0x0, $0x0;
	s9 =	simm.s32 $0x1;
	[tilespmem:s23+$0x80] =	vst v0  }
0x27: {  	s25 =	sor.u32 s8, s7;
	s9 =	simm.s32 @!p0 $0x0;
	[tilespmem:s23+$0x0] =	vst v0  }
0x28: {  	[tilespmem:s25+$0x0] =	vst v0;
	s17 =	sshll.u32 s9, $0x6  }
0x29: {  	[tilespmem:s25+$0x80] =	vst v0;
	s1 =	sadd.s32 $0x0, s17  }
0x2a: {  	[tilespmem:s6+$0x80] =	vst v0;
	s18 =	sor.u32 $0x100, s1  }
0x2b: {  	s22 =	sor.u32 $0x180, s1;
	s24 =	sadd.s32 $0x10, s1;
	[tilespmem:s18+$0x9E00] =	vst v0  }
0x2c: {  	s28 =	sadd.s32 $0x30, s1;
	s26 =	sor.u32 $0x100, s24;
	[tilespmem:s22+$0x9E00] =	vst v0  }
0x2d: {  	s29 =	sor.u32 $0x100, s28;
	[tilespmem:s26+$0x9E00] =	vst v0  }
0x2e: {  	s5 =	simm.s32 $0x40;
	p0 =	por !p0, !p0;
	s0 =	sor.u32 $0x180, s24;
	[tilespmem:s29+$0x9E00] =	vst v0  }
0x2f: {  	s30 =	sadd.s32 $0x20, s1;
	s1 =	simm.s32 $0x100;
	s31 =	sor.u32 $0x180, s28;
	[tilespmem:s0+$0x9E00] =	vst v0  }
0x30: {  	s4 =	sor.u32 $0x100, s30;
	s6 =	sor.u32 $0x180, s30;
	s0 =	simm.s32 $0x0;
	[tilespmem:s31+$0x9E00] =	vst v0  }
.LBB2_2:
0x31: {  	s7 =	simm.s32 $0x1  }
0x32: {  	s8 =	sand.u32 $0x40, s5;
	s9 =	sand.u32 $0x3F80, s5;
	[tilespmem:s4+$0x9E00] =	vst v0;
	s7 =	simm.s32 @!p0 $0x0  }
0x33: {  	s4 =	sshra.s32 s1, $0x2;
	s10 =	sor.u32 $0x10, s8;
	s9 =	sadd.s32 $0x18B00, s9;
	[tilespmem:s6+$0x9E00] =	vst v0  }
0x34: {  	s13 =	sor.u32 $0x20, s8;
	s6 =	sor.u32 s10, s9;
	[tilespmem:s4+$0x18B00] =	vst v0;
	s4 =	sand.u32 $0xFE00, s1  }
0x35: {  	s23 =	sor.u32 $0x30, s8;
	s4 =	sadd.s32 $0x9E00, s4;
	[tilespmem:s6+$0x0] =	vst v0;
	s6 =	sor.u32 s13, s9  }
0x36: {  	s9 =	sor.u32 s23, s9;
	s10 =	sor.u32 s10, s4;
	[tilespmem:s6+$0x0] =	vst v0;
	s6 =	sor.u32 s13, s4  }
0x37: {  	s0 =	sadd.s32 $0x4, s0;
	s7 =	sshll.u32 s7, $0x6;
	s8 =	sor.u32 s8, s4;
	[tilespmem:s9+$0x0] =	vst v0  }
0x38: {  	p1 =	slt.u32 s0, $0x26C;
	s7 =	sadd.s32 s7, s1;
	[tilespmem:s8+$0x80] =	vst v0  }
0x39: {  	s13 =	sadd.s32 $0x20, s7;
	s9 =	sadd.s32 $0x10, s7;
	[tilespmem:s6+$0x0] =	vst v0  }
0x3a: {  	s24 =	sor.u32 $0x100, s9;
	[tilespmem:s8+$0x0] =	vst v0;
	s8 =	sor.u32 $0x100, s7  }
0x3b: {  	[tilespmem:s8+$0x9E00] =	vst v0;
	s8 =	sor.u32 $0x180, s7  }
0x3c: {  	s4 =	sor.u32 s23, s4;
	[tilespmem:s8+$0x9E00] =	vst v0  }
0x3d: {  	[tilespmem:s10+$0x80] =	vst v0  }
0x3e: {  	s7 =	sadd.s32 $0x30, s7;
	[tilespmem:s10+$0x0] =	vst v0  }
0x3f: {  	s8 =	sor.u32 $0x100, s7;
	[tilespmem:s4+$0x0] =	vst v0  }
0x40: {  	s9 =	sor.u32 $0x180, s9;
	s7 =	sor.u32 $0x180, s7;
	[tilespmem:s24+$0x9E00] =	vst v0  }
.Ltmp0:
0x41: {  	[tilespmem:s9+$0x9E00] =	vst v0;
	(pc) =	sbr.rel @p1 .LBB2_2-.Ltmp0, $4  }
0x42: {  	[tilespmem:s4+$0x80] =	vst v0  }
0x43: {  	[tilespmem:s8+$0x9E00] =	vst v0  }
0x44: {  	s1 =	sadd.s32 $0x100, s1;
	s4 =	sor.u32 $0x100, s13;
	[tilespmem:s7+$0x9E00] =	vst v0  }
0x45: {  	s5 =	sadd.s32 $0x40, s5;
	p0 =	por !p0, !p0;
	[tilespmem:s6+$0x80] =	vst v0;
	s6 =	sor.u32 $0x180, s13  }
0x46: {  	[tilespmem:s4+$0x9E00] =	vst v0  }
0x47: {  	[tilespmem:s6+$0x9E00] =	vst v0  }
0x48: {  	[tilespmem:$0x1B200] =	vst v0  }
0x49: {  	[tilespmem:$0x13A00] =	vst v0  }
0x4a: {  	[tilespmem:$0x13A80] =	vst v0  }
0x4b: {  	[tilespmem:$0x13B00] =	vst v0  }
0x4c: {  	s23 =	simm.s32 $0x0;
	[tilespmem:$0x13B80] =	vst v0  }
0x4d: {  	[tilespmem:s11], [sflag:$0x1] =	stream.linear.gather [hbm4b:s2+s23], $0x1900, $0x38;
	[tilespmem:$0x1E480] =	vst v63  }
0x4e: {  	s24 =	simm.s32 $0x0;
	s0 =	rddreg [dreg:$0x7]  }
0x4f: {  	[tilespmem:s12], [sflag:$0x2] =	stream.linear.gather [hbm4b:s0+s23], $0x1900, $0x38;
	[tilespmem:$0x1E480] =	vst v63  }
.LBB2_4:
0x50: {  	p0 =	por $0x0, $0x0;
	s0 =	simm.s32 $0x1  }
0x51: {  	_ =	swait.ge [sflag:s16], $0x1900;
	s0 =	simm.s32 @!p0 $0x0  }
0x52: {  	s1 =	sand.u32 $0x40, s23;
	s4 =	sand.u32 $0x1F00, s23;
	s0 =	sshll.u32 s0, $0x6  }
0x53: {  	[sflag:s16] =	ssyncset.done $0x0;
	s1 =	sor.u32 s1, s4;
	s0 =	sadd.s32 $0x0, s0  }
0x54: {  	[sflag:s16] =	ssyncadd.s32 $0xFFFFE700;
	s4 =	sadd.s32 $0x1B280, s1;
	s5 =	sadd.s32 $0x30, s0  }
0x55: {  	v1 =	vld [tilespmem:s4+$0x30];
	s5 =	sor.u32 $0x80, s5  }
0x56: {  	v2 =	vld [tilespmem:s5+$0x1B280];
	_ =	sdelay $0x2  }
0x57: {  	v3 =	vld [tilespmem:s1+$0x1B280]  }
0x58: {  	v4 =	vld [tilespmem:s4+$0x10];
	s30 =	sadd.s32 $0x10, s0  }
0x59: {  	v5 =	vld [tilespmem:s4+$0x20];
	s1 =	sor.u32 $0x80, s30  }
0x5a: {  	v7 =	vld [tilespmem:s1+$0x1B280]  }
0x5b: {  	s31 =	sadd.s32 $0x20, s0;
	v6 =	vld.idx.msk [tilespmem:v1+s14+$0x0], $0xffff  }
0x5c: {  	s5 =	sor.u32 $0x80, s31;
	v8 =	vld.idx.msk [tilespmem:v2+s15+$0x0], $0xffff  }
0x5d: {  	v11 =	vld [tilespmem:s5+$0x1B280]  }
0x5e: {  	s0 =	sor.u32 $0x80, s0  }
0x5f: {  	v12 =	vld [tilespmem:s0+$0x1B280];
	_ =	sdelay $0x1  }
0x60: {  	v6 =	vadd.f32 v8, v6  }
0x61: {  	v9 =	vld.idx.msk [tilespmem:v7+s15+$0x0], $0xffff  }
0x62: {  	v8 =	vld.idx.msk [tilespmem:v4+s14+$0x0], $0xffff;
	v15 =	vmul.f32 $2.000000030e-01, v6  }
0x63: {  	v14 =	vld.idx.msk [tilespmem:v5+s14+$0x0], $0xffff  }
0x64: {  	v10 =	vld.idx.msk [tilespmem:v11+s15+$0x0], $0xffff;
	v6 =	vmax.f32 v6, v15  }
0x65: {  	v16 =	vld.idx.msk [tilespmem:v3+s14+$0x0], $0xffff;
	v6 =	vmul.f32 $1.442695020e+00, v6  }
0x66: {  	v13 =	vld.idx.msk [tilespmem:v12+s15+$0x0], $0xffff  }
0x67: {  	v8 =	vadd.f32 v9, v8;
	(erf) = vpow2.f32 v6;
	_ =	sdelay $0x1  }
0x68: {  	v9 =	vadd.f32 v10, v14;
	v10 =	vmul.f32 $2.000000030e-01, v8;
	_ =	sdelay $0x1  }
0x69: {  	v6 =	vadd.f32 v13, v16;
	v8 =	vmax.f32 v8, v10;
	v10 =	vshll.u32 v1, $0x2  }
0x6a: {  	s6 =	simm.s32 $0x40;
	s5 =	simm.s32 $0x80;
	v13 =	vmul.f32 $2.000000030e-01, v9;
	v1 =	vand.u32 $0x7F, v1;
	v10 =	vand.u32 $0xFFFFFE00, v10  }
0x6b: {  	s1 =	sand.u32 $0x40, s6;
	s0 =	sand.u32 $0x1F00, s5;
	v14 =	vmul.f32 $2.000000030e-01, v6;
	v1 =	vor.u32 v1, v10  }
0x6c: {  	s0 =	sor.u32 s1, s0;
	v9 =	vmax.f32 v9, v13;
	v8 =	vmul.f32 $1.442695020e+00, v8  }
0x6d: {  	s8 =	sadd.s32 $0x1B280, s0;
	v9 =	vmul.f32 $1.442695020e+00, v9;
	v6 =	vmax.f32 v6, v14  }
0x6e: {  	v21 =	vld [tilespmem:s8+$0x30];
	(erf) = vpow2.f32 v8;
	v6 =	vmul.f32 $1.442695020e+00, v6;
	v13 =	vpop (erf)  }
0x6f: {  	(erf) = vpow2.f32 v9;
	[tilespmem:v2+s19+$0x0] =	vst.idx.add.f32.msk $0xffff, v13  }
0x70: {  	v8 =	vshll.u32 v2, $0x2;
	(erf) = vpow2.f32 v6;
	v6 =	vld.idx.msk [tilespmem:v1+s3+$0x0], $0xffff  }
0x71: {  	v23 =	vld [tilespmem:s8+$0x10];
	v8 =	vand.u32 $0xFFFFFE00, v8;
	v2 =	vand.u32 $0x7F, v2  }
0x72: {  	v24 =	vld [tilespmem:s8+$0x20];
	v9 =	vshll.u32 v4, $0x2;
	v2 =	vor.u32 v2, v8  }
0x73: {  	v8 =	vand.u32 $0xFFFFFE00, v9;
	v9 =	vor.u32 $0x80, v1;
	_ =	sdelay $0x1  }
0x74: {  	v20 =	vld [tilespmem:s0+$0x1B280];
	v14 =	vmul.f32 v13, v6  }
0x75: {  	v25 =	vld.idx.msk [tilespmem:v21+s14+$0x0], $0xffff;
	v10 =	vshll.u32 v3, $0x2  }
0x76: {  	p0 =	por !p0, !p0;
	s4 =	simm.s32 $0x1;
	v3 =	vand.u32 $0x7F, v3;
	v4 =	vand.u32 $0x7F, v4;
	v6 =	vand.u32 $0xFFFFFE00, v10;
	[tilespmem:v2+s20+$0x0] =	vst.idx.add.f32.msk $0xffff, v14  }
0x77: {  	s4 =	simm.s32 @!p0 $0x0;
	v4 =	vor.u32 v4, v8;
	v8 =	vshll.u32 v5, $0x2;
	v6 =	vor.u32 v3, v6;
	v3 =	vld.idx.msk [tilespmem:v9+s3+$0x0], $0xffff  }
0x78: {  	s7 =	sshll.u32 s4, $0x6;
	v33 =	vld.idx.msk [tilespmem:v23+s14+$0x0], $0xffff;
	v5 =	vand.u32 $0x7F, v5;
	v8 =	vand.u32 $0xFFFFFE00, v8  }
0x79: {  	s9 =	sadd.s32 $0x80, s7;
	v35 =	vld.idx.msk [tilespmem:v24+s14+$0x0], $0xffff;
	v18 =	vpop (erf);
	v5 =	vor.u32 v5, v8;
	v8 =	vor.u32 $0x80, v2  }
0x7a: {  	s10 =	sadd.s32 $0x10, s9;
	[tilespmem:v7+s19+$0x0] =	vst.idx.add.f32.msk $0xffff, v18;
	v17 =	vpop (erf)  }
0x7b: {  	s5 =	sor.u32 $0x80, s10;
	[tilespmem:v11+s19+$0x0] =	vst.idx.add.f32.msk $0xffff, v17  }
0x7c: {  	v19 =	vpop (erf);
	v10 =	vld [tilespmem:s5+$0x1B280];
	v3 =	vmul.f32 v13, v3  }
0x7d: {  	s1 =	sadd.s32 $0x30, s9;
	[tilespmem:v12+s19+$0x0] =	vst.idx.add.f32.msk $0xffff, v19  }
0x7e: {  	s1 =	sor.u32 $0x80, s1;
	v22 =	vor.u32 $0x100, v1;
	[tilespmem:v8+s20+$0x0] =	vst.idx.add.f32.msk $0xffff, v3  }
0x7f: {  	s6 =	sadd.s32 $0x20, s9;
	s0 =	sor.u32 $0x80, s9;
	v3 =	vld [tilespmem:s1+$0x1B280]  }
0x80: {  	s13 =	sor.u32 $0x80, s6;
	v9 =	vld [tilespmem:s0+$0x1B280]  }
0x81: {  	v8 =	vld [tilespmem:s13+$0x1B280]  }
0x82: {  	v14 =	vld.idx.msk [tilespmem:v4+s3+$0x0], $0xffff  }
0x83: {  	v22 =	vld.idx.msk [tilespmem:v22+s3+$0x0], $0xffff  }
0x84: {  	v15 =	vld.idx.msk [tilespmem:v5+s3+$0x0], $0xffff  }
0x85: {  	v30 =	vand.u32 $0x7F, v12;
	v26 =	vshll.u32 v7, $0x2;
	v31 =	vor.u32 $0x100, v2;
	v16 =	vld.idx.msk [tilespmem:v6+s3+$0x0], $0xffff  }
0x86: {  	v26 =	vand.u32 $0xFFFFFE00, v26;
	v1 =	vor.u32 $0x180, v1;
	v7 =	vand.u32 $0x7F, v7;
	v28 =	vld.idx.msk [tilespmem:v10+s15+$0x0], $0xffff  }
0x87: {  	v29 =	vand.u32 $0x7F, v11;
	v7 =	vor.u32 v7, v26;
	v11 =	vshll.u32 v11, $0x2;
	v27 =	vld.idx.msk [tilespmem:v3+s15+$0x0], $0xffff  }
0x88: {  	v12 =	vshll.u32 v12, $0x2;
	v11 =	vand.u32 $0xFFFFFE00, v11;
	v32 =	vld.idx.msk [tilespmem:v9+s15+$0x0], $0xffff;
	v22 =	vmul.f32 v22, v13  }
0x89: {  	v12 =	vand.u32 $0xFFFFFE00, v12;
	v11 =	vor.u32 v29, v11;
	v47 =	vld.idx.msk [tilespmem:v8+s15+$0x0], $0xffff  }
0x8a: {  	v12 =	vor.u32 v30, v12;
	[tilespmem:v31+s20+$0x0] =	vst.idx.add.f32.msk $0xffff, v22  }
0x8b: {  	v34 =	vor.u32 $0x80, v4;
	v14 =	vmul.f32 v18, v14;
	v1 =	vld.idx.msk [tilespmem:v1+s3+$0x0], $0xffff  }
0x8c: {  	v29 =	vor.u32 $0x80, v6;
	v15 =	vmul.f32 v17, v15;
	v25 =	vadd.f32 v27, v25;
	v27 =	vld.idx.msk [tilespmem:v20+s14+$0x0], $0xffff  }
0x8d: {  	v2 =	vor.u32 $0x180, v2;
	[tilespmem:v7+s20+$0x0] =	vst.idx.add.f32.msk $0xffff, v14;
	v16 =	vmul.f32 v19, v16  }
0x8e: {  	v49 =	vshll.u32 v21, $0x2;
	v36 =	vor.u32 $0x80, v5;
	[tilespmem:v11+s20+$0x0] =	vst.idx.add.f32.msk $0xffff, v15;
	v14 =	vmul.f32 $2.000000030e-01, v25  }
0x8f: {  	v30 =	vor.u32 $0x80, v7;
	v37 =	vor.u32 $0x80, v12;
	[tilespmem:v12+s20+$0x0] =	vst.idx.add.f32.msk $0xffff, v16;
	v22 =	vadd.f32 v28, v33  }
0x90: {  	v48 =	vld.idx.msk [tilespmem:v34+s3+$0x0], $0xffff;
	v26 =	vadd.f32 v47, v35;
	v1 =	vmul.f32 v1, v13;
	v14 =	vmax.f32 v25, v14  }
0x91: {  	s17 =	simm.s32 $0x100;
	s18 =	simm.s32 $0x80;
	v13 =	vld.idx.msk [tilespmem:v29+s3+$0x0], $0xffff;
	v14 =	vmul.f32 $1.442695020e+00, v14;
	v15 =	vadd.f32 v32, v27;
	v27 =	vmul.f32 $2.000000030e-01, v22  }
0x92: {  	s0 =	sand.u32 $0x1F00, s17;
	s1 =	sand.u32 $0x40, s18;
	v28 =	vor.u32 $0x80, v11;
	v16 =	vmul.f32 $2.000000030e-01, v26;
	[tilespmem:v2+s20+$0x0] =	vst.idx.add.f32.msk $0xffff, v1;
	v1 =	vand.u32 $0x7F, v21  }
0x93: {  	s0 =	sor.u32 s1, s0;
	v2 =	vand.u32 $0xFFFFFE00, v49;
	(erf) = vpow2.f32 v14;
	v22 =	vmax.f32 v22, v27  }
0x94: {  	s22 =	sadd.s32 $0x1B280, s0;
	v31 =	vld.idx.msk [tilespmem:v36+s3+$0x0], $0xffff;
	v16 =	vmax.f32 v26, v16;
	v32 =	vmul.f32 $2.000000030e-01, v15;
	v22 =	vmul.f32 $1.442695020e+00, v22  }
0x95: {  	v40 =	vld [tilespmem:s22+$0x20];
	v25 =	vmul.f32 v18, v48;
	v16 =	vmul.f32 $1.442695020e+00, v16;
	v14 =	vor.u32 $0x100, v4  }
0x96: {  	v33 =	vld [tilespmem:s22+$0x10];
	v13 =	vmul.f32 v19, v13;
	v15 =	vmax.f32 v15, v32;
	(erf) = vpow2.f32 v22  }
0x97: {  	[tilespmem:v30+s20+$0x0] =	vst.idx.add.f32.msk $0xffff, v25;
	(erf) = vpow2.f32 v16;
	v16 =	vor.u32 v1, v2;
	v2 =	vor.u32 $0x100, v5  }
0x98: {  	[tilespmem:v37+s20+$0x0] =	vst.idx.add.f32.msk $0xffff, v13;
	v15 =	vmul.f32 $1.442695020e+00, v15  }
0x99: {  	v32 =	vld [tilespmem:s22+$0x30];
	v1 =	vmul.f32 v17, v31  }
0x9a: {  	(erf) = vpow2.f32 v15;
	v14 =	vld.idx.msk [tilespmem:v14+s3+$0x0], $0xffff;
	v15 =	vor.u32 $0x100, v6  }
0x9b: {  	[tilespmem:v28+s20+$0x0] =	vst.idx.add.f32.msk $0xffff, v1  }
0x9c: {  	v50 =	vshll.u32 v24, $0x2;
	v13 =	vand.u32 $0x7F, v23;
	v1 =	vshll.u32 v23, $0x2;
	v26 =	vpop (erf);
	v23 =	vld.idx.msk [tilespmem:v2+s3+$0x0], $0xffff  }
0x9d: {  	v51 =	vand.u32 $0xFFFFFE00, v50;
	v22 =	vshll.u32 v3, $0x2;
	v1 =	vand.u32 $0xFFFFFE00, v1;
	[tilespmem:v3+s19+$0x0] =	vst.idx.add.f32.msk $0xffff, v26  }
0x9e: {  	v13 =	vor.u32 v13, v1;
	v1 =	vand.u32 $0x7F, v3;
	v3 =	vand.u32 $0xFFFFFE00, v22;
	v21 =	vld.idx.msk [tilespmem:v16+s3+$0x0], $0xffff  }
0x9f: {  	v29 =	vor.u32 $0x100, v11;
	v15 =	vld.idx.msk [tilespmem:v15+s3+$0x0], $0xffff;
	v27 =	vor.u32 v1, v3;
	v3 =	vand.u32 $0x7F, v24  }
0xa0: {  	v2 =	vpop (erf);
	v24 =	vor.u32 v3, v51;
	v51 =	vld.idx.msk [tilespmem:v33+s14+$0x0], $0xffff  }
0xa1: {  	v52 =	vor.u32 $0x80, v16;
	[tilespmem:v10+s19+$0x0] =	vst.idx.add.f32.msk $0xffff, v2;
	v56 =	vpop (erf)  }
0xa2: {  	v22 =	vshll.u32 v20, $0x2;
	[tilespmem:v8+s19+$0x0] =	vst.idx.add.f32.msk $0xffff, v56;
	v23 =	vmul.f32 v23, v17  }
0xa3: {  	v20 =	vand.u32 $0x7F, v20;
	v22 =	vand.u32 $0xFFFFFE00, v22;
	v28 =	vld.idx.msk [tilespmem:v13+s3+$0x0], $0xffff;
	v21 =	vmul.f32 v26, v21  }
0xa4: {  	p0 =	por !p0, !p0;
	s1 =	simm.s32 $0x1;
	v20 =	vor.u32 v20, v22;
	v22 =	vor.u32 $0x100, v7;
	[tilespmem:v29+s20+$0x0] =	vst.idx.add.f32.msk $0xffff, v23  }
0xa5: {  	s1 =	simm.s32 @!p0 $0x0;
	[tilespmem:v27+s20+$0x0] =	vst.idx.add.f32.msk $0xffff, v21  }
0xa6: {  	s25 =	sshll.u32 s1, $0x6;
	v21 =	vld.idx.msk [tilespmem:v52+s3+$0x0], $0xffff  }
0xa7: {  	v14 =	vmul.f32 v14, v18;
	v3 =	vpop (erf);
	v29 =	vld [tilespmem:s0+$0x1B280];
	s0 =	sadd.s32 $0x100, s25  }
0xa8: {  	v53 =	vor.u32 $0x80, v27;
	[tilespmem:v9+s19+$0x0] =	vst.idx.add.f32.msk $0xffff, v3;
	s29 =	sadd.s32 $0x10, s0  }
0xa9: {  	[tilespmem:v22+s20+$0x0] =	vst.idx.add.f32.msk $0xffff, v14;
	v14 =	vor.u32 $0x100, v16;
	s30 =	sadd.s32 $0x20, s0;
	s5 =	sor.u32 $0x80, s29  }
0xaa: {  	s31 =	sor.u32 $0x80, s30;
	v22 =	vld [tilespmem:s5+$0x1B280]  }
0xab: {  	s26 =	sadd.s32 $0x30, s0;
	s0 =	sor.u32 $0x80, s0;
	v23 =	vld [tilespmem:s31+$0x1B280];
	v21 =	vmul.f32 v26, v21  }
0xac: {  	v25 =	vld [tilespmem:s0+$0x1B280]  }
0xad: {  	[tilespmem:v53+s20+$0x0] =	vst.idx.add.f32.msk $0xffff, v21  }
0xae: {  	v14 =	vld.idx.msk [tilespmem:v14+s3+$0x0], $0xffff  }
0xaf: {  	v38 =	vor.u32 $0x180, v5;
	v30 =	vld.idx.msk [tilespmem:v24+s3+$0x0], $0xffff;
	s1 =	sor.u32 $0x80, s26  }
0xb0: {  	v58 =	vor.u32 $0x180, v7;
	v59 =	vor.u32 $0x180, v11;
	v54 =	vor.u32 $0x100, v27;
	v21 =	vld [tilespmem:s1+$0x1B280]  }
0xb1: {  	v57 =	vor.u32 $0x180, v12;
	v42 =	vshll.u32 v9, $0x2;
	v34 =	vor.u32 $0x180, v6;
	v31 =	vld.idx.msk [tilespmem:v20+s3+$0x0], $0xffff  }
0xb2: {  	v35 =	vor.u32 $0x100, v12;
	v12 =	vand.u32 $0x7F, v10;
	v16 =	vor.u32 $0x180, v16;
	v44 =	vld.idx.msk [tilespmem:v22+s15+$0x0], $0xffff  }
0xb3: {  	v37 =	vor.u32 $0x180, v4;
	v0 =	vor.u32 $0x180, v13;
	v48 =	vld.idx.msk [tilespmem:v23+s15+$0x0], $0xffff;
	v11 =	vmul.f32 v14, v26  }
0xb4: {  	v39 =	vor.u32 $0x80, v20;
	v41 =	vor.u32 $0x100, v20;
	v61 =	vor.u32 $0x180, v20;
	v14 =	vld.idx.msk [tilespmem:v32+s14+$0x0], $0xffff  }
0xb5: {  	v10 =	vshll.u32 v10, $0x2;
	v45 =	vor.u32 $0x80, v24;
	v50 =	vor.u32 $0x100, v24;
	[tilespmem:v54+s20+$0x0] =	vst.idx.add.f32.msk $0xffff, v11  }
0xb6: {  	v63 =	vor.u32 $0x180, v24;
	v10 =	vand.u32 $0xFFFFFE00, v10;
	v9 =	vand.u32 $0x7F, v9;
	v54 =	vld.idx.msk [tilespmem:v25+s15+$0x0], $0xffff  }
0xb7: {  	v20 =	vand.u32 $0x7F, v8;
	v8 =	vshll.u32 v8, $0x2;
	v11 =	vand.u32 $0xFFFFFE00, v42;
	v16 =	vld.idx.msk [tilespmem:v16+s3+$0x0], $0xffff  }
0xb8: {  	v10 =	vor.u32 v12, v10;
	v8 =	vand.u32 $0xFFFFFE00, v8;
	v36 =	vor.u32 v9, v11;
	v9 =	vld.idx.msk [tilespmem:v21+s15+$0x0], $0xffff;
	[tilespmem:$0x1FFA0] =	vst v0  }
0xb9: {  	v27 =	vor.u32 $0x180, v27;
	v20 =	vor.u32 v20, v8;
	v8 =	vmul.f32 v15, v19;
	v15 =	vld.idx.msk [tilespmem:v40+s14+$0x0], $0xffff  }
0xba: {  	v24 =	vmul.f32 v2, v28;
	v47 =	vor.u32 $0x80, v20;
	v30 =	vmul.f32 v56, v30  }
0xbb: {  	v53 =	vor.u32 $0x100, v20;
	v60 =	vadd.f32 v44, v51;
	v42 =	vor.u32 $0x80, v13;
	v28 =	vld.idx.msk [tilespmem:v29+s14+$0x0], $0xffff  }
0xbc: {  	v46 =	vor.u32 $0x80, v36;
	v7 =	vor.u32 $0x100, v36;
	[tilespmem:v35+s20+$0x0] =	vst.idx.add.f32.msk $0xffff, v8;
	v16 =	vmul.f32 v16, v26  }
0xbd: {  	[tilespmem:v10+s20+$0x0] =	vst.idx.add.f32.msk $0xffff, v24;
	v8 =	vor.u32 $0x180, v20;
	v35 =	vand.u32 $0x7F, v29;
	v14 =	vadd.f32 v9, v14  }
0xbe: {  	v9 =	vor.u32 $0x180, v36;
	v15 =	vadd.f32 v48, v15;
	[tilespmem:v27+s20+$0x0] =	vst.idx.add.f32.msk $0xffff, v16;
	v27 =	vshll.u32 v29, $0x2  }
0xbf: {  	[tilespmem:v20+s20+$0x0] =	vst.idx.add.f32.msk $0xffff, v30;
	v55 =	vmul.f32 $2.000000030e-01, v14;
	v16 =	vmul.f32 v3, v31;
	v27 =	vand.u32 $0xFFFFFE00, v27  }
0xc0: {  	v20 =	vadd.f32 v54, v28;
	v28 =	vmul.f32 $2.000000030e-01, v60;
	v29 =	vld.idx.msk [tilespmem:v42+s3+$0x0], $0xffff;
	v51 =	vor.u32 v35, v27  }
0xc1: {  	v14 =	vmax.f32 v14, v55;
	[tilespmem:v36+s20+$0x0] =	vst.idx.add.f32.msk $0xffff, v16;
	v36 =	vmul.f32 $2.000000030e-01, v15;
	v0 =	vor.u32 $0x80, v51  }
0xc2: {  	v43 =	vor.u32 $0x80, v10;
	v24 =	vmax.f32 v60, v28;
	v14 =	vmul.f32 $1.442695020e+00, v14;
	[tilespmem:$0x1FFB0] =	vst v0  }
0xc3: {  	v30 =	vmul.f32 $2.000000030e-01, v20;
	v24 =	vmul.f32 $1.442695020e+00, v24;
	v15 =	vmax.f32 v15, v36;
	v27 =	vld.idx.msk [tilespmem:v45+s3+$0x0], $0xffff  }
0xc4: {  	v49 =	vor.u32 $0x100, v13;
	(erf) = vpow2.f32 v14;
	v28 =	vld.idx.msk [tilespmem:v39+s3+$0x0], $0xffff;
	v15 =	vmul.f32 $1.442695020e+00, v15  }
0xc5: {  	v20 =	vmax.f32 v20, v30;
	v44 =	vld.idx.msk [tilespmem:v37+s3+$0x0], $0xffff;
	v42 =	vmul.f32 v2, v29;
	(erf) = vpow2.f32 v24  }
0xc6: {  	v20 =	vmul.f32 $1.442695020e+00, v20;
	v54 =	vld.idx.msk [tilespmem:v38+s3+$0x0], $0xffff  }
0xc7: {  	v0 =	vor.u32 $0x180, v51;
	(erf) = vpow2.f32 v15;
	[tilespmem:v43+s20+$0x0] =	vst.idx.add.f32.msk $0xffff, v42  }
0xc8: {  	v52 =	vor.u32 $0x100, v10;
	v55 =	vld.idx.msk [tilespmem:v34+s3+$0x0], $0xffff;
	(erf) = vpow2.f32 v20;
	[tilespmem:$0x1FFC0] =	vst v0;
	v20 =	vmul.f32 v56, v27  }
0xc9: {  	v48 =	vshll.u32 v33, $0x2;
	v29 =	vshll.u32 v32, $0x2;
	v26 =	vld.idx.msk [tilespmem:v49+s3+$0x0], $0xffff;
	v27 =	vmul.f32 v3, v28  }
0xca: {  	v60 =	vand.u32 $0x7F, v40;
	v45 =	vand.u32 $0x7F, v32;
	v29 =	vand.u32 $0xFFFFFE00, v29;
	[tilespmem:v47+s20+$0x0] =	vst.idx.add.f32.msk $0xffff, v20  }
0xcb: {  	v30 =	vand.u32 $0x7F, v25;
	v42 =	vor.u32 v45, v29;
	v20 =	vand.u32 $0x7F, v22;
	[tilespmem:v46+s20+$0x0] =	vst.idx.add.f32.msk $0xffff, v27  }
0xcc: {  	v36 =	vshll.u32 v40, $0x2;
	v24 =	vand.u32 $0xFFFFFE00, v48;
	v29 =	vshll.u32 v22, $0x2;
	v37 =	vld.idx.msk [tilespmem:v50+s3+$0x0], $0xffff  }
0xcd: {  	v49 =	vand.u32 $0xFFFFFE00, v29;
	v29 =	vshll.u32 v25, $0x2;
	v28 =	vand.u32 $0x7F, v33;
	v43 =	vld.idx.msk [tilespmem:v41+s3+$0x0], $0xffff;
	v39 =	vpop (erf)  }
0xce: {  	v29 =	vand.u32 $0xFFFFFE00, v29;
	v38 =	vor.u32 v28, v24;
	v40 =	vor.u32 v20, v49;
	[tilespmem:v21+s19+$0x0] =	vst.idx.add.f32.msk $0xffff, v39;
	v20 =	vpop (erf)  }
0xcf: {  	v33 =	vand.u32 $0xFFFFFE00, v36;
	v0 =	vor.u32 v30, v29;
	v1 =	vor.u32 $0x80, v38;
	[tilespmem:v22+s19+$0x0] =	vst.idx.add.f32.msk $0xffff, v20  }
0xd0: {  	v29 =	vshll.u32 v21, $0x2;
	v45 =	vor.u32 v60, v33;
	v30 =	vand.u32 $0x7F, v21;
	v31 =	vld.idx.msk [tilespmem:v42+s3+$0x0], $0xffff;
	v21 =	vpop (erf);
	[tilespmem:$0x1FFD0] =	vst v1  }
0xd1: {  	v34 =	vmul.f32 v55, v19;
	v1 =	vor.u32 $0x80, v45;
	[tilespmem:v23+s19+$0x0] =	vst.idx.add.f32.msk $0xffff, v21  }
0xd2: {  	v28 =	vshll.u32 v23, $0x2;
	v27 =	vand.u32 $0x7F, v23;
	v29 =	vand.u32 $0xFFFFFE00, v29;
	v23 =	vpop (erf);
	[tilespmem:$0x1FFE0] =	vst v1  }
0xd3: {  	v62 =	vor.u32 $0x180, v10;
	v48 =	vor.u32 v30, v29;
	v22 =	vmul.f32 v26, v2;
	[tilespmem:v25+s19+$0x0] =	vst.idx.add.f32.msk $0xffff, v23  }
0xd4: {  	v10 =	vor.u32 $0x100, v51;
	v17 =	vmul.f32 v54, v17;
	v47 =	vld.idx.msk [tilespmem:v38+s3+$0x0], $0xffff;
	v25 =	vmul.f32 v37, v56  }
0xd5: {  	v28 =	vand.u32 $0xFFFFFE00, v28;
	v15 =	vor.u32 $0x80, v0;
	v46 =	vor.u32 $0x80, v42;
	[tilespmem:v52+s20+$0x0] =	vst.idx.add.f32.msk $0xffff, v22  }
0xd6: {  	v36 =	vor.u32 $0x100, v45;
	v1 =	vor.u32 $0x180, v38;
	v60 =	vmul.f32 v39, v31;
	[tilespmem:v53+s20+$0x0] =	vst.idx.add.f32.msk $0xffff, v25  }
0xd7: {  	v32 =	vor.u32 $0x180, v45;
	v11 =	vor.u32 $0x180, v0;
	v33 =	vor.u32 v27, v28;
	[tilespmem:$0x1FFF0] =	vst v1  }
0xd8: {  	v41 =	vor.u32 $0x100, v0;
	v16 =	vor.u32 $0x80, v40;
	v35 =	vor.u32 $0x80, v33;
	[tilespmem:v48+s20+$0x0] =	vst.idx.add.f32.msk $0xffff, v60  }
0xd9: {  	v13 =	vor.u32 $0x100, v40;
	v29 =	vor.u32 $0x180, v33;
	v37 =	vor.u32 $0x100, v38;
	v45 =	vld.idx.msk [tilespmem:v45+s3+$0x0], $0xffff  }
0xda: {  	v22 =	vor.u32 $0x100, v33;
	v38 =	vmul.f32 v44, v18;
	v44 =	vmul.f32 v43, v3;
	v43 =	vld.idx.msk [tilespmem:v51+s3+$0x0], $0xffff  }
0xdb: {  	s28 =	simm.s32 $0xC0;
	s25 =	simm.s32 $0x8;
	s26 =	simm.s32 $0x180;
	v30 =	vmovc v0;
	v31 =	vor.u32 $0x180, v40;
	v46 =	vld.idx.msk [tilespmem:v46+s3+$0x0], $0xffff;
	v49 =	vmul.f32 v20, v47;
	v47 =	vor.u32 $0x80, v48  }
.LBB2_5:
0xdc: {  	s0 =	sand.u32 $0x40, s28;
	s1 =	sand.u32 $0x1F00, s26  }
0xdd: {  	s0 =	sor.u32 s0, s1  }
0xde: {  	v26 =	vor.u32 $0x100, v42;
	p0 =	por !p0, !p0;
	[tilespmem:v40+s20+$0x0] =	vst.idx.add.f32.msk $0xffff, v49;
	s1 =	simm.s32 $0x1;
	s4 =	sadd.s32 $0x1B280, s0  }
0xdf: {  	s1 =	simm.s32 @!p0 $0x0;
	v51 =	vld [tilespmem:s4+$0x30]  }
0xe0: {  	s30 =	sshll.u32 s1, $0x6;
	[tilespmem:v7+s20+$0x0] =	vst.idx.add.f32.msk $0xffff, v44;
	v46 =	vmul.f32 v39, v46  }
0xe1: {  	v0 =	vmov v41;
	v41 =	vld [tilespmem:s0+$0x1B280];
	s0 =	sadd.s32 s30, s26  }
0xe2: {  	[tilespmem:v47+s20+$0x0] =	vst.idx.add.f32.msk $0xffff, v46;
	s6 =	sadd.s32 $0x30, s0  }
0xe3: {  	v40 =	vld.idx.msk [tilespmem:v26+s3+$0x0], $0xffff;
	s6 =	sor.u32 $0x80, s6  }
0xe4: {  	v47 =	vld [tilespmem:s6+$0x1B280]  }
0xe5: {  	v14 =	vmov v59;
	v59 =	vld [tilespmem:s4+$0x20];
	s31 =	sadd.s32 $0x10, s0  }
0xe6: {  	v52 =	vor.u32 $0x100, v48;
	v53 =	vld [tilespmem:s4+$0x10];
	s5 =	sadd.s32 $0x20, s0;
	s1 =	sor.u32 $0x80, s31  }
0xe7: {  	v55 =	vmul.f32 v21, v45;
	s5 =	sor.u32 $0x80, s5;
	v45 =	vld [tilespmem:s1+$0x1B280];
	v24 =	vshll.u32 v41, $0x2  }
0xe8: {  	v25 =	vor.u32 $0x180, v42;
	s0 =	sor.u32 $0x80, s0;
	v46 =	vld [tilespmem:s5+$0x1B280];
	v60 =	vand.u32 $0x7F, v41;
	v44 =	vand.u32 $0xFFFFFE00, v24  }
0xe9: {  	[tilespmem:$0x1FF60] =	vst v56;
	v56 =	vmul.f32 v23, v43;
	v43 =	vor.u32 v60, v44;
	v44 =	vld [tilespmem:s0+$0x1B280];
	v40 =	vmul.f32 v40, v39  }
0xea: {  	v60 =	vld.idx.msk [tilespmem:v51+s14+$0x0], $0xffff  }
0xeb: {  	[tilespmem:v52+s20+$0x0] =	vst.idx.add.f32.msk $0xffff, v40  }
0xec: {  	v48 =	vor.u32 $0x180, v48;
	v4 =	vld.idx.msk [tilespmem:v47+s15+$0x0], $0xffff  }
0xed: {  	[tilespmem:$0x1FF50] =	vst v3;
	v5 =	vand.u32 $0x7F, v59;
	v6 =	vshll.u32 v59, $0x2;
	v59 =	vld.idx.msk [tilespmem:v59+s14+$0x0], $0xffff;
	v26 =	vshll.u32 v45, $0x2  }
0xee: {  	[tilespmem:$0x1FF80] =	vst v0;
	v6 =	vand.u32 $0xFFFFFE00, v6;
	v0 =	vor.u32 $0x100, v43;
	v52 =	vshll.u32 v46, $0x2;
	v42 =	vld.idx.msk [tilespmem:v25+s3+$0x0], $0xffff  }
0xef: {  	v50 =	vand.u32 $0x7F, v53;
	[tilespmem:$0x1FF70] =	vst v0;
	v0 =	vand.u32 $0xFFFFFE00, v52;
	v52 =	vor.u32 v5, v6;
	v5 =	vld.idx.msk [tilespmem:v53+s14+$0x0], $0xffff  }
0xf0: {  	[tilespmem:$0x1FF90] =	vst v22;
	v22 =	vmovc v61;
	v54 =	vshll.u32 v53, $0x2;
	v61 =	vand.u32 $0x7F, v45;
	v40 =	vand.u32 $0xFFFFFE00, v26;
	v26 =	vmovc v63;
	v63 =	vld.idx.msk [tilespmem:v45+s15+$0x0], $0xffff  }
0xf1: {  	v3 =	vmovc v15;
	v54 =	vand.u32 $0xFFFFFE00, v54;
	v40 =	vor.u32 v61, v40;
	v61 =	vld.idx.msk [tilespmem:v46+s15+$0x0], $0xffff;
	v4 =	vadd.f32 v4, v60  }
0xf2: {  	v15 =	vmovc v57;
	v50 =	vor.u32 v50, v54;
	v57 =	vor.u32 $0x80, v43;
	[tilespmem:v33+s20+$0x0] =	vst.idx.add.f32.msk $0xffff, v55;
	v24 =	vshll.u32 v44, $0x2  }
0xf3: {  	v18 =	vmovc v62;
	v62 =	vand.u32 $0x7F, v44;
	v25 =	vand.u32 $0xFFFFFE00, v24;
	v7 =	vld.idx.msk [tilespmem:v44+s15+$0x0], $0xffff;
	v60 =	vmul.f32 $2.000000030e-01, v4  }
0xf4: {  	v54 =	vand.u32 $0x7F, v46;
	v62 =	vor.u32 v62, v25;
	v39 =	vmul.f32 v42, v39;
	v42 =	vld.idx.msk [tilespmem:v41+s14+$0x0], $0xffff  }
0xf5: {  	v27 =	vmovc v10;
	v6 =	vor.u32 $0x80, v50;
	v0 =	vor.u32 v54, v0;
	v4 =	vmax.f32 v4, v60;
	v60 =	vld [tilespmem:$0x1FFD0]  }
0xf6: {  	v28 =	vmovc v11;
	v11 =	vor.u32 $0x80, v0;
	v53 =	vor.u32 $0x100, v0;
	v33 =	vmovc v0;
	v10 =	vor.u32 $0x80, v62;
	[tilespmem:v30+s20+$0x0] =	vst.idx.add.f32.msk $0xffff, v56  }
0xf7: {  	v41 =	vor.u32 $0x100, v62;
	v0 =	vor.u32 $0x180, v62;
	v30 =	vmovc v62;
	v62 =	vmovc v6;
	v6 =	vadd.f32 v61, v59;
	v61 =	vld [tilespmem:$0x1FFE0]  }
0xf8: {  	v5 =	vadd.f32 v63, v5;
	v63 =	vmov v57;
	[tilespmem:$0x1FFD0] =	vst v62;
	v62 =	vld [tilespmem:$0x1FFB0];
	v4 =	vmul.f32 $1.442695020e+00, v4  }
0xf9: {  	[tilespmem:v48+s20+$0x0] =	vst.idx.add.f32.msk $0xffff, v39  }
0xfa: {  	v39 =	vor.u32 $0x180, v50;
	(erf) = vpow2.f32 v4;
	v4 =	vld [tilespmem:$0x1FFA0]  }
0xfb: {  	[tilespmem:$0x1FFB0] =	vst v63;
	v63 =	vmov v39  }
0xfc: {  	v57 =	vld [tilespmem:$0x1FFF0]  }
0xfd: {  	v49 =	vmov v2;
	v2 =	vmov v16;
	v48 =	vor.u32 $0x180, v52;
	v56 =	vld.idx.msk [tilespmem:v60+s3+$0x0], $0xffff  }
0xfe: {  	v16 =	vmovc v58;
	v24 =	vmovc v9;
	v9 =	vor.u32 $0x80, v52;
	[tilespmem:$0x1FFF0] =	vst v63;
	v63 =	vmov v32;
	v32 =	vmov v48;
	v48 =	vld.idx.msk [tilespmem:v22+s3+$0x0], $0xffff  }
0xff: {  	v59 =	vld.idx.msk [tilespmem:v61+s3+$0x0], $0xffff;
	v60 =	vmov v9;
	v9 =	vmul.f32 $2.000000030e-01, v5  }
0x100: {  	[tilespmem:$0x1FFE0] =	vst v60;
	v60 =	vld.idx.msk [tilespmem:v62+s3+$0x0], $0xffff  }
0x101: {  	v5 =	vmax.f32 v5, v9;
	v9 =	vld.idx.msk [tilespmem:v26+s3+$0x0], $0xffff  }
0x102: {  	v7 =	vadd.f32 v7, v42;
	v42 =	vmul.f32 $2.000000030e-01, v6;
	v4 =	vld.idx.msk [tilespmem:v4+s3+$0x0], $0xffff;
	v26 =	vmul.f32 v20, v56  }
0x103: {  	[tilespmem:v16+s20+$0x0] =	vst.idx.add.f32.msk $0xffff, v38  }
0x104: {  	v6 =	vmax.f32 v6, v42;
	v5 =	vmul.f32 $1.442695020e+00, v5;
	[tilespmem:v2+s20+$0x0] =	vst.idx.add.f32.msk $0xffff, v26  }
0x105: {  	v42 =	vshll.u32 v51, $0x2;
	v6 =	vmul.f32 $1.442695020e+00, v6;
	v2 =	vld [tilespmem:$0x1FF50]  }
0x106: {  	[tilespmem:v14+s20+$0x0] =	vst.idx.add.f32.msk $0xffff, v17;
	v17 =	vand.u32 $0xFFFFFE00, v42;
	(erf) = vpow2.f32 v5;
	v5 =	vand.u32 $0x7F, v51  }
0x107: {  	v62 =	vmov v57;
	v57 =	vmul.f32 $2.000000030e-01, v7;
	[tilespmem:v15+s20+$0x0] =	vst.idx.add.f32.msk $0xffff, v34;
	v39 =	vpop (erf);
	v42 =	vor.u32 v5, v17  }
0x108: {  	v25 =	vmov v8;
	v8 =	vor.u32 $0x80, v40;
	[tilespmem:v47+s19+$0x0] =	vst.idx.add.f32.msk $0xffff, v39  }
0x109: {  	v7 =	vmax.f32 v7, v57;
	(erf) = vpow2.f32 v6;
	v6 =	vmul.f32 v21, v59;
	v5 =	vld.idx.msk [tilespmem:v37+s3+$0x0], $0xffff  }
0x10a: {  	v1 =	vor.u32 $0x180, v33;
	v7 =	vmul.f32 $1.442695020e+00, v7;
	v34 =	vmul.f32 v48, v2;
	v2 =	vld [tilespmem:$0x1FF60]  }
0x10b: {  	v16 =	vmov v8;
	v8 =	vmov v29;
	v29 =	vmov v1;
	[tilespmem:v35+s20+$0x0] =	vst.idx.add.f32.msk $0xffff, v6  }
0x10c: {  	v1 =	vshll.u32 v47, $0x2;
	(erf) = vpow2.f32 v7;
	v7 =	vmul.f32 v23, v60;
	v35 =	vmovc v11;
	v11 =	vmovc v0;
	v0 =	vld.idx.msk [tilespmem:v42+s3+$0x0], $0xffff  }
0x10d: {  	v22 =	vld [tilespmem:$0x1FFC0];
	v1 =	vand.u32 $0xFFFFFE00, v1;
	v6 =	vand.u32 $0x7F, v47  }
0x10e: {  	[tilespmem:v3+s20+$0x0] =	vst.idx.add.f32.msk $0xffff, v7;
	v48 =	vor.u32 v6, v1  }
0x10f: {  	v7 =	vld.idx.msk [tilespmem:v27+s3+$0x0], $0xffff;
	v17 =	vmul.f32 v9, v2;
	v2 =	vmov v20  }
0x110: {  	v19 =	vmovc v13;
	v13 =	vor.u32 $0x100, v52;
	v38 =	vmul.f32 v4, v49;
	v4 =	vmul.f32 v5, v2;
	v5 =	vld.idx.msk [tilespmem:v36+s3+$0x0], $0xffff  }
0x111: {  	v0 =	vmul.f32 v39, v0;
	v20 =	vpop (erf);
	v36 =	vmov v13;
	v13 =	vld [tilespmem:$0x1FF70]  }
0x112: {  	v1 =	vor.u32 $0x80, v42;
	[tilespmem:v45+s19+$0x0] =	vst.idx.add.f32.msk $0xffff, v20  }
0x113: {  	[tilespmem:v48+s20+$0x0] =	vst.idx.add.f32.msk $0xffff, v0  }
0x114: {  	v56 =	vmov v21;
	v21 =	vpop (erf);
	v0 =	vld [tilespmem:$0x1FF90]  }
0x115: {  	[tilespmem:v46+s19+$0x0] =	vst.idx.add.f32.msk $0xffff, v21  }
0x116: {  	v6 =	vld.idx.msk [tilespmem:v50+s3+$0x0], $0xffff  }
0x117: {  	s25 =	sadd.s32 $0x4, s25;
	v58 =	vor.u32 $0x180, v43;
	v3 =	vmov v23;
	v23 =	vpop (erf);
	v46 =	vld.idx.msk [tilespmem:v1+s3+$0x0], $0xffff  }
0x118: {  	p1 =	slt.u32 s25, $0xC4;
	v61 =	vmov v22;
	v22 =	vmov v58;
	[tilespmem:v44+s19+$0x0] =	vst.idx.add.f32.msk $0xffff, v23  }
.Ltmp1:
0x119: {  	v12 =	vor.u32 $0x100, v50;
	[tilespmem:$0x1FFC0] =	vst v22;
	v45 =	vld.idx.msk [tilespmem:v52+s3+$0x0], $0xffff;
	(pc) =	sbr.rel @p1 .LBB2_5-.Ltmp1, $4  }
0x11a: {  	v54 =	vor.u32 $0x100, v40;
	v55 =	vor.u32 $0x180, v40;
	v58 =	vmovc v18;
	[tilespmem:$0x1FFA0] =	vst v62;
	v44 =	vmul.f32 v7, v3;
	v7 =	vld [tilespmem:$0x1FF80]  }
0x11b: {  	v15 =	vmovc v10;
	v22 =	vmov v53;
	v62 =	vmov v31;
	[tilespmem:v19+s20+$0x0] =	vst.idx.add.f32.msk $0xffff, v4;
	v5 =	vmul.f32 v5, v56  }
0x11c: {  	v31 =	vmovc v55;
	v57 =	vmovc v24;
	v59 =	vmov v25;
	v37 =	vmov v12;
	v47 =	vor.u32 $0x80, v48;
	v43 =	vld.idx.msk [tilespmem:v43+s3+$0x0], $0xffff  }
0x11d: {  	s28 =	sadd.s32 $0x40, s28;
	s26 =	sadd.s32 $0x80, s26;
	v9 =	vmovc v28;
	v10 =	vmov v13;
	v13 =	vmov v54;
	v49 =	vmul.f32 v20, v6;
	[tilespmem:v0+s20+$0x0] =	vst.idx.add.f32.msk $0xffff, v5  }
0x11e: {  	v0 =	vor.u32 $0x100, v42;
	_ =	sdelay $0x1  }
0x11f: {  	v1 =	vmul.f32 v39, v46;
	_ =	sdelay $0x1  }
0x120: {  	[tilespmem:v47+s20+$0x0] =	vst.idx.add.f32.msk $0xffff, v1  }
0x121: {  	v0 =	vld.idx.msk [tilespmem:v0+s3+$0x0], $0xffff;
	_ =	sdelay $0x1  }
0x122: {  	v1 =	vor.u32 $0x100, v48;
	_ =	sdelay $0x1  }
0x123: {  	v5 =	vmul.f32 v21, v45  }
0x124: {  	[tilespmem:v40+s20+$0x0] =	vst.idx.add.f32.msk $0xffff, v49;
	v0 =	vmul.f32 v0, v39  }
0x125: {  	[tilespmem:v33+s20+$0x0] =	vst.idx.add.f32.msk $0xffff, v5  }
0x126: {  	[tilespmem:v1+s20+$0x0] =	vst.idx.add.f32.msk $0xffff, v0;
	v1 =	vmul.f32 v23, v43  }
0x127: {  	v5 =	vld [tilespmem:$0x1FFD0]  }
0x128: {  	v4 =	vor.u32 $0x180, v42;
	[tilespmem:v30+s20+$0x0] =	vst.idx.add.f32.msk $0xffff, v1  }
0x129: {  	v1 =	vld [tilespmem:$0x1FFE0]  }
0x12a: {  	v6 =	vld [tilespmem:$0x1FFB0];
	_ =	sdelay $0x2  }
0x12b: {  	v0 =	vld.idx.msk [tilespmem:v4+s3+$0x0], $0xffff;
	_ =	sdelay $0x1  }
0x12c: {  	v4 =	vor.u32 $0x180, v48;
	v5 =	vld.idx.msk [tilespmem:v5+s3+$0x0], $0xffff;
	_ =	sdelay $0x1  }
0x12d: {  	v1 =	vld.idx.msk [tilespmem:v1+s3+$0x0], $0xffff  }
0x12e: {  	v0 =	vmul.f32 v0, v39;
	v6 =	vld.idx.msk [tilespmem:v6+s3+$0x0], $0xffff  }
0x12f: {  	[tilespmem:v7+s20+$0x0] =	vst.idx.add.f32.msk $0xffff, v44  }
0x130: {  	[tilespmem:v4+s20+$0x0] =	vst.idx.add.f32.msk $0xffff, v0;
	v0 =	vmul.f32 v20, v5  }
0x131: {  	v4 =	vld [tilespmem:$0x1FFA0]  }
0x132: {  	[tilespmem:v16+s20+$0x0] =	vst.idx.add.f32.msk $0xffff, v0;
	v0 =	vmul.f32 v21, v1  }
0x133: {  	v5 =	vmul.f32 v23, v6;
	v1 =	vld.idx.msk [tilespmem:v37+s3+$0x0], $0xffff  }
0x134: {  	[tilespmem:v35+s20+$0x0] =	vst.idx.add.f32.msk $0xffff, v0  }
0x135: {  	[tilespmem:v15+s20+$0x0] =	vst.idx.add.f32.msk $0xffff, v5  }
0x136: {  	v0 =	vld.idx.msk [tilespmem:v36+s3+$0x0], $0xffff  }
0x137: {  	v5 =	vld.idx.msk [tilespmem:v10+s3+$0x0], $0xffff;
	_ =	sdelay $0x1  }
0x138: {  	[tilespmem:v58+s20+$0x0] =	vst.idx.add.f32.msk $0xffff, v38  }
0x139: {  	[tilespmem:v59+s20+$0x0] =	vst.idx.add.f32.msk $0xffff, v17;
	v1 =	vmul.f32 v1, v20  }
0x13a: {  	v4 =	vld.idx.msk [tilespmem:v4+s3+$0x0], $0xffff;
	v0 =	vmul.f32 v0, v21  }
0x13b: {  	v5 =	vmul.f32 v5, v23;
	[tilespmem:v13+s20+$0x0] =	vst.idx.add.f32.msk $0xffff, v1  }
0x13c: {  	[tilespmem:v22+s20+$0x0] =	vst.idx.add.f32.msk $0xffff, v0  }
0x13d: {  	[tilespmem:v41+s20+$0x0] =	vst.idx.add.f32.msk $0xffff, v5  }
0x13e: {  	v0 =	vld [tilespmem:$0x1FFF0]  }
0x13f: {  	v2 =	vmul.f32 v4, v2;
	v4 =	vld [tilespmem:$0x1FFC0];
	_ =	sdelay $0x3  }
0x140: {  	v7 =	vld.idx.msk [tilespmem:v61+s3+$0x0], $0xffff  }
0x141: {  	v6 =	vld.idx.msk [tilespmem:v63+s3+$0x0], $0xffff  }
0x142: {  	v1 =	vld.idx.msk [tilespmem:v32+s3+$0x0], $0xffff  }
0x143: {  	v0 =	vld.idx.msk [tilespmem:v0+s3+$0x0], $0xffff  }
0x144: {  	v4 =	vld.idx.msk [tilespmem:v4+s3+$0x0], $0xffff  }
0x145: {  	v3 =	vmul.f32 v7, v3;
	[tilespmem:v57+s20+$0x0] =	vst.idx.add.f32.msk $0xffff, v34  }
0x146: {  	s25 =	smul.u32 $0x1900, s24;
	v5 =	vmul.f32 v6, v56;
	[tilespmem:v62+s20+$0x0] =	vst.idx.add.f32.msk $0xffff, v2  }
0x147: {  	[tilespmem:v9+s20+$0x0] =	vst.idx.add.f32.msk $0xffff, v3;
	v1 =	vmul.f32 v1, v21  }
0x148: {  	s0 =	smin.u32 s25, $0x4BC80;
	[tilespmem:v8+s20+$0x0] =	vst.idx.add.f32.msk $0xffff, v5;
	v0 =	vmul.f32 v0, v20  }
0x149: {  	s0 =	sshrl.u32 s0, $0x2;
	[tilespmem:v29+s20+$0x0] =	vst.idx.add.f32.msk $0xffff, v1;
	v2 =	vmul.f32 v4, v23  }
0x14a: {  	s0 =	sadd.s32 s2, s0;
	[tilespmem:v31+s20+$0x0] =	vst.idx.add.f32.msk $0xffff, v0  }
0x14b: {  	s1 =	simm.s32 $0x0;
	s0 =	sadd.s32 $0x640, s0;
	[tilespmem:v11+s20+$0x0] =	vst.idx.add.f32.msk $0xffff, v2  }
0x14c: {  	[tilespmem:s11], [sflag:$0x1] =	stream.linear.gather [hbm4b:s0+s1], $0x1900, $0x38;
	[tilespmem:$0x1E480] =	vst v63  }
0x14d: {  	s22 =	sand.u32 $0x40, s1;
	s1 =	sand.u32 $0x1F00, s1;
	_ =	swait.ge [sflag:s21], $0x1900  }
0x14e: {  	s5 =	sor.u32 $0x30, s22;
	s4 =	sadd.s32 $0x1CB80, s1;
	[sflag:s21] =	ssyncset.done $0x0  }
0x14f: {  	s1 =	sadd.s32 $0x1CC00, s1;
	s6 =	sor.u32 s5, s4;
	[sflag:s21] =	ssyncadd.s32 $0xFFFFE700  }
0x150: {  	s5 =	sor.u32 s5, s1;
	v0 =	vld [tilespmem:s6+$0x0]  }
0x151: {  	v1 =	vld [tilespmem:s5+$0x0]  }
0x152: {  	s26 =	sor.u32 s22, s4  }
0x153: {  	s30 =	sor.u32 $0x10, s22;
	s31 =	sor.u32 s22, s1;
	v2 =	vld [tilespmem:s26+$0x0]  }
0x154: {  	s7 =	sor.u32 s30, s4;
	v3 =	vld [tilespmem:s31+$0x0]  }
0x155: {  	s0 =	sor.u32 $0x20, s22;
	s8 =	sor.u32 s30, s1;
	v4 =	vld [tilespmem:s7+$0x0]  }
0x156: {  	s4 =	sor.u32 s0, s4;
	v7 =	vld [tilespmem:s8+$0x0]  }
0x157: {  	v5 =	vld [tilespmem:s4+$0x0]  }
0x158: {  	v6 =	vld.idx.msk [tilespmem:v0+s14+$0x0], $0xffff  }
0x159: {  	s0 =	sor.u32 s0, s1;
	v8 =	vld.idx.msk [tilespmem:v1+s15+$0x0], $0xffff  }
0x15a: {  	v10 =	vld [tilespmem:s0+$0x0]  }
0x15b: {  	v9 =	vld.idx.msk [tilespmem:v2+s14+$0x0], $0xffff  }
0x15c: {  	v11 =	vld.idx.msk [tilespmem:v3+s15+$0x0], $0xffff;
	_ =	sdelay $0x1  }
0x15d: {  	v12 =	vld.idx.msk [tilespmem:v4+s14+$0x0], $0xffff;
	v6 =	vadd.f32 v8, v6  }
0x15e: {  	v13 =	vld.idx.msk [tilespmem:v7+s15+$0x0], $0xffff  }
0x15f: {  	v8 =	vmul.f32 $2.000000030e-01, v6  }
0x160: {  	v9 =	vadd.f32 v11, v9  }
0x161: {  	v14 =	vld.idx.msk [tilespmem:v5+s14+$0x0], $0xffff;
	v6 =	vmax.f32 v6, v8  }
0x162: {  	v11 =	vld.idx.msk [tilespmem:v10+s15+$0x0], $0xffff;
	v8 =	vmul.f32 $2.000000030e-01, v9;
	v6 =	vmul.f32 $1.442695020e+00, v6  }
0x163: {  	v12 =	vadd.f32 v13, v12  }
0x164: {  	v8 =	vmax.f32 v9, v8;
	(erf) = vpow2.f32 v6  }
0x165: {  	v9 =	vmul.f32 $2.000000030e-01, v12;
	v6 =	vmul.f32 $1.442695020e+00, v8;
	_ =	sdelay $0x1  }
0x166: {  	v8 =	vmax.f32 v12, v9;
	v9 =	vadd.f32 v11, v14;
	(erf) = vpow2.f32 v6  }
0x167: {  	s9 =	simm.s32 $0x80;
	s10 =	simm.s32 $0x40;
	v11 =	vshll.u32 v0, $0x2;
	v8 =	vmul.f32 $1.442695020e+00, v8  }
0x168: {  	s1 =	sand.u32 $0x40, s10;
	s0 =	sand.u32 $0x1F00, s9;
	v0 =	vand.u32 $0x7F, v0;
	v11 =	vand.u32 $0xFFFFFE00, v11;
	v6 =	vmul.f32 $2.000000030e-01, v9  }
0x169: {  	s17 =	sor.u32 $0x30, s1;
	s13 =	sadd.s32 $0x1CB80, s0;
	v0 =	vor.u32 v0, v11;
	(erf) = vpow2.f32 v8  }
0x16a: {  	s18 =	sor.u32 s17, s13;
	v8 =	vshll.u32 v2, $0x2;
	v6 =	vmax.f32 v9, v6  }
0x16b: {  	s22 =	sor.u32 s1, s13;
	v18 =	vld [tilespmem:s18+$0x0];
	v2 =	vand.u32 $0x7F, v2;
	v8 =	vand.u32 $0xFFFFFE00, v8;
	v6 =	vmul.f32 $1.442695020e+00, v6  }
0x16c: {  	v19 =	vld [tilespmem:s22+$0x0];
	v2 =	vor.u32 v2, v8;
	v8 =	vshll.u32 v4, $0x2;
	v13 =	vpop (erf)  }
0x16d: {  	s0 =	sadd.s32 $0x1CC00, s0;
	v4 =	vand.u32 $0x7F, v4;
	v8 =	vand.u32 $0xFFFFFE00, v8;
	[tilespmem:v1+s19+$0x0] =	vst.idx.add.f32.msk $0xffff, v13  }
0x16e: {  	s30 =	sor.u32 s1, s0;
	v9 =	vshll.u32 v1, $0x2;
	v4 =	vor.u32 v4, v8;
	v8 =	vld.idx.msk [tilespmem:v0+s3+$0x0], $0xffff  }
0x16f: {  	v20 =	vld [tilespmem:s30+$0x0];
	v9 =	vand.u32 $0xFFFFFE00, v9;
	(erf) = vpow2.f32 v6;
	v1 =	vand.u32 $0x7F, v1;
	v6 =	vpop (erf)  }
0x170: {  	s26 =	sor.u32 $0x10, s1;
	v16 =	vshll.u32 v7, $0x2;
	v12 =	vand.u32 $0x7F, v3;
	v1 =	vor.u32 v1, v9;
	[tilespmem:v3+s19+$0x0] =	vst.idx.add.f32.msk $0xffff, v6  }
0x171: {  	s31 =	sor.u32 s26, s13;
	v15 =	vor.u32 $0x80, v0;
	v9 =	vshll.u32 v5, $0x2;
	v3 =	vshll.u32 v3, $0x2;
	v14 =	vld.idx.msk [tilespmem:v2+s3+$0x0], $0xffff  }
0x172: {  	v21 =	vld [tilespmem:s31+$0x0];
	v5 =	vand.u32 $0x7F, v5;
	v9 =	vand.u32 $0xFFFFFE00, v9;
	v11 =	vpop (erf);
	v3 =	vand.u32 $0xFFFFFE00, v3  }
0x173: {  	[tilespmem:v7+s19+$0x0] =	vst.idx.add.f32.msk $0xffff, v11;
	v17 =	vmul.f32 v13, v8;
	v8 =	vand.u32 $0x7F, v7;
	v7 =	vor.u32 v12, v3  }
0x174: {  	v5 =	vor.u32 v5, v9;
	v9 =	vld.idx.msk [tilespmem:v4+s3+$0x0], $0xffff  }
0x175: {  	[tilespmem:v1+s20+$0x0] =	vst.idx.add.f32.msk $0xffff, v17  }
0x176: {  	s8 =	sor.u32 s26, s0;
	v16 =	vand.u32 $0xFFFFFE00, v16;
	v14 =	vmul.f32 v6, v14;
	v15 =	vld.idx.msk [tilespmem:v15+s3+$0x0], $0xffff  }
0x177: {  	s1 =	sor.u32 $0x20, s1;
	v22 =	vld [tilespmem:s8+$0x0];
	v8 =	vor.u32 v8, v16  }
0x178: {  	s4 =	sor.u32 s1, s13;
	[tilespmem:v7+s20+$0x0] =	vst.idx.add.f32.msk $0xffff, v14;
	v14 =	vor.u32 $0x80, v1  }
0x179: {  	v23 =	vld [tilespmem:s4+$0x0]  }
0x17a: {  	v24 =	vld.idx.msk [tilespmem:v18+s14+$0x0], $0xffff;
	v9 =	vmul.f32 v11, v9  }
0x17b: {  	v28 =	vld.idx.msk [tilespmem:v19+s14+$0x0], $0xffff;
	v15 =	vmul.f32 v13, v15  }
0x17c: {  	[tilespmem:v8+s20+$0x0] =	vst.idx.add.f32.msk $0xffff, v9  }
0x17d: {  	s5 =	sor.u32 s17, s0;
	v9 =	vor.u32 $0x100, v0;
	[tilespmem:v14+s20+$0x0] =	vst.idx.add.f32.msk $0xffff, v15  }
0x17e: {  	v14 =	vld [tilespmem:s5+$0x0]  }
0x17f: {  	v29 =	vld.idx.msk [tilespmem:v20+s15+$0x0], $0xffff  }
0x180: {  	v30 =	vld.idx.msk [tilespmem:v22+s15+$0x0], $0xffff;
	v16 =	vor.u32 $0x80, v4  }
0x181: {  	v31 =	vld.idx.msk [tilespmem:v23+s14+$0x0], $0xffff  }
0x182: {  	v3 =	vor.u32 $0x80, v2;
	v12 =	vpop (erf);
	v15 =	vld.idx.msk [tilespmem:v9+s3+$0x0], $0xffff  }
0x183: {  	[tilespmem:v10+s19+$0x0] =	vst.idx.add.f32.msk $0xffff, v12  }
0x184: {  	v26 =	vor.u32 $0x100, v1;
	v17 =	vld.idx.msk [tilespmem:v5+s3+$0x0], $0xffff  }
0x185: {  	v0 =	vor.u32 $0x180, v0;
	v16 =	vld.idx.msk [tilespmem:v16+s3+$0x0], $0xffff  }
0x186: {  	v27 =	vshll.u32 v10, $0x2;
	v25 =	vld.idx.msk [tilespmem:v14+s15+$0x0], $0xffff  }
0x187: {  	s0 =	sor.u32 s1, s0;
	v28 =	vadd.f32 v29, v28;
	v29 =	vor.u32 $0x80, v8;
	v3 =	vld.idx.msk [tilespmem:v3+s3+$0x0], $0xffff;
	v15 =	vmul.f32 v15, v13  }
0x188: {  	v27 =	vand.u32 $0xFFFFFE00, v27;
	v10 =	vand.u32 $0x7F, v10;
	v9 =	vld [tilespmem:s0+$0x0]  }
0x189: {  	s10 =	simm.s32 $0x80;
	s9 =	simm.s32 $0x100;
	v10 =	vor.u32 v10, v27;
	[tilespmem:v26+s20+$0x0] =	vst.idx.add.f32.msk $0xffff, v15  }
0x18a: {  	s1 =	sand.u32 $0x40, s10;
	s0 =	sand.u32 $0x1F00, s9;
	v16 =	vmul.f32 v11, v16;
	v26 =	vor.u32 $0x80, v7;
	v0 =	vld.idx.msk [tilespmem:v0+s3+$0x0], $0xffff  }
0x18b: {  	s26 =	sor.u32 $0x10, s1;
	v54 =	vor.u32 $0x100, v2;
	v27 =	vld.idx.msk [tilespmem:v21+s14+$0x0], $0xffff;
	s13 =	sadd.s32 $0x1CB80, s0;
	v24 =	vadd.f32 v25, v24  }
0x18c: {  	s31 =	sor.u32 s26, s13;
	[tilespmem:v29+s20+$0x0] =	vst.idx.add.f32.msk $0xffff, v16;
	v15 =	vmul.f32 v12, v17  }
0x18d: {  	v3 =	vmul.f32 v6, v3;
	v29 =	vld [tilespmem:s31+$0x0];
	v25 =	vor.u32 $0x80, v5;
	v17 =	vmul.f32 $2.000000030e-01, v24  }
0x18e: {  	[tilespmem:v10+s20+$0x0] =	vst.idx.add.f32.msk $0xffff, v15  }
0x18f: {  	[tilespmem:v26+s20+$0x0] =	vst.idx.add.f32.msk $0xffff, v3;
	v0 =	vmul.f32 v0, v13;
	v15 =	vmax.f32 v24, v17  }
0x190: {  	v13 =	vld.idx.msk [tilespmem:v54+s3+$0x0], $0xffff;
	v24 =	vmul.f32 $2.000000030e-01, v28;
	v15 =	vmul.f32 $1.442695020e+00, v15  }
0x191: {  	v55 =	vor.u32 $0x100, v5;
	v1 =	vor.u32 $0x180, v1;
	v27 =	vadd.f32 v30, v27;
	v17 =	vld.idx.msk [tilespmem:v9+s15+$0x0], $0xffff  }
0x192: {  	v30 =	vor.u32 $0x100, v4;
	v25 =	vld.idx.msk [tilespmem:v25+s3+$0x0], $0xffff;
	v24 =	vmax.f32 v28, v24;
	(erf) = vpow2.f32 v15  }
0x193: {  	v26 =	vor.u32 $0x100, v7;
	v28 =	vmul.f32 $2.000000030e-01, v27;
	v3 =	vmul.f32 $1.442695020e+00, v24  }
0x194: {  	v16 =	vshll.u32 v18, $0x2;
	v18 =	vand.u32 $0x7F, v18;
	v15 =	vor.u32 $0x80, v10  }
0x195: {  	v16 =	vand.u32 $0xFFFFFE00, v16;
	v53 =	vld.idx.msk [tilespmem:v29+s14+$0x0], $0xffff;
	v24 =	vmax.f32 v27, v28;
	(erf) = vpow2.f32 v3  }
0x196: {  	[tilespmem:v1+s20+$0x0] =	vst.idx.add.f32.msk $0xffff, v0;
	v13 =	vmul.f32 v13, v6;
	v24 =	vmul.f32 $1.442695020e+00, v24;
	v3 =	vadd.f32 v17, v31  }
0x197: {  	v16 =	vor.u32 v18, v16;
	v17 =	vmul.f32 v12, v25;
	v25 =	vld.idx.msk [tilespmem:v30+s3+$0x0], $0xffff  }
0x198: {  	s17 =	sor.u32 $0x30, s1;
	s0 =	sadd.s32 $0x1CC00, s0;
	v1 =	vshll.u32 v19, $0x2;
	[tilespmem:v26+s20+$0x0] =	vst.idx.add.f32.msk $0xffff, v13;
	(erf) = vpow2.f32 v24;
	v0 =	vmul.f32 $2.000000030e-01, v3  }
0x199: {  	s22 =	sor.u32 s1, s13;
	s30 =	sor.u32 s1, s0;
	s1 =	sor.u32 $0x20, s1;
	v18 =	vor.u32 $0x100, v8;
	v1 =	vand.u32 $0xFFFFFE00, v1;
	[tilespmem:v15+s20+$0x0] =	vst.idx.add.f32.msk $0xffff, v17;
	v15 =	vand.u32 $0x7F, v19  }
0x19a: {  	s4 =	sor.u32 s1, s13;
	v0 =	vmax.f32 v3, v0;
	v3 =	vld.idx.msk [tilespmem:v55+s3+$0x0], $0xffff;
	v15 =	vor.u32 v15, v1;
	v1 =	vshll.u32 v21, $0x2  }
0x19b: {  	v31 =	vld [tilespmem:s4+$0x0];
	v0 =	vmul.f32 $1.442695020e+00, v0;
	v1 =	vand.u32 $0xFFFFFE00, v1;
	v17 =	vpop (erf)  }
0x19c: {  	v13 =	vand.u32 $0x7F, v21;
	v21 =	vor.u32 $0x100, v10;
	v19 =	vmul.f32 v25, v11;
	[tilespmem:v14+s19+$0x0] =	vst.idx.add.f32.msk $0xffff, v17  }
0x19d: {  	v24 =	vshll.u32 v14, $0x2;
	v13 =	vor.u32 v13, v1;
	(erf) = vpow2.f32 v0;
	v0 =	vld.idx.msk [tilespmem:v16+s3+$0x0], $0xffff  }
0x19e: {  	[tilespmem:v18+s20+$0x0] =	vst.idx.add.f32.msk $0xffff, v19;
	v18 =	vor.u32 $0x180, v2;
	v2 =	vand.u32 $0x7F, v14;
	v14 =	vand.u32 $0xFFFFFE00, v24;
	v1 =	vpop (erf)  }
0x19f: {  	v25 =	vor.u32 v2, v14;
	v3 =	vmul.f32 v3, v12;
	[tilespmem:v20+s19+$0x0] =	vst.idx.add.f32.msk $0xffff, v1  }
0x1a0: {  	v26 =	vor.u32 $0x80, v16;
	v24 =	vld.idx.msk [tilespmem:v15+s3+$0x0], $0xffff  }
0x1a1: {  	v28 =	vshll.u32 v22, $0x2;
	v19 =	vand.u32 $0x7F, v20;
	v20 =	vshll.u32 v20, $0x2;
	v2 =	vpop (erf);
	[tilespmem:v21+s20+$0x0] =	vst.idx.add.f32.msk $0xffff, v3  }
0x1a2: {  	v14 =	vshll.u32 v23, $0x2;
	v20 =	vand.u32 $0xFFFFFE00, v20;
	[tilespmem:v22+s19+$0x0] =	vst.idx.add.f32.msk $0xffff, v2;
	v0 =	vmul.f32 v17, v0  }
0x1a3: {  	v23 =	vand.u32 $0x7F, v23;
	v14 =	vand.u32 $0xFFFFFE00, v14;
	v19 =	vor.u32 v19, v20;
	v27 =	vld.idx.msk [tilespmem:v13+s3+$0x0], $0xffff  }
0x1a4: {  	v23 =	vor.u32 v23, v14;
	v3 =	vand.u32 $0x7F, v22;
	v14 =	vand.u32 $0xFFFFFE00, v28;
	[tilespmem:v25+s20+$0x0] =	vst.idx.add.f32.msk $0xffff, v0  }
0x1a5: {  	s6 =	sor.u32 s26, s0;
	v20 =	vor.u32 v3, v14;
	v14 =	vld.idx.msk [tilespmem:v26+s3+$0x0], $0xffff  }
0x1a6: {  	v30 =	vld [tilespmem:s6+$0x0];
	v21 =	vmul.f32 v1, v24  }
0x1a7: {  	v18 =	vld.idx.msk [tilespmem:v18+s3+$0x0], $0xffff;
	v26 =	vor.u32 $0x80, v25  }
0x1a8: {  	v22 =	vmul.f32 v2, v27;
	[tilespmem:v19+s20+$0x0] =	vst.idx.add.f32.msk $0xffff, v21  }
0x1a9: {  	v21 =	vor.u32 $0x100, v16;
	v27 =	vld [tilespmem:s30+$0x0]  }
0x1aa: {  	s18 =	sor.u32 s17, s13;
	[tilespmem:v20+s20+$0x0] =	vst.idx.add.f32.msk $0xffff, v22;
	v14 =	vmul.f32 v17, v14  }
0x1ab: {  	v22 =	vld [tilespmem:s18+$0x0]  }
0x1ac: {  	s5 =	sor.u32 s17, s0;
	[tilespmem:v26+s20+$0x0] =	vst.idx.add.f32.msk $0xffff, v14  }
0x1ad: {  	v0 =	vor.u32 $0x80, v15;
	v26 =	vld [tilespmem:s5+$0x0]  }
0x1ae: {  	v3 =	vpop (erf);
	v14 =	vld.idx.msk [tilespmem:v21+s3+$0x0], $0xffff  }
0x1af: {  	[tilespmem:v9+s19+$0x0] =	vst.idx.add.f32.msk $0xffff, v3  }
0x1b0: {  	v28 =	vor.u32 $0x100, v25;
	v24 =	vld.idx.msk [tilespmem:v23+s3+$0x0], $0xffff  }
0x1b1: {  	v21 =	vld [tilespmem:s22+$0x0]  }
0x1b2: {  	v16 =	vor.u32 $0x180, v16;
	v0 =	vld.idx.msk [tilespmem:v0+s3+$0x0], $0xffff  }
0x1b3: {  	v61 =	vld.idx.msk [tilespmem:v27+s15+$0x0], $0xffff;
	v14 =	vmul.f32 v14, v17  }
0x1b4: {  	v33 =	vor.u32 $0x180, v4;
	v34 =	vor.u32 $0x180, v5;
	v32 =	vld.idx.msk [tilespmem:v22+s14+$0x0], $0xffff  }
0x1b5: {  	v4 =	vor.u32 $0x180, v10;
	v56 =	vand.u32 $0x7F, v9;
	v5 =	vor.u32 $0x180, v8;
	[tilespmem:v28+s20+$0x0] =	vst.idx.add.f32.msk $0xffff, v14  }
0x1b6: {  	v57 =	vor.u32 $0x100, v15;
	v35 =	vor.u32 $0x80, v19;
	v28 =	vor.u32 $0x180, v7;
	v7 =	vld.idx.msk [tilespmem:v26+s15+$0x0], $0xffff  }
0x1b7: {  	s0 =	sor.u32 s1, s0;
	v10 =	vor.u32 $0x80, v13;
	v58 =	vor.u32 $0x100, v13;
	v60 =	vor.u32 $0x100, v23;
	v8 =	vld.idx.msk [tilespmem:v16+s3+$0x0], $0xffff  }
0x1b8: {  	v36 =	vor.u32 $0x80, v20;
	v62 =	vor.u32 $0x100, v19;
	v9 =	vshll.u32 v9, $0x2;
	v14 =	vld [tilespmem:s0+$0x0]  }
0x1b9: {  	v25 =	vor.u32 $0x180, v25;
	v9 =	vand.u32 $0xFFFFFE00, v9;
	v0 =	vmul.f32 v1, v0;
	v59 =	vld.idx.msk [tilespmem:v21+s14+$0x0], $0xffff  }
0x1ba: {  	v55 =	vld.idx.msk [tilespmem:v30+s15+$0x0], $0xffff;
	v52 =	vor.u32 $0x100, v20;
	v15 =	vor.u32 $0x180, v15;
	v37 =	vor.u32 v56, v9  }
0x1bb: {  	v18 =	vmul.f32 v18, v6;
	v9 =	vor.u32 $0x180, v23;
	[tilespmem:v35+s20+$0x0] =	vst.idx.add.f32.msk $0xffff, v0;
	v16 =	vor.u32 $0x80, v23  }
0x1bc: {  	v32 =	vadd.f32 v7, v32;
	v7 =	vor.u32 $0x180, v13;
	v13 =	vld.idx.msk [tilespmem:v10+s3+$0x0], $0xffff;
	v17 =	vmul.f32 v8, v17  }
0x1bd: {  	v63 =	vor.u32 $0x80, v37;
	v23 =	vld.idx.msk [tilespmem:v31+s14+$0x0], $0xffff;
	v10 =	vor.u32 $0x180, v19;
	v19 =	vmul.f32 v3, v24  }
0x1be: {  	v54 =	vor.u32 $0x100, v37;
	v24 =	vmul.f32 $2.000000030e-01, v32;
	[tilespmem:v25+s20+$0x0] =	vst.idx.add.f32.msk $0xffff, v17;
	v17 =	vadd.f32 v61, v59  }
0x1bf: {  	v6 =	vor.u32 $0x180, v37;
	v56 =	vand.u32 $0x7F, v21;
	v8 =	vor.u32 $0x180, v20;
	[tilespmem:v37+s20+$0x0] =	vst.idx.add.f32.msk $0xffff, v19  }
0x1c0: {  	v20 =	vld.idx.msk [tilespmem:v14+s15+$0x0], $0xffff;
	v25 =	vadd.f32 v55, v53;
	v19 =	vmax.f32 v32, v24;
	v24 =	vmul.f32 $2.000000030e-01, v17  }
0x1c1: {  	v21 =	vshll.u32 v21, $0x2;
	v16 =	vld.idx.msk [tilespmem:v16+s3+$0x0], $0xffff;
	v19 =	vmul.f32 $1.442695020e+00, v19;
	v13 =	vmul.f32 v2, v13  }
0x1c2: {  	[tilespmem:v28+s20+$0x0] =	vst.idx.add.f32.msk $0xffff, v18;
	v18 =	vshll.u32 v29, $0x2;
	v0 =	vmax.f32 v17, v24;
	v17 =	vmul.f32 $2.000000030e-01, v25  }
0x1c3: {  	(erf) = vpow2.f32 v19;
	v19 =	vand.u32 $0xFFFFFE00, v21;
	[tilespmem:v36+s20+$0x0] =	vst.idx.add.f32.msk $0xffff, v13;
	v0 =	vmul.f32 $1.442695020e+00, v0  }
0x1c4: {  	v18 =	vand.u32 $0xFFFFFE00, v18;
	v13 =	vshll.u32 v27, $0x2;
	v24 =	vor.u32 v56, v19;
	v19 =	vld.idx.msk [tilespmem:v57+s3+$0x0], $0xffff  }
0x1c5: {  	v17 =	vmax.f32 v25, v17;
	v25 =	vld.idx.msk [tilespmem:v58+s3+$0x0], $0xffff;
	(erf) = vpow2.f32 v0;
	v0 =	vadd.f32 v20, v23  }
0x1c6: {  	v16 =	vmul.f32 v3, v16;
	v17 =	vmul.f32 $1.442695020e+00, v17;
	v20 =	vshll.u32 v22, $0x2  }
0x1c7: {  	v57 =	vld.idx.msk [tilespmem:v33+s3+$0x0], $0xffff;
	v22 =	vand.u32 $0x7F, v22;
	v20 =	vand.u32 $0xFFFFFE00, v20;
	v23 =	vmul.f32 $2.000000030e-01, v0  }
0x1c8: {  	v58 =	vld.idx.msk [tilespmem:v34+s3+$0x0], $0xffff;
	(erf) = vpow2.f32 v17;
	v17 =	vand.u32 $0x7F, v29;
	v37 =	vor.u32 v22, v20  }
0x1c9: {  	[tilespmem:v63+s20+$0x0] =	vst.idx.add.f32.msk $0xffff, v16;
	v16 =	vmul.f32 v19, v1;
	v19 =	vshll.u32 v30, $0x2;
	v0 =	vmax.f32 v0, v23  }
0x1ca: {  	v22 =	vld.idx.msk [tilespmem:v60+s3+$0x0], $0xffff;
	v23 =	vor.u32 v17, v18;
	v18 =	vand.u32 $0xFFFFFE00, v19;
	v19 =	vmul.f32 v25, v2  }
0x1cb: {  	v21 =	vand.u32 $0x7F, v27;
	v13 =	vand.u32 $0xFFFFFE00, v13;
	v0 =	vmul.f32 $1.442695020e+00, v0;
	[tilespmem:v62+s20+$0x0] =	vst.idx.add.f32.msk $0xffff, v16  }
0x1cc: {  	v59 =	vor.u32 v21, v13;
	v13 =	vshll.u32 v26, $0x2;
	v33 =	vor.u32 $0x80, v24;
	v35 =	vpop (erf);
	[tilespmem:v52+s20+$0x0] =	vst.idx.add.f32.msk $0xffff, v19  }
0x1cd: {  	v21 =	vshll.u32 v14, $0x2;
	v16 =	vshll.u32 v31, $0x2;
	[tilespmem:v26+s19+$0x0] =	vst.idx.add.f32.msk $0xffff, v35;
	(erf) = vpow2.f32 v0  }
0x1ce: {  	v13 =	vand.u32 $0xFFFFFE00, v13;
	v17 =	vand.u32 $0x7F, v31;
	v16 =	vand.u32 $0xFFFFFE00, v16;
	v0 =	vld.idx.msk [tilespmem:v37+s3+$0x0], $0xffff  }
0x1cf: {  	v21 =	vand.u32 $0xFFFFFE00, v21;
	v38 =	vld.idx.msk [tilespmem:v15+s3+$0x0], $0xffff;
	v60 =	vor.u32 v17, v16;
	v17 =	vand.u32 $0x7F, v26;
	v47 =	vpop (erf)  }
0x1d0: {  	v20 =	vand.u32 $0x7F, v30;
	v32 =	vmul.f32 v57, v11;
	v40 =	vor.u32 v17, v13;
	[tilespmem:v27+s19+$0x0] =	vst.idx.add.f32.msk $0xffff, v47  }
0x1d1: {  	v25 =	vor.u32 $0x180, v24;
	v11 =	vmul.f32 v58, v12;
	v62 =	vor.u32 $0x80, v37;
	v61 =	vld.idx.msk [tilespmem:v24+s3+$0x0], $0xffff;
	v13 =	vpop (erf)  }
0x1d2: {  	v36 =	vor.u32 v20, v18;
	v34 =	vor.u32 $0x80, v23;
	v18 =	vmul.f32 v22, v3;
	[tilespmem:v30+s19+$0x0] =	vst.idx.add.f32.msk $0xffff, v13  }
0x1d3: {  	v20 =	vand.u32 $0x7F, v14;
	v19 =	vor.u32 $0x80, v36;
	v63 =	vld.idx.msk [tilespmem:v23+s3+$0x0], $0xffff;
	v0 =	vmul.f32 v35, v0  }
0x1d4: {  	v31 =	vor.u32 v20, v21;
	v21 =	vor.u32 $0x100, v59;
	v15 =	vor.u32 $0x180, v36;
	[tilespmem:v54+s20+$0x0] =	vst.idx.add.f32.msk $0xffff, v18  }
0x1d5: {  	v22 =	vor.u32 $0x100, v24;
	v26 =	vor.u32 $0x100, v23;
	v29 =	vor.u32 $0x80, v31;
	[tilespmem:v40+s20+$0x0] =	vst.idx.add.f32.msk $0xffff, v0  }
0x1d6: {  	v20 =	vor.u32 $0x100, v31;
	v16 =	vor.u32 $0x80, v60;
	v17 =	vor.u32 $0x80, v59;
	v30 =	vpop (erf);
	v44 =	vld.idx.msk [tilespmem:v62+s3+$0x0], $0xffff  }
0x1d7: {  	v28 =	vor.u32 $0x100, v60;
	v18 =	vor.u32 $0x100, v36;
	v0 =	vmul.f32 v47, v61;
	[tilespmem:v14+s19+$0x0] =	vst.idx.add.f32.msk $0xffff, v30  }
0x1d8: {  	v12 =	vor.u32 $0x80, v40;
	v27 =	vor.u32 $0x180, v23;
	v39 =	vld.idx.msk [tilespmem:v60+s3+$0x0], $0xffff;
	v41 =	vmul.f32 v13, v63  }
0x1d9: {  	s28 =	simm.s32 $0x180;
	s29 =	simm.s32 $0xC0;
	s26 =	simm.s32 $0x8;
	v24 =	vor.u32 $0x180, v59;
	v23 =	vor.u32 $0x180, v60;
	v14 =	vor.u32 $0x180, v31;
	[tilespmem:v59+s20+$0x0] =	vst.idx.add.f32.msk $0xffff, v0  }
.LBB2_7:
0x1da: {  	s0 =	sand.u32 $0x40, s29;
	s1 =	sand.u32 $0x1F00, s28;
	[tilespmem:v36+s20+$0x0] =	vst.idx.add.f32.msk $0xffff, v41;
	v0 =	vor.u32 $0x100, v37;
	v43 =	vmul.f32 v38, v1;
	v1 =	vmov v47  }
0x1db: {  	s4 =	sadd.s32 $0x1CB80, s1;
	s5 =	sor.u32 $0x10, s0;
	s6 =	sor.u32 $0x30, s0;
	v33 =	vld.idx.msk [tilespmem:v33+s3+$0x0], $0xffff  }
0x1dc: {  	s8 =	sor.u32 $0x20, s0;
	v36 =	vmul.f32 v35, v44;
	s7 =	sor.u32 s0, s4;
	s9 =	sor.u32 s6, s4;
	v34 =	vld.idx.msk [tilespmem:v34+s3+$0x0], $0xffff  }
0x1dd: {  	s10 =	sor.u32 s5, s4;
	s4 =	sor.u32 s8, s4;
	v47 =	vld [tilespmem:s9+$0x0]  }
0x1de: {  	s26 =	sadd.s32 $0x4, s26;
	v48 =	vmul.f32 v30, v39;
	[tilespmem:v12+s20+$0x0] =	vst.idx.add.f32.msk $0xffff, v36  }
0x1df: {  	s1 =	sadd.s32 $0x1CC00, s1;
	p0 =	slt.u32 s26, $0xC4;
	v0 =	vld.idx.msk [tilespmem:v0+s3+$0x0], $0xffff  }
0x1e0: {  	s0 =	sor.u32 s0, s1;
	s5 =	sor.u32 s5, s1;
	s6 =	sor.u32 s6, s1;
	v36 =	vld [tilespmem:s7+$0x0]  }
0x1e1: {  	s1 =	sor.u32 s8, s1;
	v49 =	vmul.f32 v1, v33;
	v12 =	vld [tilespmem:s6+$0x0]  }
0x1e2: {  	v33 =	vor.u32 $0x100, v40;
	v50 =	vmul.f32 v13, v34;
	v39 =	vld [tilespmem:s0+$0x0]  }
0x1e3: {  	v37 =	vor.u32 $0x180, v37;
	v34 =	vld [tilespmem:s10+$0x0]  }
0x1e4: {  	v38 =	vld [tilespmem:s5+$0x0]  }
0x1e5: {  	v0 =	vmul.f32 v0, v35;
	v41 =	vand.u32 $0x7F, v36;
	v42 =	vshll.u32 v36, $0x2;
	v51 =	vld [tilespmem:s4+$0x0]  }
0x1e6: {  	v42 =	vand.u32 $0xFFFFFE00, v42;
	v52 =	vld.idx.msk [tilespmem:v47+s14+$0x0], $0xffff  }
0x1e7: {  	v45 =	vand.u32 $0x7F, v39;
	v44 =	vor.u32 v41, v42;
	v41 =	vshll.u32 v39, $0x2;
	[tilespmem:v33+s20+$0x0] =	vst.idx.add.f32.msk $0xffff, v0  }
0x1e8: {  	v0 =	vand.u32 $0xFFFFFE00, v41;
	v33 =	vand.u32 $0x7F, v34;
	v41 =	vshll.u32 v34, $0x2;
	v37 =	vld.idx.msk [tilespmem:v37+s3+$0x0], $0xffff  }
0x1e9: {  	v53 =	vand.u32 $0x7F, v38;
	v41 =	vand.u32 $0xFFFFFE00, v41;
	v42 =	vshll.u32 v38, $0x2;
	v54 =	vld.idx.msk [tilespmem:v12+s15+$0x0], $0xffff  }
0x1ea: {  	v46 =	vor.u32 v33, v41;
	v41 =	vld [tilespmem:s1+$0x0];
	v33 =	vand.u32 $0x7F, v51;
	v55 =	vshll.u32 v51, $0x2  }
0x1eb: {  	v40 =	vor.u32 $0x180, v40;
	v56 =	vld.idx.msk [tilespmem:v36+s14+$0x0], $0xffff;
	v36 =	vand.u32 $0xFFFFFE00, v42;
	v55 =	vand.u32 $0xFFFFFE00, v55  }
0x1ec: {  	v42 =	vor.u32 v45, v0;
	v57 =	vld.idx.msk [tilespmem:v39+s15+$0x0], $0xffff;
	v36 =	vor.u32 v53, v36;
	v45 =	vor.u32 v33, v55  }
0x1ed: {  	v33 =	vor.u32 $0x80, v44;
	v0 =	vld.idx.msk [tilespmem:v34+s14+$0x0], $0xffff;
	v34 =	vor.u32 $0x80, v46;
	v53 =	vor.u32 $0x80, v45  }
0x1ee: {  	v55 =	vor.u32 $0x80, v42;
	v59 =	vor.u32 $0x80, v36;
	v35 =	vmul.f32 v37, v35;
	v58 =	vld.idx.msk [tilespmem:v38+s15+$0x0], $0xffff  }
0x1ef: {  	v52 =	vadd.f32 v54, v52;
	v37 =	vld.idx.msk [tilespmem:v51+s14+$0x0], $0xffff;
	v51 =	vand.u32 $0x7F, v41;
	v60 =	vshll.u32 v41, $0x2  }
0x1f0: {  	v61 =	vor.u32 $0x100, v46;
	v54 =	vor.u32 $0x100, v44;
	v60 =	vand.u32 $0xFFFFFE00, v60;
	[tilespmem:v40+s20+$0x0] =	vst.idx.add.f32.msk $0xffff, v35  }
0x1f1: {  	v35 =	vor.u32 $0x100, v45;
	v40 =	vmul.f32 $2.000000030e-01, v52;
	[tilespmem:v31+s20+$0x0] =	vst.idx.add.f32.msk $0xffff, v48;
	v31 =	vor.u32 v51, v60  }
0x1f2: {  	v48 =	vadd.f32 v57, v56;
	v51 =	vor.u32 $0x100, v42;
	v56 =	vld.idx.msk [tilespmem:v41+s15+$0x0], $0xffff;
	v57 =	vor.u32 $0x80, v31  }
0x1f3: {  	v60 =	vor.u32 $0x100, v36;
	v62 =	vor.u32 $0x100, v31;
	v40 =	vmax.f32 v52, v40;
	v52 =	vld.idx.msk [tilespmem:v16+s3+$0x0], $0xffff;
	v16 =	vmovc v53  }
0x1f4: {  	v53 =	vmul.f32 $2.000000030e-01, v48;
	v0 =	vadd.f32 v58, v0;
	v40 =	vmul.f32 $1.442695020e+00, v40;
	[tilespmem:v17+s20+$0x0] =	vst.idx.add.f32.msk $0xffff, v49;
	v17 =	vmovc v55  }
0x1f5: {  	v58 =	vor.u32 $0x180, v45;
	v49 =	vor.u32 $0x180, v44;
	v55 =	vor.u32 $0x180, v46;
	[tilespmem:v19+s20+$0x0] =	vst.idx.add.f32.msk $0xffff, v50;
	v19 =	vmovc v59  }
0x1f6: {  	v48 =	vmax.f32 v48, v53;
	v50 =	vmul.f32 $2.000000030e-01, v0;
	(erf) = vpow2.f32 v40;
	v40 =	vld.idx.msk [tilespmem:v22+s3+$0x0], $0xffff;
	v22 =	vmovc v54  }
0x1f7: {  	v53 =	vor.u32 $0x180, v42;
	v48 =	vmul.f32 $1.442695020e+00, v48;
	v54 =	vor.u32 $0x180, v36;
	v59 =	vld.idx.msk [tilespmem:v26+s3+$0x0], $0xffff;
	v26 =	vmovc v61  }
0x1f8: {  	v0 =	vmax.f32 v0, v50;
	v37 =	vadd.f32 v56, v37;
	v50 =	vor.u32 $0x180, v31;
	v56 =	vld.idx.msk [tilespmem:v7+s3+$0x0], $0xffff;
	v7 =	vmovc v27  }
0x1f9: {  	v0 =	vmul.f32 $1.442695020e+00, v0;
	v27 =	vmovc v55;
	(erf) = vpow2.f32 v48;
	v48 =	vld.idx.msk [tilespmem:v9+s3+$0x0], $0xffff;
	v9 =	vmovc v23;
	v23 =	vmov v58  }
0x1fa: {  	v52 =	vmul.f32 v30, v52;
	v55 =	vmul.f32 $2.000000030e-01, v37;
	v58 =	vshll.u32 v47, $0x2;
	[tilespmem:v10+s20+$0x0] =	vst.idx.add.f32.msk $0xffff, v43;
	v10 =	vmovc v24  }
0x1fb: {  	v43 =	vand.u32 $0x7F, v47;
	v47 =	vand.u32 $0xFFFFFE00, v58;
	v24 =	vmovc v53;
	(erf) = vpow2.f32 v0;
	[tilespmem:v5+s20+$0x0] =	vst.idx.add.f32.msk $0xffff, v32;
	v5 =	vmovc v8  }
0x1fc: {  	v0 =	vmax.f32 v37, v55;
	v37 =	vor.u32 v43, v47;
	[tilespmem:v29+s20+$0x0] =	vst.idx.add.f32.msk $0xffff, v52;
	v29 =	vmov v57  }
0x1fd: {  	v40 =	vmul.f32 v40, v1;
	v8 =	vmovc v15;
	v15 =	vmovc v54;
	v0 =	vmul.f32 $1.442695020e+00, v0;
	v43 =	vld.idx.msk [tilespmem:v28+s3+$0x0], $0xffff;
	v28 =	vmov v35  }
0x1fe: {  	v52 =	vmul.f32 v59, v13;
	v32 =	vmul.f32 v56, v2;
	[tilespmem:v4+s20+$0x0] =	vst.idx.add.f32.msk $0xffff, v11;
	v4 =	vmov v6  }
0x1ff: {  	v11 =	vmul.f32 v48, v3;
	(erf) = vpow2.f32 v0;
	v35 =	vpop (erf);
	[tilespmem:v21+s20+$0x0] =	vst.idx.add.f32.msk $0xffff, v40;
	v21 =	vmov v51  }
0x200: {  	v2 =	vmovc v13;
	v6 =	vmov v14;
	v14 =	vmov v50;
	v3 =	vmov v30;
	[tilespmem:v12+s19+$0x0] =	vst.idx.add.f32.msk $0xffff, v35  }
0x201: {  	v0 =	vld.idx.msk [tilespmem:v37+s3+$0x0], $0xffff  }
0x202: {  	v50 =	vshll.u32 v12, $0x2;
	v47 =	vpop (erf);
	[tilespmem:v18+s20+$0x0] =	vst.idx.add.f32.msk $0xffff, v52;
	v18 =	vmov v60  }
0x203: {  	v48 =	vand.u32 $0xFFFFFE00, v50;
	v12 =	vand.u32 $0x7F, v12;
	v30 =	vmul.f32 v43, v3;
	[tilespmem:v39+s19+$0x0] =	vst.idx.add.f32.msk $0xffff, v47  }
0x204: {  	v40 =	vor.u32 v12, v48;
	v39 =	vld.idx.msk [tilespmem:v44+s3+$0x0], $0xffff;
	v13 =	vpop (erf)  }
0x205: {  	v12 =	vor.u32 $0x80, v37;
	[tilespmem:v38+s19+$0x0] =	vst.idx.add.f32.msk $0xffff, v13  }
0x206: {  	v43 =	vld.idx.msk [tilespmem:v46+s3+$0x0], $0xffff  }
0x207: {  	v0 =	vmul.f32 v35, v0;
	[tilespmem:v20+s20+$0x0] =	vst.idx.add.f32.msk $0xffff, v30;
	v20 =	vmov v62  }
0x208: {  	v30 =	vpop (erf);
	v38 =	vld.idx.msk [tilespmem:v25+s3+$0x0], $0xffff;
	v25 =	vmov v49  }
.Ltmp2:
0x209: {  	[tilespmem:v40+s20+$0x0] =	vst.idx.add.f32.msk $0xffff, v0;
	(pc) =	sbr.rel @p0 .LBB2_7-.Ltmp2, $4  }
0x20a: {  	v0 =	vmul.f32 v47, v39;
	v44 =	vld.idx.msk [tilespmem:v12+s3+$0x0], $0xffff  }
0x20b: {  	[tilespmem:v41+s19+$0x0] =	vst.idx.add.f32.msk $0xffff, v30  }
0x20c: {  	v41 =	vmul.f32 v13, v43;
	v39 =	vld.idx.msk [tilespmem:v45+s3+$0x0], $0xffff  }
0x20d: {  	s28 =	sadd.s32 $0x80, s28;
	s29 =	sadd.s32 $0x40, s29;
	v12 =	vor.u32 $0x80, v40;
	[tilespmem:v42+s20+$0x0] =	vst.idx.add.f32.msk $0xffff, v0  }
0x20e: {  	_ =	sdelay $0x2  }
0x20f: {  	v0 =	vor.u32 $0x100, v37  }
0x210: {  	[tilespmem:v36+s20+$0x0] =	vst.idx.add.f32.msk $0xffff, v41  }
0x211: {  	v50 =	vld.idx.msk [tilespmem:v33+s3+$0x0], $0xffff;
	v42 =	vmul.f32 v35, v44  }
0x212: {  	v51 =	vld.idx.msk [tilespmem:v34+s3+$0x0], $0xffff  }
0x213: {  	[tilespmem:v12+s20+$0x0] =	vst.idx.add.f32.msk $0xffff, v42;
	v52 =	vmul.f32 v30, v39  }
0x214: {  	v0 =	vld.idx.msk [tilespmem:v0+s3+$0x0], $0xffff  }
0x215: {  	[tilespmem:v31+s20+$0x0] =	vst.idx.add.f32.msk $0xffff, v52  }
0x216: {  	v48 =	vor.u32 $0x100, v40;
	v12 =	vmul.f32 v47, v50;
	v16 =	vld.idx.msk [tilespmem:v16+s3+$0x0], $0xffff  }
0x217: {  	v49 =	vor.u32 $0x180, v37;
	v7 =	vld.idx.msk [tilespmem:v7+s3+$0x0], $0xffff;
	v54 =	vmul.f32 v13, v51  }
0x218: {  	[tilespmem:v17+s20+$0x0] =	vst.idx.add.f32.msk $0xffff, v12  }
0x219: {  	[tilespmem:v19+s20+$0x0] =	vst.idx.add.f32.msk $0xffff, v54;
	v0 =	vmul.f32 v0, v35  }
0x21a: {  	v57 =	vld.idx.msk [tilespmem:v26+s3+$0x0], $0xffff  }
0x21b: {  	v56 =	vmul.f32 v30, v16;
	[tilespmem:v48+s20+$0x0] =	vst.idx.add.f32.msk $0xffff, v0  }
0x21c: {  	v0 =	vld.idx.msk [tilespmem:v49+s3+$0x0], $0xffff  }
0x21d: {  	[tilespmem:v29+s20+$0x0] =	vst.idx.add.f32.msk $0xffff, v56  }
0x21e: {  	v12 =	vld.idx.msk [tilespmem:v28+s3+$0x0], $0xffff  }
0x21f: {  	v53 =	vor.u32 $0x180, v40;
	v55 =	vld.idx.msk [tilespmem:v22+s3+$0x0], $0xffff  }
0x220: {  	v9 =	vld.idx.msk [tilespmem:v9+s3+$0x0], $0xffff;
	v58 =	vmul.f32 v57, v13  }
0x221: {  	[tilespmem:v5+s20+$0x0] =	vst.idx.add.f32.msk $0xffff, v32  }
0x222: {  	[tilespmem:v18+s20+$0x0] =	vst.idx.add.f32.msk $0xffff, v58;
	v0 =	vmul.f32 v0, v35  }
0x223: {  	v61 =	vld.idx.msk [tilespmem:v27+s3+$0x0], $0xffff;
	v59 =	vmul.f32 v12, v30  }
0x224: {  	[tilespmem:v53+s20+$0x0] =	vst.idx.add.f32.msk $0xffff, v0;
	v0 =	vmul.f32 v55, v47  }
0x225: {  	[tilespmem:v20+s20+$0x0] =	vst.idx.add.f32.msk $0xffff, v59  }
0x226: {  	[tilespmem:v21+s20+$0x0] =	vst.idx.add.f32.msk $0xffff, v0  }
0x227: {  	v62 =	vld.idx.msk [tilespmem:v23+s3+$0x0], $0xffff  }
0x228: {  	v1 =	vmul.f32 v38, v1;
	v60 =	vld.idx.msk [tilespmem:v25+s3+$0x0], $0xffff  }
0x229: {  	[tilespmem:v4+s20+$0x0] =	vst.idx.add.f32.msk $0xffff, v11;
	v2 =	vmul.f32 v7, v2  }
0x22a: {  	s24 =	sadd.s32 $0x1, s24;
	[tilespmem:v10+s20+$0x0] =	vst.idx.add.f32.msk $0xffff, v1;
	v3 =	vmul.f32 v9, v3  }
0x22b: {  	p0 =	sne.s32 s24, $0x32;
	[tilespmem:v8+s20+$0x0] =	vst.idx.add.f32.msk $0xffff, v2;
	v0 =	vmul.f32 v61, v13  }
.Ltmp3:
0x22c: {  	s0 =	smin.u32 s25, $0x4B000;
	[tilespmem:v6+s20+$0x0] =	vst.idx.add.f32.msk $0xffff, v3;
	v1 =	vmul.f32 v62, v30;
	(pc) =	sbr.rel @p0 .LBB2_4-.Ltmp3, $4  }
0x22d: {  	s0 =	sshrl.u32 s0, $0x2;
	[tilespmem:v15+s20+$0x0] =	vst.idx.add.f32.msk $0xffff, v0;
	v63 =	vmul.f32 v60, v47  }
0x22e: {  	s0 =	sadd.s32 s2, s0;
	[tilespmem:v14+s20+$0x0] =	vst.idx.add.f32.msk $0xffff, v1  }
0x22f: {  	s0 =	sadd.s32 $0x960, s0;
	[tilespmem:v24+s20+$0x0] =	vst.idx.add.f32.msk $0xffff, v63  }
0x230: {  	[tilespmem:s12], [sflag:$0x2] =	stream.linear.gather [hbm4b:s0+s3], $0x1900, $0x38;
	[tilespmem:$0x1E480] =	vst v63  }
0x231: {  	_ =	swait.ge [sflag:s16], $0x1900  }
0x232: {  	[sflag:s16] =	ssyncset.done $0x0  }
0x233: {  	s0 =	simm.s32 $0x0;
	[sflag:s16] =	ssyncadd.s32 $0xFFFFE700  }
0x234: {  	s1 =	sand.u32 $0x3F80, s0;
	s4 =	sand.u32 $0x40, s0;
	_ =	swait.ge [sflag:s21], $0x1900  }
0x235: {  	s1 =	sadd.s32 $0x18B00, s1;
	s5 =	sor.u32 $0x30, s4;
	[sflag:s21] =	ssyncset.done $0x0  }
0x236: {  	s6 =	sor.u32 s5, s1;
	[sflag:s21] =	ssyncadd.s32 $0xFFFFE700  }
0x237: {  	v0 =	vld [tilespmem:s6+$0x0];
	_ =	sdelay $0x2  }
0x238: {  	s11 =	sor.u32 $0x10, s4  }
0x239: {  	s8 =	sor.u32 $0x20, s4;
	s7 =	sor.u32 s11, s1  }
0x23a: {  	s1 =	sor.u32 s8, s1;
	v1 =	vld [tilespmem:s7+$0x0];
	v0 =	vadd.f32 $9.999999710e-10, v0  }
0x23b: {  	v2 =	vld [tilespmem:s1+$0x0]  }
0x23c: {  	(erf) = vrcp.f32 v0;
	_ =	sdelay $0x1  }
0x23d: {  	s12 =	simm.s32 $0x0;
	s0 =	sand.u32 $0xFE00, s0  }
0x23e: {  	s13 =	sadd.s32 $0x9E00, s0;
	v0 =	vadd.f32 $9.999999710e-10, v1;
	v1 =	vld [tilespmem:s12+$0x18B00]  }
0x23f: {  	s5 =	sor.u32 s5, s13;
	v2 =	vadd.f32 $9.999999710e-10, v2  }
0x240: {  	v3 =	vld [tilespmem:s5+$0x80];
	(erf) = vrcp.f32 v0  }
0x241: {  	(erf) = vrcp.f32 v2;
	_ =	sdelay $0x1  }
0x242: {  	v1 =	vadd.f32 $9.999999710e-10, v1  }
0x243: {  	s6 =	sor.u32 s11, s13;
	v0 =	vld [tilespmem:s5+$0x0];
	v5 =	vpop (erf)  }
0x244: {  	s17 =	sor.u32 s8, s13;
	v2 =	vld [tilespmem:s6+$0x0];
	(erf) = vrcp.f32 v1;
	v1 =	vmul.f32 v3, v5  }
0x245: {  	v3 =	vld [tilespmem:s17+$0x0];
	_ =	sdelay $0x1  }
0x246: {  	p0 =	por $0x0, $0x0;
	s0 =	simm.s32 $0x1  }
0x247: {  	s9 =	simm.s32 $0x40;
	s0 =	simm.s32 @!p0 $0x0;
	s1 =	sor.u32 s4, s13;
	v4 =	vld [tilespmem:s6+$0x80];
	[tilespmem:s5+$0x80] =	vst v1;
	v1 =	vpop (erf)  }
0x248: {  	s25 =	sand.u32 $0x3F80, s9;
	s9 =	sand.u32 $0x40, s9;
	s0 =	sshll.u32 s0, $0x6;
	v7 =	vld [tilespmem:s1+$0x0];
	v0 =	vmul.f32 v5, v0;
	v8 =	vmul.f32 v1, v2;
	v2 =	vpop (erf)  }
0x249: {  	s10 =	sor.u32 $0x30, s9;
	s0 =	sadd.s32 $0x0, s0;
	s4 =	sadd.s32 $0x18B00, s25;
	v9 =	vld [tilespmem:s1+$0x80];
	v3 =	vmul.f32 v2, v3  }
0x24a: {  	s18 =	sadd.s32 $0x30, s0;
	s13 =	sor.u32 s10, s4;
	[tilespmem:s5+$0x0] =	vst v0;
	v0 =	vld [tilespmem:s17+$0x80]  }
0x24b: {  	s11 =	sor.u32 $0x10, s9;
	s22 =	sor.u32 $0x100, s18;
	v10 =	vld [tilespmem:s13+$0x0]  }
0x24c: {  	s26 =	sor.u32 s11, s4;
	s12 =	sor.u32 $0x20, s9;
	v6 =	vld [tilespmem:s22+$0x9E00];
	v4 =	vmul.f32 v4, v1;
	[tilespmem:s6+$0x0] =	vst v8  }
0x24d: {  	s4 =	sor.u32 s12, s4;
	v8 =	vld [tilespmem:s26+$0x0];
	[tilespmem:s17+$0x0] =	vst v3;
	v3 =	vpop (erf)  }
0x24e: {  	[tilespmem:s6+$0x80] =	vst v4;
	v4 =	vld [tilespmem:s4+$0x0];
	v9 =	vmul.f32 v9, v3  }
0x24f: {  	s23 =	sadd.s32 $0x10, s0;
	v0 =	vmul.f32 v0, v2  }
0x250: {  	s24 =	sadd.s32 $0x20, s0;
	s6 =	sor.u32 $0x100, s23;
	[tilespmem:s1+$0x80] =	vst v9;
	v9 =	vadd.f32 $9.999999710e-10, v10  }
0x251: {  	s4 =	sor.u32 $0x100, s24;
	s26 =	simm.s32 $0x100;
	v6 =	vmul.f32 v6, v5;
	v11 =	vld [tilespmem:s6+$0x9E00];
	[tilespmem:s17+$0x80] =	vst v0  }
0x252: {  	s30 =	sor.u32 $0x180, s18;
	s18 =	sand.u32 $0xFE00, s26;
	s17 =	simm.s32 $0x40;
	v0 =	vmul.f32 v3, v7;
	v7 =	vld [tilespmem:s4+$0x9E00];
	v10 =	vadd.f32 $9.999999710e-10, v8;
	(erf) = vrcp.f32 v9  }
0x253: {  	[tilespmem:s22+$0x9E00] =	vst v6;
	v12 =	vld [tilespmem:s17+$0x18B00];
	s22 =	sadd.s32 $0x9E00, s18;
	v13 =	vadd.f32 $9.999999710e-10, v4  }
0x254: {  	s29 =	sor.u32 s9, s22;
	[tilespmem:s1+$0x0] =	vst v0;
	v0 =	vld [tilespmem:s30+$0x9E00];
	(erf) = vrcp.f32 v10  }
0x255: {  	s28 =	sor.u32 $0x100, s0;
	v4 =	vld [tilespmem:s29+$0x0];
	(erf) = vrcp.f32 v13  }
0x256: {  	s13 =	sor.u32 s10, s22;
	v11 =	vmul.f32 v11, v1;
	v6 =	vld [tilespmem:s28+$0x9E00]  }
0x257: {  	s31 =	simm.s32 $0x4;
	p0 =	por !p0, !p0;
	v8 =	vld [tilespmem:s13+$0x0];
	v7 =	vmul.f32 v7, v2  }
0x258: {  	s25 =	sor.u32 $0x180, s23;
	s24 =	sor.u32 $0x180, s24;
	s23 =	sor.u32 $0x180, s0;
	v9 =	vld [tilespmem:s13+$0x80];
	[tilespmem:s6+$0x9E00] =	vst v11  }
0x259: {  	s0 =	simm.s32 $0x80;
	s10 =	sor.u32 s11, s22;
	s1 =	sor.u32 s12, s22;
	v10 =	vadd.f32 $9.999999710e-10, v12;
	[tilespmem:s4+$0x9E00] =	vst v7;
	v7 =	vmul.f32 v0, v5;
	v5 =	vld [tilespmem:s29+$0x80]  }
.LBB2_10:
0x25a: {  	s6 =	simm.s32 $0x1  }
0x25b: {  	s4 =	sand.u32 $0x3F80, s0;
	v0 =	vld [tilespmem:s10+$0x0];
	v11 =	vpop (erf);
	v6 =	vmul.f32 v6, v3;
	[tilespmem:s30+$0x9E00] =	vst v7;
	s6 =	simm.s32 @!p0 $0x0  }
0x25c: {  	s5 =	sand.u32 $0x40, s0;
	s4 =	sadd.s32 $0x18B00, s4;
	v8 =	vmul.f32 v11, v8;
	s7 =	sshll.u32 s6, $0x6;
	v7 =	vld [tilespmem:s10+$0x80];
	(erf) = vrcp.f32 v10  }
0x25d: {  	s31 =	sadd.s32 $0x4, s31;
	s6 =	sor.u32 $0x30, s5;
	v9 =	vmul.f32 v9, v11;
	s8 =	sadd.s32 s7, s26;
	v10 =	vld [tilespmem:s1+$0x0];
	v12 =	vpop (erf);
	[tilespmem:s28+$0x9E00] =	vst v6  }
0x25e: {  	p1 =	slt.u32 s31, $0x26C;
	s11 =	sor.u32 s6, s4;
	v6 =	vld [tilespmem:s1+$0x80];
	[tilespmem:s13+$0x0] =	vst v8;
	s12 =	sadd.s32 $0x30, s8;
	v13 =	vpop (erf)  }
0x25f: {  	s9 =	sor.u32 $0x10, s5;
	s7 =	sor.u32 $0x20, s5;
	v8 =	vld [tilespmem:s11+$0x0];
	[tilespmem:s13+$0x80] =	vst v9;
	s11 =	sor.u32 $0x100, s12  }
0x260: {  	s30 =	sadd.s32 $0x10, s8;
	s13 =	sor.u32 s9, s4;
	s4 =	sor.u32 s7, s4;
	v0 =	vmul.f32 v12, v0;
	v9 =	vld [tilespmem:s11+$0x9E00]  }
0x261: {  	s28 =	sor.u32 $0x100, s8;
	s22 =	sor.u32 $0x100, s30;
	v14 =	vld [tilespmem:s13+$0x0];
	v7 =	vmul.f32 v7, v12;
	s13 =	sadd.s32 $0x20, s8  }
0x262: {  	s17 =	sor.u32 $0x180, s30;
	v15 =	vld [tilespmem:s4+$0x0];
	[tilespmem:s10+$0x0] =	vst v0;
	v0 =	vmul.f32 v13, v10;
	s4 =	sor.u32 $0x100, s13;
	s18 =	sor.u32 $0x180, s13  }
0x263: {  	s8 =	sor.u32 $0x180, s8;
	[tilespmem:s10+$0x80] =	vst v7;
	v6 =	vmul.f32 v6, v13;
	v7 =	vld [tilespmem:s25+$0x9E00]  }
0x264: {  	v8 =	vadd.f32 $9.999999710e-10, v8;
	v10 =	vld [tilespmem:s22+$0x9E00];
	[tilespmem:s1+$0x0] =	vst v0  }
0x265: {  	[tilespmem:s1+$0x80] =	vst v6;
	v0 =	vmul.f32 v9, v11;
	v16 =	vpop (erf);
	v9 =	vld [tilespmem:s24+$0x9E00]  }
0x266: {  	v6 =	vadd.f32 $9.999999710e-10, v14;
	(erf) = vrcp.f32 v8;
	v4 =	vmul.f32 v16, v4;
	v14 =	vld [tilespmem:s4+$0x9E00]  }
0x267: {  	s26 =	sadd.s32 $0x100, s26;
	s30 =	sor.u32 $0x180, s12;
	v5 =	vmul.f32 v5, v16;
	v8 =	vadd.f32 $9.999999710e-10, v15;
	[tilespmem:s11+$0x9E00] =	vst v0;
	v0 =	vld [tilespmem:s23+$0x9E00]  }
0x268: {  	s10 =	sand.u32 $0xFE00, s26;
	s1 =	sshra.s32 s26, $0x2;
	(erf) = vrcp.f32 v6;
	[tilespmem:s29+$0x0] =	vst v4;
	v15 =	vld [tilespmem:s30+$0x9E00];
	v4 =	vmul.f32 v7, v1;
	v1 =	vmov v12  }
0x269: {  	v12 =	vld [tilespmem:s1+$0x18B00];
	s1 =	sadd.s32 $0x9E00, s10  }
0x26a: {  	(erf) = vrcp.f32 v8;
	[tilespmem:s29+$0x80] =	vst v5;
	v5 =	vmul.f32 v10, v1;
	s29 =	sor.u32 s5, s1  }
.Ltmp4:
0x26b: {  	s10 =	sor.u32 s9, s1;
	s13 =	sor.u32 s6, s1;
	v6 =	vld [tilespmem:s28+$0x9E00];
	[tilespmem:s25+$0x9E00] =	vst v4;
	v4 =	vmul.f32 v9, v2;
	(pc) =	sbr.rel @p1 .LBB2_10-.Ltmp4, $4  }
0x26c: {  	s1 =	sor.u32 s7, s1;
	v2 =	vmov v13;
	s25 =	smov.u32 s17;
	v8 =	vld [tilespmem:s13+$0x0];
	[tilespmem:s22+$0x9E00] =	vst v5;
	v5 =	vmul.f32 v14, v13  }
0x26d: {  	v9 =	vld [tilespmem:s13+$0x80];
	v0 =	vmul.f32 v0, v3;
	[tilespmem:s24+$0x9E00] =	vst v4;
	v3 =	vmov v16;
	s24 =	smov.u32 s18  }
0x26e: {  	v4 =	vld [tilespmem:s29+$0x0];
	[tilespmem:s4+$0x9E00] =	vst v5;
	v7 =	vmul.f32 v15, v11  }
0x26f: {  	s0 =	sadd.s32 $0x40, s0;
	p0 =	por !p0, !p0;
	v10 =	vadd.f32 $9.999999710e-10, v12;
	v5 =	vld [tilespmem:s29+$0x80];
	[tilespmem:s23+$0x9E00] =	vst v0;
	s23 =	smov.u32 s8  }
0x270: {  	_ = 	snop  }
0x271: {  	(erf) = vrcp.f32 v10  }
0x272: {  	v0 =	vld [tilespmem:s10+$0x0]  }
0x273: {  	v50 =	vld [tilespmem:s10+$0x80]  }
0x274: {  	v11 =	vpop (erf);
	v12 =	vld [tilespmem:s1+$0x0]  }
0x275: {  	v13 =	vld [tilespmem:s1+$0x80];
	v8 =	vmul.f32 v11, v8  }
0x276: {  	s0 =	simm.s32 $0x1;
	v14 =	vpop (erf);
	v9 =	vmul.f32 v9, v11  }
0x277: {  	s0 =	simm.s32 @!p0 $0x0;
	[tilespmem:s13+$0x0] =	vst v8;
	v0 =	vmul.f32 v14, v0  }
0x278: {  	s0 =	sshll.u32 s0, $0x6;
	v51 =	vpop (erf);
	[tilespmem:s13+$0x80] =	vst v9;
	v52 =	vmul.f32 v50, v14  }
0x279: {  	s0 =	sadd.s32 s0, s26;
	[tilespmem:s10+$0x0] =	vst v0;
	v0 =	vmul.f32 v51, v12  }
0x27a: {  	s4 =	sadd.s32 $0x30, s0;
	v53 =	vmul.f32 v13, v51;
	[tilespmem:s10+$0x80] =	vst v52;
	v54 =	vpop (erf)  }
0x27b: {  	s6 =	sadd.s32 $0x10, s0;
	s5 =	sor.u32 $0x100, s4;
	[tilespmem:s1+$0x0] =	vst v0;
	v0 =	vmul.f32 v54, v4  }
0x27c: {  	s8 =	sadd.s32 $0x20, s0;
	s7 =	sor.u32 $0x100, s6;
	v55 =	vld [tilespmem:s5+$0x9E00];
	[tilespmem:s1+$0x80] =	vst v53;
	v5 =	vmul.f32 v5, v54  }
0x27d: {  	s26 =	sor.u32 $0x100, s8;
	v56 =	vld [tilespmem:s7+$0x9E00];
	[tilespmem:s29+$0x0] =	vst v0  }
0x27e: {  	s9 =	sor.u32 $0x100, s0;
	v0 =	vld [tilespmem:s26+$0x9E00];
	[tilespmem:s29+$0x80] =	vst v5  }
0x27f: {  	v5 =	vld [tilespmem:s9+$0x9E00]  }
0x280: {  	v6 =	vmul.f32 v6, v3  }
0x281: {  	v57 =	vld [tilespmem:s25+$0x9E00];
	v4 =	vmul.f32 v55, v11  }
0x282: {  	v58 =	vld [tilespmem:s24+$0x9E00];
	[tilespmem:s28+$0x9E00] =	vst v6;
	v9 =	vmul.f32 v56, v14  }
0x283: {  	v59 =	vld [tilespmem:s23+$0x9E00];
	s4 =	sor.u32 $0x180, s4;
	[tilespmem:s5+$0x9E00] =	vst v4;
	v0 =	vmul.f32 v0, v51  }
0x284: {  	s28 =	sor.u32 $0x180, s6;
	v60 =	vld [tilespmem:s4+$0x9E00];
	[tilespmem:s7+$0x9E00] =	vst v9;
	v5 =	vmul.f32 v5, v54  }
0x285: {  	s29 =	sor.u32 $0x180, s8;
	[tilespmem:s26+$0x9E00] =	vst v0;
	v0 =	vld [tilespmem:s28+$0x9E00]  }
0x286: {  	s0 =	sor.u32 $0x180, s0;
	v1 =	vmul.f32 v57, v1;
	[tilespmem:s9+$0x9E00] =	vst v5;
	v61 =	vld [tilespmem:s29+$0x9E00]  }
0x287: {  	[tilespmem:s30+$0x9E00] =	vst v7;
	v2 =	vmul.f32 v58, v2;
	v62 =	vld [tilespmem:s0+$0x9E00]  }
0x288: {  	[tilespmem:s25+$0x9E00] =	vst v1;
	v1 =	vmul.f32 v59, v3  }
0x289: {  	[tilespmem:s24+$0x9E00] =	vst v2;
	v2 =	vmul.f32 v60, v11  }
0x28a: {  	[tilespmem:s23+$0x9E00] =	vst v1;
	v0 =	vmul.f32 v0, v14  }
0x28b: {  	[tilespmem:s4+$0x9E00] =	vst v2;
	v1 =	vmul.f32 v61, v51  }
0x28c: {  	[tilespmem:s28+$0x9E00] =	vst v0;
	v0 =	vmul.f32 v62, v54  }
0x28d: {  	[tilespmem:s29+$0x9E00] =	vst v1  }
0x28e: {  	[tilespmem:s0+$0x9E00] =	vst v0  }
0x28f: {  	v0 =	vld [tilespmem:$0x1B200];
	_ =	sdelay $0x4  }
0x290: {  	v0 =	vadd.f32 $9.999999710e-10, v0;
	_ =	sdelay $0x1  }
0x291: {  	(erf) = vrcp.f32 v0;
	_ =	sdelay $0x4  }
0x292: {  	v0 =	vld [tilespmem:$0x13A00]  }
0x293: {  	v1 =	vld [tilespmem:$0x13A80]  }
0x294: {  	v2 =	vld [tilespmem:$0x13B00]  }
0x295: {  	v3 =	vld [tilespmem:$0x13B80]  }
0x296: {  	v63 =	vpop (erf)  }
0x297: {  	v0 =	vmul.f32 v63, v0  }
0x298: {  	v1 =	vmul.f32 v1, v63  }
0x299: {  	[tilespmem:$0x13A00] =	vst v0;
	v0 =	vmul.f32 v2, v63  }
0x29a: {  	[tilespmem:$0x13A80] =	vst v1;
	v1 =	vmul.f32 v3, v63  }
0x29b: {  	s1 =	simm.s32 $0x200;
	[tilespmem:$0x13B00] =	vst v0  }
0x29c: {  	s5 =	simm.s32 $0x3;
	s4 =	simm.s32 $0x400;
	s0 =	rddreg [dreg:$0x8];
	[tilespmem:$0x13B80] =	vst v1  }
0x29d: {  	[hbm4b:s0+s1] =	stream.strided.scatter [tilespmem:s20], [sflag:$0x3], $0x9E00, s4, s1, $0x38;
	[tilespmem:$0x1E480] =	vst v63  }
0x29e: {  	_ =	swait.ge [sflag:s5], $0x9E00  }
0x29f: {  	s30 =	rddreg [dreg:$0xa]  }
0x2a0: {  	s31 =	rddreg [dreg:$0x9];
	s6 =	sadd.s32 $0x1, s30  }
0x2a1: {  	p0 =	sne.s32 s6, s31  }
.Ltmp5:
0x2a2: {  	_ = 	snop;
	(pc) =	sbr.rel @p0 .LBB2_1-.Ltmp5, $3  }
0x2a3: {  	_ =	sdelay $0x1  }
0x2a4: {  	[sflag:s5] =	ssyncset.done $0x0  }
0x2a5: {  	s11 =	simm.s32 $0x1B280;
	s12 =	simm.s32 $0x1CB80;
	v0 =	vimm.f32 $0.0e+00;
	[sflag:s5] =	ssyncadd.s32 $0xFFFF6200  }
0x2a6: {  	_ =	sfence.sel $0x180000  }
0x2a7: {  	[bflag:$0x0] =	sbarrier.arrive $0xFFFF  }
0x2a8: {  	_ =	strace $0x90000047  }
0x2a9: {  	s0 =	stileid.u32;
	[bflag:$0x2] =	sbarrier.arrive $0xFFFF  }
0x2aa: {  	p0 =	sne.s32 s0, $0x0;
	s0 =	rddreg [dreg:$0x3]  }
0x2ab: {  	s0 =	sadd.s32 @!p0 $0x100000, s0  }
0x2ac: {  	[sflag:s0] =	ssyncadd.tile.s32 @!p0 $0x1;
	_ =	shalt  }
.Lfunc_end2:
_tile_overlayer_lowered:
.L_overlay_start_2:
0x2ad: {  	(tag) =	ssettag $0x2  }
0x2ae: {  	s0 =	rddreg [dreg:$0x0];
	s2 =	stileid.u32  }
0x2af: {  	s1 =	rddreg [dreg:$0x1];
	p0 =	sne.s32 s2, $0x0  }
0x2b0: {  	s3 =	rddreg [dreg:$0x2];
	[bflag:$0x3] =	sbarrier.arrive $0xFFFF;
	s2 =	simm.s32 @!p0 $0x1C03  }
0x2b1: {  	[timem:s3], [sflag:s2] =	dma.local @!p0 [hbm:s0], s1  }
0x2b2: {  	s0 =	simm.s32 @!p0 $0x3  }
0x2b3: {  	_ =	swait.ge @!p0 [sflag:s0], s1  }
0x2b4: {  	s1 =	ssub.s32 @!p0 $0x0, s1;
	[sflag:s0] =	ssyncset.done @!p0 $0x0  }
0x2b5: {  	[sflag:s0] =	ssyncadd.s32 @!p0 s1  }
0x2b6: {  	[bflag:$0x3] =	sbarrier.arrive $0xFFFF  }
0x2b7: {  	_ =	shalt  }

</sc_bundles>
